<compile_context>
chip_gen: v7x
topology: tpu7x:2x2x1
jax: 0.10.2.dev20260603
libtpu: 0.0.44.dev20260713+nightly
codegen_flags: <defaults>
</compile_context>

<pallas_src>
import functools

import jax
import jax.numpy as jnp
from jax import lax
from jax.experimental import pallas as pl
from jax.experimental.pallas import tpu as pltpu
from jax.experimental.pallas import tpu_sc as plsc

NC, NS = 2, 16
NW = NC * NS
BATCH = 16384
BPW = BATCH // NW
NG = BPW // 16
NVIEWS = 1000000

_MESH = plsc.VectorSubcoreMesh(
    core_axis_name="c", subcore_axis_name="s",
    num_cores=NC, num_subcores=NS,
)


@functools.partial(
    pl.kernel,
    out_type=jax.ShapeDtypeStruct((3, BATCH), jnp.float32),
    mesh=_MESH,
    scratch_types=[
        pltpu.VMEM((BPW,), jnp.int32),
        pltpu.VMEM((3, BPW), jnp.float32),
        pltpu.SemaphoreType.DMA,
    ],
    compiler_params=pltpu.CompilerParams(needs_layout_passes=False),
)
def _gather_sc(vt_hbm, idx_hbm, out_hbm, idx_v, colsT, sem):
    wid = lax.axis_index("s") * NC + lax.axis_index("c")
    pltpu.sync_copy(idx_hbm.at[pl.ds(wid * BPW, BPW)], idx_v)
    copies = []
    for t in range(NG):
        v = idx_v[pl.ds(t * 16, 16)]
        for c in range(3):
            copies.append(
                pltpu.async_copy(vt_hbm.at[v + (c * NVIEWS)],
                                 colsT.at[c, pl.ds(t * 16, 16)], sem)
            )
    for cp in copies:
        cp.wait()
    pltpu.sync_copy(colsT, out_hbm.at[:, pl.ds(wid * BPW, BPW)])


def kernel(view_correction, index):
    out = _gather_sc(view_correction.T.reshape(3 * NVIEWS), index)
    return out.T

# --- scband reference (transcript-rebuilt; emitter-appended) ---
"""Pipeline reference for scband-corrector-30477087932497 (READ-ONLY COPY).

The authoritative reference and input builder live on the scoring server;
editing this copy changes nothing except your own understanding.
"""

import jax, jax.numpy as jnp
import numpy as np

NUM_VIEWS = 1000000  # module.init(num_views) sizes the view_correction table
BATCH = 16384


def setup_inputs(seed: int = 0) -> dict:
    key = jax.random.key(seed)
    k1, k2 = jax.random.split(key)
    # Learned parameter: view_correction table [num_views, 3].
    # Original init is ones((num_views, 3)); use randn for a non-degenerate gather payload.
    view_correction = jax.random.normal(k1, (NUM_VIEWS, 3), dtype=jnp.float32)
    index = jax.random.randint(k2, (BATCH,), 0, NUM_VIEWS, dtype=jnp.int32)
    return {"view_correction": view_correction, "index": index}


def reference(view_correction, index):
    # Faithful translation of Corrector.__getitem__: records the index and
    # returns the gathered per-view correction rows view_correction[index].
    # This is the memory-bound sparse gather that feeds the sparse Adam step.
    return jnp.take(view_correction, index, axis=0)

if __name__ == "__main__":
    import jax
    _d = setup_inputs()
    print(jax.jit(kernel)(*tuple(_d.values())))

</pallas_src>

<mosaic_0001>
#map = affine_map<(d0, d1) -> (0)>
#map1 = affine_map<(d0, d1) -> (0, 0)>
module attributes {stable_mosaic.version = 14 : i64} {
  func.func @_gather_sc(%arg0: i32, %arg1: i32, %arg2: memref<3000000xf32, #tpu.memory_space<hbm>>, %arg3: memref<16384xi32, #tpu.memory_space<hbm>>, %arg4: memref<3x16384xf32, #tpu.memory_space<hbm>>, %arg5: memref<512xi32, #tpu.memory_space<vmem>>, %arg6: memref<3x512xf32, #tpu.memory_space<vmem>>, %arg7: memref<!tpu.dma_semaphore, #tpu.memory_space<semaphore_mem>>) attributes {dimension_semantics = [#tpu.dimension_semantics<core_parallel>, #tpu.dimension_semantics<subcore_parallel>], iteration_bounds = array<i64: 2, 16>, scalar_prefetch = 0 : i64, scratch_operands = 3 : i64, tpu.core_type = #tpu.core_type<sc_vector_subcore>, window_params = [{transform_indices = #map}, {transform_indices = #map}, {transform_indices = #map1}]} {
    %mul3A = arith.constant 2 : i32
    %mul3A_0 = arith.muli %arg1, %mul3A : i32
    %add3A = arith.addi %mul3A_0, %arg0 : i32
    %mul3A_1 = arith.constant 512 : i32
    %mul3A_2 = arith.muli %add3A, %mul3A_1 : i32
    "tpu.region"() ({
      %run_scoped3A = tpu.sem_alloc : memref<!tpu.dma_semaphore, #tpu.memory_space<semaphore_mem>>
      %dma_start3A_1506 = tpu.memref_slice %arg3[%mul3A_2] : memref<16384xi32, #tpu.memory_space<hbm>> -> memref<512xi32, #tpu.memory_space<hbm>>
      %dma_start3A_1507 = tpu.memref_slice %arg3[%mul3A_2] : memref<16384xi32, #tpu.memory_space<hbm>> -> memref<512xi32, #tpu.memory_space<hbm>>
      tpu.enqueue_dma source(%dma_start3A_1507 : memref<512xi32, #tpu.memory_space<hbm>>) target(%arg5 : memref<512xi32, #tpu.memory_space<vmem>>) target_semaphore(%run_scoped3A : memref<!tpu.dma_semaphore, #tpu.memory_space<semaphore_mem>>)
      %dma_wait3A_1508 = tpu.memref_slice %arg3[%mul3A_2] : memref<16384xi32, #tpu.memory_space<hbm>> -> memref<512xi32, #tpu.memory_space<hbm>>
      %dma_wait3A_1509 = tpu.memref_slice %arg3[%mul3A_2] : memref<16384xi32, #tpu.memory_space<hbm>> -> memref<512xi32, #tpu.memory_space<hbm>>
      tpu.wait_dma2 semaphore(%run_scoped3A : memref<!tpu.dma_semaphore, #tpu.memory_space<semaphore_mem>>) src(%dma_wait3A_1509 : memref<512xi32, #tpu.memory_space<hbm>>) dst(%arg5 : memref<512xi32, #tpu.memory_space<vmem>>)
      tpu.yield
    }) : () -> ()
    %get3A = arith.constant 0 : index
    %get3A_3 = tpu.vector_load %arg5[%get3A] {strides = array<i32>} : memref<512xi32, #tpu.memory_space<vmem>>, vector<16xi32>,
    %add3A_4 = arith.constant 0 : i32
    %add3A_5 = vector.broadcast %add3A_4 : i32 to vector<16xi32>
    %add3A_6 = arith.addi %get3A_3, %add3A_5 : vector<16xi32>
    %dma_start3A = arith.constant 0 : i32
    %dma_start3A_7 = arith.constant 0 : i32
    %dma_start3A_8 = tpu.memref_slice %arg6[%dma_start3A, %dma_start3A_7] : memref<3x512xf32, #tpu.memory_space<vmem>> -> memref<1x16xf32, #tpu.memory_space<vmem>>
    %dma_start3A_9 = tpu.memref_squeeze %dma_start3A_8 : memref<1x16xf32, #tpu.memory_space<vmem>> -> memref<16xf32, #tpu.memory_space<vmem>>
    %dma_start3A_10 = arith.constant 0 : i32
    %dma_start3A_11 = tpu.memref_slice %arg2[%dma_start3A_10] : memref<3000000xf32, #tpu.memory_space<hbm>> -> memref<3000000xf32, #tpu.memory_space<hbm>>
    tpu.enqueue_indirect_dma source(%dma_start3A_11 : memref<3000000xf32, #tpu.memory_space<hbm>>) target(%dma_start3A_9 : memref<16xf32, #tpu.memory_space<vmem>>) offsets(%add3A_6 : vector<16xi32>) semaphore(%arg7 : memref<!tpu.dma_semaphore, #tpu.memory_space<semaphore_mem>>)
    %add3A_12 = arith.constant 1000000 : i32
    %add3A_13 = vector.broadcast %add3A_12 : i32 to vector<16xi32>
    %add3A_14 = arith.addi %get3A_3, %add3A_13 : vector<16xi32>
    %dma_start3A_15 = arith.constant 1 : i32
    %dma_start3A_16 = arith.constant 0 : i32
    %dma_start3A_17 = tpu.memref_slice %arg6[%dma_start3A_15, %dma_start3A_16] : memref<3x512xf32, #tpu.memory_space<vmem>> -> memref<1x16xf32, #tpu.memory_space<vmem>>
    %dma_start3A_18 = tpu.memref_squeeze %dma_start3A_17 : memref<1x16xf32, #tpu.memory_space<vmem>> -> memref<16xf32, #tpu.memory_space<vmem>>
    %dma_start3A_19 = arith.constant 0 : i32
    %dma_start3A_20 = tpu.memref_slice %arg2[%dma_start3A_19] : memref<3000000xf32, #tpu.memory_space<hbm>> -> memref<3000000xf32, #tpu.memory_space<hbm>>
    tpu.enqueue_indirect_dma source(%dma_start3A_20 : memref<3000000xf32, #tpu.memory_space<hbm>>) target(%dma_start3A_18 : memref<16xf32, #tpu.memory_space<vmem>>) offsets(%add3A_14 : vector<16xi32>) semaphore(%arg7 : memref<!tpu.dma_semaphore, #tpu.memory_space<semaphore_mem>>)
    %add3A_21 = arith.constant 2000000 : i32
    %add3A_22 = vector.broadcast %add3A_21 : i32 to vector<16xi32>
    %add3A_23 = arith.addi %get3A_3, %add3A_22 : vector<16xi32>
    %dma_start3A_24 = arith.constant 2 : i32
    %dma_start3A_25 = arith.constant 0 : i32
    %dma_start3A_26 = tpu.memref_slice %arg6[%dma_start3A_24, %dma_start3A_25] : memref<3x512xf32, #tpu.memory_space<vmem>> -> memref<1x16xf32, #tpu.memory_space<vmem>>
    %dma_start3A_27 = tpu.memref_squeeze %dma_start3A_26 : memref<1x16xf32, #tpu.memory_space<vmem>> -> memref<16xf32, #tpu.memory_space<vmem>>
    %dma_start3A_28 = arith.constant 0 : i32
    %dma_start3A_29 = tpu.memref_slice %arg2[%dma_start3A_28] : memref<3000000xf32, #tpu.memory_space<hbm>> -> memref<3000000xf32, #tpu.memory_space<hbm>>
    tpu.enqueue_indirect_dma source(%dma_start3A_29 : memref<3000000xf32, #tpu.memory_space<hbm>>) target(%dma_start3A_27 : memref<16xf32, #tpu.memory_space<vmem>>) offsets(%add3A_23 : vector<16xi32>) semaphore(%arg7 : memref<!tpu.dma_semaphore, #tpu.memory_space<semaphore_mem>>)
    %get3A_30 = arith.constant 16 : index
    %get3A_31 = tpu.vector_load %arg5[%get3A_30] {strides = array<i32>} : memref<512xi32, #tpu.memory_space<vmem>>, vector<16xi32>,
    %add3A_32 = arith.constant 0 : i32
    %add3A_33 = vector.broadcast %add3A_32 : i32 to vector<16xi32>
    %add3A_34 = arith.addi %get3A_31, %add3A_33 : vector<16xi32>
    %dma_start3A_35 = arith.constant 0 : i32
    %dma_start3A_36 = arith.constant 16 : i32
    %dma_start3A_37 = tpu.memref_slice %arg6[%dma_start3A_35, %dma_start3A_36] : memref<3x512xf32, #tpu.memory_space<vmem>> -> memref<1x16xf32, #tpu.memory_space<vmem>>
    %dma_start3A_38 = tpu.memref_squeeze %dma_start3A_37 : memref<1x16xf32, #tpu.memory_space<vmem>> -> memref<16xf32, #tpu.memory_space<vmem>>
    %dma_start3A_39 = arith.constant 0 : i32
    %dma_start3A_40 = tpu.memref_slice %arg2[%dma_start3A_39] : memref<3000000xf32, #tpu.memory_space<hbm>> -> memref<3000000xf32, #tpu.memory_space<hbm>>
    tpu.enqueue_indirect_dma source(%dma_start3A_40 : memref<3000000xf32, #tpu.memory_space<hbm>>) target(%dma_start3A_38 : memref<16xf32, #tpu.memory_space<vmem>>) offsets(%add3A_34 : vector<16xi32>) semaphore(%arg7 : memref<!tpu.dma_semaphore, #tpu.memory_space<semaphore_mem>>)
    %add3A_41 = arith.constant 1000000 : i32
    %add3A_42 = vector.broadcast %add3A_41 : i32 to vector<16xi32>
    %add3A_43 = arith.addi %get3A_31, %add3A_42 : vector<16xi32>
    %dma_start3A_44 = arith.constant 1 : i32
    %dma_start3A_45 = arith.constant 16 : i32
    %dma_start3A_46 = tpu.memref_slice %arg6[%dma_start3A_44, %dma_start3A_45] : memref<3x512xf32, #tpu.memory_space<vmem>> -> memref<1x16xf32, #tpu.memory_space<vmem>>
    %dma_start3A_47 = tpu.memref_squeeze %dma_start3A_46 : memref<1x16xf32, #tpu.memory_space<vmem>> -> memref<16xf32, #tpu.memory_space<vmem>>
    %dma_start3A_48 = arith.constant 0 : i32
    %dma_start3A_49 = tpu.memref_slice %arg2[%dma_start3A_48] : memref<3000000xf32, #tpu.memory_space<hbm>> -> memref<3000000xf32, #tpu.memory_space<hbm>>
    tpu.enqueue_indirect_dma source(%dma_start3A_49 : memref<3000000xf32, #tpu.memory_space<hbm>>) target(%dma_start3A_47 : memref<16xf32, #tpu.memory_space<vmem>>) offsets(%add3A_43 : vector<16xi32>) semaphore(%arg7 : memref<!tpu.dma_semaphore, #tpu.memory_space<semaphore_mem>>)
    %add3A_50 = arith.constant 2000000 : i32
    %add3A_51 = vector.broadcast %add3A_50 : i32 to vector<16xi32>
    %add3A_52 = arith.addi %get3A_31, %add3A_51 : vector<16xi32>
    %dma_start3A_53 = arith.constant 2 : i32
    %dma_start3A_54 = arith.constant 16 : i32
    %dma_start3A_55 = tpu.memref_slice %arg6[%dma_start3A_53, %dma_start3A_54] : memref<3x512xf32, #tpu.memory_space<vmem>> -> memref<1x16xf32, #tpu.memory_space<vmem>>
    %dma_start3A_56 = tpu.memref_squeeze %dma_start3A_55 : memref<1x16xf32, #tpu.memory_space<vmem>> -> memref<16xf32, #tpu.memory_space<vmem>>
    %dma_start3A_57 = arith.constant 0 : i32
    %dma_start3A_58 = tpu.memref_slice %arg2[%dma_start3A_57] : memref<3000000xf32, #tpu.memory_space<hbm>> -> memref<3000000xf32, #tpu.memory_space<hbm>>
    tpu.enqueue_indirect_dma source(%dma_start3A_58 : memref<3000000xf32, #tpu.memory_space<hbm>>) target(%dma_start3A_56 : memref<16xf32, #tpu.memory_space<vmem>>) offsets(%add3A_52 : vector<16xi32>) semaphore(%arg7 : memref<!tpu.dma_semaphore, #tpu.memory_space<semaphore_mem>>)
    %get3A_59 = arith.constant 32 : index
    %get3A_60 = tpu.vector_load %arg5[%get3A_59] {strides = array<i32>} : memref<512xi32, #tpu.memory_space<vmem>>, vector<16xi32>,
    %add3A_61 = arith.constant 0 : i32
    %add3A_62 = vector.broadcast %add3A_61 : i32 to vector<16xi32>
    %add3A_63 = arith.addi %get3A_60, %add3A_62 : vector<16xi32>
    %dma_start3A_64 = arith.constant 0 : i32
    %dma_start3A_65 = arith.constant 32 : i32
    %dma_start3A_66 = tpu.memref_slice %arg6[%dma_start3A_64, %dma_start3A_65] : memref<3x512xf32, #tpu.memory_space<vmem>> -> memref<1x16xf32, #tpu.memory_space<vmem>>
    %dma_start3A_67 = tpu.memref_squeeze %dma_start3A_66 : memref<1x16xf32, #tpu.memory_space<vmem>> -> memref<16xf32, #tpu.memory_space<vmem>>
    %dma_start3A_68 = arith.constant 0 : i32
    %dma_start3A_69 = tpu.memref_slice %arg2[%dma_start3A_68] : memref<3000000xf32, #tpu.memory_space<hbm>> -> memref<3000000xf32, #tpu.memory_space<hbm>>
    tpu.enqueue_indirect_dma source(%dma_start3A_69 : memref<3000000xf32, #tpu.memory_space<hbm>>) target(%dma_start3A_67 : memref<16xf32, #tpu.memory_space<vmem>>) offsets(%add3A_63 : vector<16xi32>) semaphore(%arg7 : memref<!tpu.dma_semaphore, #tpu.memory_space<semaphore_mem>>)
    %add3A_70 = arith.constant 1000000 : i32
    %add3A_71 = vector.broadcast %add3A_70 : i32 to vector<16xi32>
    %add3A_72 = arith.addi %get3A_60, %add3A_71 : vector<16xi32>
    %dma_start3A_73 = arith.constant 1 : i32
    %dma_start3A_74 = arith.constant 32 : i32
    %dma_start3A_75 = tpu.memref_slice %arg6[%dma_start3A_73, %dma_start3A_74] : memref<3x512xf32, #tpu.memory_space<vmem>> -> memref<1x16xf32, #tpu.memory_space<vmem>>
    %dma_start3A_76 = tpu.memref_squeeze %dma_start3A_75 : memref<1x16xf32, #tpu.memory_space<vmem>> -> memref<16xf32, #tpu.memory_space<vmem>>
    %dma_start3A_77 = arith.constant 0 : i32
    %dma_start3A_78 = tpu.memref_slice %arg2[%dma_start3A_77] : memref<3000000xf32, #tpu.memory_space<hbm>> -> memref<3000000xf32, #tpu.memory_space<hbm>>
    tpu.enqueue_indirect_dma source(%dma_start3A_78 : memref<3000000xf32, #tpu.memory_space<hbm>>) target(%dma_start3A_76 : memref<16xf32, #tpu.memory_space<vmem>>) offsets(%add3A_72 : vector<16xi32>) semaphore(%arg7 : memref<!tpu.dma_semaphore, #tpu.memory_space<semaphore_mem>>)
    %add3A_79 = arith.constant 2000000 : i32
    %add3A_80 = vector.broadcast %add3A_79 : i32 to vector<16xi32>
    %add3A_81 = arith.addi %get3A_60, %add3A_80 : vector<16xi32>
    %dma_start3A_82 = arith.constant 2 : i32
    %dma_start3A_83 = arith.constant 32 : i32
    %dma_start3A_84 = tpu.memref_slice %arg6[%dma_start3A_82, %dma_start3A_83] : memref<3x512xf32, #tpu.memory_space<vmem>> -> memref<1x16xf32, #tpu.memory_space<vmem>>
    %dma_start3A_85 = tpu.memref_squeeze %dma_start3A_84 : memref<1x16xf32, #tpu.memory_space<vmem>> -> memref<16xf32, #tpu.memory_space<vmem>>
    %dma_start3A_86 = arith.constant 0 : i32
    %dma_start3A_87 = tpu.memref_slice %arg2[%dma_start3A_86] : memref<3000000xf32, #tpu.memory_space<hbm>> -> memref<3000000xf32, #tpu.memory_space<hbm>>
    tpu.enqueue_indirect_dma source(%dma_start3A_87 : memref<3000000xf32, #tpu.memory_space<hbm>>) target(%dma_start3A_85 : memref<16xf32, #tpu.memory_space<vmem>>) offsets(%add3A_81 : vector<16xi32>) semaphore(%arg7 : memref<!tpu.dma_semaphore, #tpu.memory_space<semaphore_mem>>)
    %get3A_88 = arith.constant 48 : index
    %get3A_89 = tpu.vector_load %arg5[%get3A_88] {strides = array<i32>} : memref<512xi32, #tpu.memory_space<vmem>>, vector<16xi32>,
    %add3A_90 = arith.constant 0 : i32
    %add3A_91 = vector.broadcast %add3A_90 : i32 to vector<16xi32>
    %add3A_92 = arith.addi %get3A_89, %add3A_91 : vector<16xi32>
    %dma_start3A_93 = arith.constant 0 : i32
    %dma_start3A_94 = arith.constant 48 : i32
    %dma_start3A_95 = tpu.memref_slice %arg6[%dma_start3A_93, %dma_start3A_94] : memref<3x512xf32, #tpu.memory_space<vmem>> -> memref<1x16xf32, #tpu.memory_space<vmem>>
    %dma_start3A_96 = tpu.memref_squeeze %dma_start3A_95 : memref<1x16xf32, #tpu.memory_space<vmem>> -> memref<16xf32, #tpu.memory_space<vmem>>
    %dma_start3A_97 = arith.constant 0 : i32
    %dma_start3A_98 = tpu.memref_slice %arg2[%dma_start3A_97] : memref<3000000xf32, #tpu.memory_space<hbm>> -> memref<3000000xf32, #tpu.memory_space<hbm>>
    tpu.enqueue_indirect_dma source(%dma_start3A_98 : memref<3000000xf32, #tpu.memory_space<hbm>>) target(%dma_start3A_96 : memref<16xf32, #tpu.memory_space<vmem>>) offsets(%add3A_92 : vector<16xi32>) semaphore(%arg7 : memref<!tpu.dma_semaphore, #tpu.memory_space<semaphore_mem>>)
    %add3A_99 = arith.constant 1000000 : i32
    %add3A_100 = vector.broadcast %add3A_99 : i32 to vector<16xi32>
    %add3A_101 = arith.addi %get3A_89, %add3A_100 : vector<16xi32>
    %dma_start3A_102 = arith.constant 1 : i32
    %dma_start3A_103 = arith.constant 48 : i32
    %dma_start3A_104 = tpu.memref_slice %arg6[%dma_start3A_102, %dma_start3A_103] : memref<3x512xf32, #tpu.memory_space<vmem>> -> memref<1x16xf32, #tpu.memory_space<vmem>>
    %dma_start3A_105 = tpu.memref_squeeze %dma_start3A_104 : memref<1x16xf32, #tpu.memory_space<vmem>> -> memref<16xf32, #tpu.memory_space<vmem>>
    %dma_start3A_106 = arith.constant 0 : i32
    %dma_start3A_107 = tpu.memref_slice %arg2[%dma_start3A_106] : memref<3000000xf32, #tpu.memory_space<hbm>> -> memref<3000000xf32, #tpu.memory_space<hbm>>
    tpu.enqueue_indirect_dma source(%dma_start3A_107 : memref<3000000xf32, #tpu.memory_space<hbm>>) target(%dma_start3A_105 : memref<16xf32, #tpu.memory_space<vmem>>) offsets(%add3A_101 : vector<16xi32>) semaphore(%arg7 : memref<!tpu.dma_semaphore, #tpu.memory_space<semaphore_mem>>)
    %add3A_108 = arith.constant 2000000 : i32
    %add3A_109 = vector.broadcast %add3A_108 : i32 to vector<16xi32>
    %add3A_110 = arith.addi %get3A_89, %add3A_109 : vector<16xi32>
    %dma_start3A_111 = arith.constant 2 : i32
    %dma_start3A_112 = arith.constant 48 : i32
    %dma_start3A_113 = tpu.memref_slice %arg6[%dma_start3A_111, %dma_start3A_112] : memref<3x512xf32, #tpu.memory_space<vmem>> -> memref<1x16xf32, #tpu.memory_space<vmem>>
    %dma_start3A_114 = tpu.memref_squeeze %dma_start3A_113 : memref<1x16xf32, #tpu.memory_space<vmem>> -> memref<16xf32, #tpu.memory_space<vmem>>
    %dma_start3A_115 = arith.constant 0 : i32
    %dma_start3A_116 = tpu.memref_slice %arg2[%dma_start3A_115] : memref<3000000xf32, #tpu.memory_space<hbm>> -> memref<3000000xf32, #tpu.memory_space<hbm>>
    tpu.enqueue_indirect_dma source(%dma_start3A_116 : memref<3000000xf32, #tpu.memory_space<hbm>>) target(%dma_start3A_114 : memref<16xf32, #tpu.memory_space<vmem>>) offsets(%add3A_110 : vector<16xi32>) semaphore(%arg7 : memref<!tpu.dma_semaphore, #tpu.memory_space<semaphore_mem>>)
    %get3A_117 = arith.constant 64 : index
    %get3A_118 = tpu.vector_load %arg5[%get3A_117] {strides = array<i32>} : memref<512xi32, #tpu.memory_space<vmem>>, vector<16xi32>,
    %add3A_119 = arith.constant 0 : i32
    %add3A_120 = vector.broadcast %add3A_119 : i32 to vector<16xi32>
    %add3A_121 = arith.addi %get3A_118, %add3A_120 : vector<16xi32>
    %dma_start3A_122 = arith.constant 0 : i32
    %dma_start3A_123 = arith.constant 64 : i32
    %dma_start3A_124 = tpu.memref_slice %arg6[%dma_start3A_122, %dma_start3A_123] : memref<3x512xf32, #tpu.memory_space<vmem>> -> memref<1x16xf32, #tpu.memory_space<vmem>>
    %dma_start3A_125 = tpu.memref_squeeze %dma_start3A_124 : memref<1x16xf32, #tpu.memory_space<vmem>> -> memref<16xf32, #tpu.memory_space<vmem>>
    %dma_start3A_126 = arith.constant 0 : i32
    %dma_start3A_127 = tpu.memref_slice %arg2[%dma_start3A_126] : memref<3000000xf32, #tpu.memory_space<hbm>> -> memref<3000000xf32, #tpu.memory_space<hbm>>
    tpu.enqueue_indirect_dma source(%dma_start3A_127 : memref<3000000xf32, #tpu.memory_space<hbm>>) target(%dma_start3A_125 : memref<16xf32, #tpu.memory_space<vmem>>) offsets(%add3A_121 : vector<16xi32>) semaphore(%arg7 : memref<!tpu.dma_semaphore, #tpu.memory_space<semaphore_mem>>)
    %add3A_128 = arith.constant 1000000 : i32
    %add3A_129 = vector.broadcast %add3A_128 : i32 to vector<16xi32>
    %add3A_130 = arith.addi %get3A_118, %add3A_129 : vector<16xi32>
    %dma_start3A_131 = arith.constant 1 : i32
    %dma_start3A_132 = arith.constant 64 : i32
    %dma_start3A_133 = tpu.memref_slice %arg6[%dma_start3A_131, %dma_start3A_132] : memref<3x512xf32, #tpu.memory_space<vmem>> -> memref<1x16xf32, #tpu.memory_space<vmem>>
    %dma_start3A_134 = tpu.memref_squeeze %dma_start3A_133 : memref<1x16xf32, #tpu.memory_space<vmem>> -> memref<16xf32, #tpu.memory_space<vmem>>
    %dma_start3A_135 = arith.constant 0 : i32
    %dma_start3A_136 = tpu.memref_slice %arg2[%dma_start3A_135] : memref<3000000xf32, #tpu.memory_space<hbm>> -> memref<3000000xf32, #tpu.memory_space<hbm>>
    tpu.enqueue_indirect_dma source(%dma_start3A_136 : memref<3000000xf32, #tpu.memory_space<hbm>>) target(%dma_start3A_134 : memref<16xf32, #tpu.memory_space<vmem>>) offsets(%add3A_130 : vector<16xi32>) semaphore(%arg7 : memref<!tpu.dma_semaphore, #tpu.memory_space<semaphore_mem>>)
    %add3A_137 = arith.constant 2000000 : i32
    %add3A_138 = vector.broadcast %add3A_137 : i32 to vector<16xi32>
    %add3A_139 = arith.addi %get3A_118, %add3A_138 : vector<16xi32>
    %dma_start3A_140 = arith.constant 2 : i32
    %dma_start3A_141 = arith.constant 64 : i32
    %dma_start3A_142 = tpu.memref_slice %arg6[%dma_start3A_140, %dma_start3A_141] : memref<3x512xf32, #tpu.memory_space<vmem>> -> memref<1x16xf32, #tpu.memory_space<vmem>>
    %dma_start3A_143 = tpu.memref_squeeze %dma_start3A_142 : memref<1x16xf32, #tpu.memory_space<vmem>> -> memref<16xf32, #tpu.memory_space<vmem>>
    %dma_start3A_144 = arith.constant 0 : i32
    %dma_start3A_145 = tpu.memref_slice %arg2[%dma_start3A_144] : memref<3000000xf32, #tpu.memory_space<hbm>> -> memref<3000000xf32, #tpu.memory_space<hbm>>
    tpu.enqueue_indirect_dma source(%dma_start3A_145 : memref<3000000xf32, #tpu.memory_space<hbm>>) target(%dma_start3A_143 : memref<16xf32, #tpu.memory_space<vmem>>) offsets(%add3A_139 : vector<16xi32>) semaphore(%arg7 : memref<!tpu.dma_semaphore, #tpu.memory_space<semaphore_mem>>)
    %get3A_146 = arith.constant 80 : index
    %get3A_147 = tpu.vector_load %arg5[%get3A_146] {strides = array<i32>} : memref<512xi32, #tpu.memory_space<vmem>>, vector<16xi32>,
    %add3A_148 = arith.constant 0 : i32
    %add3A_149 = vector.broadcast %add3A_148 : i32 to vector<16xi32>
    %add3A_150 = arith.addi %get3A_147, %add3A_149 : vector<16xi32>
    %dma_start3A_151 = arith.constant 0 : i32
    %dma_start3A_152 = arith.constant 80 : i32
    %dma_start3A_153 = tpu.memref_slice %arg6[%dma_start3A_151, %dma_start3A_152] : memref<3x512xf32, #tpu.memory_space<vmem>> -> memref<1x16xf32, #tpu.memory_space<vmem>>
    %dma_start3A_154 = tpu.memref_squeeze %dma_start3A_153 : memref<1x16xf32, #tpu.memory_space<vmem>> -> memref<16xf32, #tpu.memory_space<vmem>>
    %dma_start3A_155 = arith.constant 0 : i32
    %dma_start3A_156 = tpu.memref_slice %arg2[%dma_start3A_155] : memref<3000000xf32, #tpu.memory_space<hbm>> -> memref<3000000xf32, #tpu.memory_space<hbm>>
    tpu.enqueue_indirect_dma source(%dma_start3A_156 : memref<3000000xf32, #tpu.memory_space<hbm>>) target(%dma_start3A_154 : memref<16xf32, #tpu.memory_space<vmem>>) offsets(%add3A_150 : vector<16xi32>) semaphore(%arg7 : memref<!tpu.dma_semaphore, #tpu.memory_space<semaphore_mem>>)
    %add3A_157 = arith.constant 1000000 : i32
    %add3A_158 = vector.broadcast %add3A_157 : i32 to vector<16xi32>
    %add3A_159 = arith.addi %get3A_147, %add3A_158 : vector<16xi32>
    %dma_start3A_160 = arith.constant 1 : i32
    %dma_start3A_161 = arith.constant 80 : i32
    %dma_start3A_162 = tpu.memref_slice %arg6[%dma_start3A_160, %dma_start3A_161] : memref<3x512xf32, #tpu.memory_space<vmem>> -> memref<1x16xf32, #tpu.memory_space<vmem>>
    %dma_start3A_163 = tpu.memref_squeeze %dma_start3A_162 : memref<1x16xf32, #tpu.memory_space<vmem>> -> memref<16xf32, #tpu.memory_space<vmem>>
    %dma_start3A_164 = arith.constant 0 : i32
    %dma_start3A_165 = tpu.memref_slice %arg2[%dma_start3A_164] : memref<3000000xf32, #tpu.memory_space<hbm>> -> memref<3000000xf32, #tpu.memory_space<hbm>>
    tpu.enqueue_indirect_dma source(%dma_start3A_165 : memref<3000000xf32, #tpu.memory_space<hbm>>) target(%dma_start3A_163 : memref<16xf32, #tpu.memory_space<vmem>>) offsets(%add3A_159 : vector<16xi32>) semaphore(%arg7 : memref<!tpu.dma_semaphore, #tpu.memory_space<semaphore_mem>>)
    %add3A_166 = arith.constant 2000000 : i32
    %add3A_167 = vector.broadcast %add3A_166 : i32 to vector<16xi32>
    %add3A_168 = arith.addi %get3A_147, %add3A_167 : vector<16xi32>
    %dma_start3A_169 = arith.constant 2 : i32
    %dma_start3A_170 = arith.constant 80 : i32
    %dma_start3A_171 = tpu.memref_slice %arg6[%dma_start3A_169, %dma_start3A_170] : memref<3x512xf32, #tpu.memory_space<vmem>> -> memref<1x16xf32, #tpu.memory_space<vmem>>
    %dma_start3A_172 = tpu.memref_squeeze %dma_start3A_171 : memref<1x16xf32, #tpu.memory_space<vmem>> -> memref<16xf32, #tpu.memory_space<vmem>>
    %dma_start3A_173 = arith.constant 0 : i32
    %dma_start3A_174 = tpu.memref_slice %arg2[%dma_start3A_173] : memref<3000000xf32, #tpu.memory_space<hbm>> -> memref<3000000xf32, #tpu.memory_space<hbm>>
    tpu.enqueue_indirect_dma source(%dma_start3A_174 : memref<3000000xf32, #tpu.memory_space<hbm>>) target(%dma_start3A_172 : memref<16xf32, #tpu.memory_space<vmem>>) offsets(%add3A_168 : vector<16xi32>) semaphore(%arg7 : memref<!tpu.dma_semaphore, #tpu.memory_space<semaphore_mem>>)
    %get3A_175 = arith.constant 96 : index
    %get3A_176 = tpu.vector_load %arg5[%get3A_175] {strides = array<i32>} : memref<512xi32, #tpu.memory_space<vmem>>, vector<16xi32>,
    %add3A_177 = arith.constant 0 : i32
    %add3A_178 = vector.broadcast %add3A_177 : i32 to vector<16xi32>
    %add3A_179 = arith.addi %get3A_176, %add3A_178 : vector<16xi32>
    %dma_start3A_180 = arith.constant 0 : i32
    %dma_start3A_181 = arith.constant 96 : i32
    %dma_start3A_182 = tpu.memref_slice %arg6[%dma_start3A_180, %dma_start3A_181] : memref<3x512xf32, #tpu.memory_space<vmem>> -> memref<1x16xf32, #tpu.memory_space<vmem>>
    %dma_start3A_183 = tpu.memref_squeeze %dma_start3A_182 : memref<1x16xf32, #tpu.memory_space<vmem>> -> memref<16xf32, #tpu.memory_space<vmem>>
    %dma_start3A_184 = arith.constant 0 : i32
    %dma_start3A_185 = tpu.memref_slice %arg2[%dma_start3A_184] : memref<3000000xf32, #tpu.memory_space<hbm>> -> memref<3000000xf32, #tpu.memory_space<hbm>>
    tpu.enqueue_indirect_dma source(%dma_start3A_185 : memref<3000000xf32, #tpu.memory_space<hbm>>) target(%dma_start3A_183 : memref<16xf32, #tpu.memory_space<vmem>>) offsets(%add3A_179 : vector<16xi32>) semaphore(%arg7 : memref<!tpu.dma_semaphore, #tpu.memory_space<semaphore_mem>>)
    %add3A_186 = arith.constant 1000000 : i32
    %add3A_187 = vector.broadcast %add3A_186 : i32 to vector<16xi32>
    %add3A_188 = arith.addi %get3A_176, %add3A_187 : vector<16xi32>
    %dma_start3A_189 = arith.constant 1 : i32
    %dma_start3A_190 = arith.constant 96 : i32
    %dma_start3A_191 = tpu.memref_slice %arg6[%dma_start3A_189, %dma_start3A_190] : memref<3x512xf32, #tpu.memory_space<vmem>> -> memref<1x16xf32, #tpu.memory_space<vmem>>
    %dma_start3A_192 = tpu.memref_squeeze %dma_start3A_191 : memref<1x16xf32, #tpu.memory_space<vmem>> -> memref<16xf32, #tpu.memory_space<vmem>>
    %dma_start3A_193 = arith.constant 0 : i32
    %dma_start3A_194 = tpu.memref_slice %arg2[%dma_start3A_193] : memref<3000000xf32, #tpu.memory_space<hbm>> -> memref<3000000xf32, #tpu.memory_space<hbm>>
    tpu.enqueue_indirect_dma source(%dma_start3A_194 : memref<3000000xf32, #tpu.memory_space<hbm>>) target(%dma_start3A_192 : memref<16xf32, #tpu.memory_space<vmem>>) offsets(%add3A_188 : vector<16xi32>) semaphore(%arg7 : memref<!tpu.dma_semaphore, #tpu.memory_space<semaphore_mem>>)
    %add3A_195 = arith.constant 2000000 : i32
    %add3A_196 = vector.broadcast %add3A_195 : i32 to vector<16xi32>
    %add3A_197 = arith.addi %get3A_176, %add3A_196 : vector<16xi32>
    %dma_start3A_198 = arith.constant 2 : i32
    %dma_start3A_199 = arith.constant 96 : i32
    %dma_start3A_200 = tpu.memref_slice %arg6[%dma_start3A_198, %dma_start3A_199] : memref<3x512xf32, #tpu.memory_space<vmem>> -> memref<1x16xf32, #tpu.memory_space<vmem>>
    %dma_start3A_201 = tpu.memref_squeeze %dma_start3A_200 : memref<1x16xf32, #tpu.memory_space<vmem>> -> memref<16xf32, #tpu.memory_space<vmem>>
    %dma_start3A_202 = arith.constant 0 : i32
    %dma_start3A_203 = tpu.memref_slice %arg2[%dma_start3A_202] : memref<3000000xf32, #tpu.memory_space<hbm>> -> memref<3000000xf32, #tpu.memory_space<hbm>>
    tpu.enqueue_indirect_dma source(%dma_start3A_203 : memref<3000000xf32, #tpu.memory_space<hbm>>) target(%dma_start3A_201 : memref<16xf32, #tpu.memory_space<vmem>>) offsets(%add3A_197 : vector<16xi32>) semaphore(%arg7 : memref<!tpu.dma_semaphore, #tpu.memory_space<semaphore_mem>>)
    %get3A_204 = arith.constant 112 : index
    %get3A_205 = tpu.vector_load %arg5[%get3A_204] {strides = array<i32>} : memref<512xi32, #tpu.memory_space<vmem>>, vector<16xi32>,
    %add3A_206 = arith.constant 0 : i32
    %add3A_207 = vector.broadcast %add3A_206 : i32 to vector<16xi32>
    %add3A_208 = arith.addi %get3A_205, %add3A_207 : vector<16xi32>
    %dma_start3A_209 = arith.constant 0 : i32
    %dma_start3A_210 = arith.constant 112 : i32
    %dma_start3A_211 = tpu.memref_slice %arg6[%dma_start3A_209, %dma_start3A_210] : memref<3x512xf32, #tpu.memory_space<vmem>> -> memref<1x16xf32, #tpu.memory_space<vmem>>
    %dma_start3A_212 = tpu.memref_squeeze %dma_start3A_211 : memref<1x16xf32, #tpu.memory_space<vmem>> -> memref<16xf32, #tpu.memory_space<vmem>>
    %dma_start3A_213 = arith.constant 0 : i32
    %dma_start3A_214 = tpu.memref_slice %arg2[%dma_start3A_213] : memref<3000000xf32, #tpu.memory_space<hbm>> -> memref<3000000xf32, #tpu.memory_space<hbm>>
    tpu.enqueue_indirect_dma source(%dma_start3A_214 : memref<3000000xf32, #tpu.memory_space<hbm>>) target(%dma_start3A_212 : memref<16xf32, #tpu.memory_space<vmem>>) offsets(%add3A_208 : vector<16xi32>) semaphore(%arg7 : memref<!tpu.dma_semaphore, #tpu.memory_space<semaphore_mem>>)
    %add3A_215 = arith.constant 1000000 : i32
    %add3A_216 = vector.broadcast %add3A_215 : i32 to vector<16xi32>
    %add3A_217 = arith.addi %get3A_205, %add3A_216 : vector<16xi32>
    %dma_start3A_218 = arith.constant 1 : i32
    %dma_start3A_219 = arith.constant 112 : i32
    %dma_start3A_220 = tpu.memref_slice %arg6[%dma_start3A_218, %dma_start3A_219] : memref<3x512xf32, #tpu.memory_space<vmem>> -> memref<1x16xf32, #tpu.memory_space<vmem>>
    %dma_start3A_221 = tpu.memref_squeeze %dma_start3A_220 : memref<1x16xf32, #tpu.memory_space<vmem>> -> memref<16xf32, #tpu.memory_space<vmem>>
    %dma_start3A_222 = arith.constant 0 : i32
    %dma_start3A_223 = tpu.memref_slice %arg2[%dma_start3A_222] : memref<3000000xf32, #tpu.memory_space<hbm>> -> memref<3000000xf32, #tpu.memory_space<hbm>>
    tpu.enqueue_indirect_dma source(%dma_start3A_223 : memref<3000000xf32, #tpu.memory_space<hbm>>) target(%dma_start3A_221 : memref<16xf32, #tpu.memory_space<vmem>>) offsets(%add3A_217 : vector<16xi32>) semaphore(%arg7 : memref<!tpu.dma_semaphore, #tpu.memory_space<semaphore_mem>>)
    %add3A_224 = arith.constant 2000000 : i32
    %add3A_225 = vector.broadcast %add3A_224 : i32 to vector<16xi32>
    %add3A_226 = arith.addi %get3A_205, %add3A_225 : vector<16xi32>
    %dma_start3A_227 = arith.constant 2 : i32
    %dma_start3A_228 = arith.constant 112 : i32
    %dma_start3A_229 = tpu.memref_slice %arg6[%dma_start3A_227, %dma_start3A_228] : memref<3x512xf32, #tpu.memory_space<vmem>> -> memref<1x16xf32, #tpu.memory_space<vmem>>
    %dma_start3A_230 = tpu.memref_squeeze %dma_start3A_229 : memref<1x16xf32, #tpu.memory_space<vmem>> -> memref<16xf32, #tpu.memory_space<vmem>>
    %dma_start3A_231 = arith.constant 0 : i32
    %dma_start3A_232 = tpu.memref_slice %arg2[%dma_start3A_231] : memref<3000000xf32, #tpu.memory_space<hbm>> -> memref<3000000xf32, #tpu.memory_space<hbm>>
    tpu.enqueue_indirect_dma source(%dma_start3A_232 : memref<3000000xf32, #tpu.memory_space<hbm>>) target(%dma_start3A_230 : memref<16xf32, #tpu.memory_space<vmem>>) offsets(%add3A_226 : vector<16xi32>) semaphore(%arg7 : memref<!tpu.dma_semaphore, #tpu.memory_space<semaphore_mem>>)
    %get3A_233 = arith.constant 128 : index
    %get3A_234 = tpu.vector_load %arg5[%get3A_233] {strides = array<i32>} : memref<512xi32, #tpu.memory_space<vmem>>, vector<16xi32>,
    %add3A_235 = arith.constant 0 : i32
    %add3A_236 = vector.broadcast %add3A_235 : i32 to vector<16xi32>
    %add3A_237 = arith.addi %get3A_234, %add3A_236 : vector<16xi32>
    %dma_start3A_238 = arith.constant 0 : i32
    %dma_start3A_239 = arith.constant 128 : i32
    %dma_start3A_240 = tpu.memref_slice %arg6[%dma_start3A_238, %dma_start3A_239] : memref<3x512xf32, #tpu.memory_space<vmem>> -> memref<1x16xf32, #tpu.memory_space<vmem>>
    %dma_start3A_241 = tpu.memref_squeeze %dma_start3A_240 : memref<1x16xf32, #tpu.memory_space<vmem>> -> memref<16xf32, #tpu.memory_space<vmem>>
    %dma_start3A_242 = arith.constant 0 : i32
    %dma_start3A_243 = tpu.memref_slice %arg2[%dma_start3A_242] : memref<3000000xf32, #tpu.memory_space<hbm>> -> memref<3000000xf32, #tpu.memory_space<hbm>>
    tpu.enqueue_indirect_dma source(%dma_start3A_243 : memref<3000000xf32, #tpu.memory_space<hbm>>) target(%dma_start3A_241 : memref<16xf32, #tpu.memory_space<vmem>>) offsets(%add3A_237 : vector<16xi32>) semaphore(%arg7 : memref<!tpu.dma_semaphore, #tpu.memory_space<semaphore_mem>>)
    %add3A_244 = arith.constant 1000000 : i32
    %add3A_245 = vector.broadcast %add3A_244 : i32 to vector<16xi32>
    %add3A_246 = arith.addi %get3A_234, %add3A_245 : vector<16xi32>
    %dma_start3A_247 = arith.constant 1 : i32
    %dma_start3A_248 = arith.constant 128 : i32
    %dma_start3A_249 = tpu.memref_slice %arg6[%dma_start3A_247, %dma_start3A_248] : memref<3x512xf32, #tpu.memory_space<vmem>> -> memref<1x16xf32, #tpu.memory_space<vmem>>
    %dma_start3A_250 = tpu.memref_squeeze %dma_start3A_249 : memref<1x16xf32, #tpu.memory_space<vmem>> -> memref<16xf32, #tpu.memory_space<vmem>>
    %dma_start3A_251 = arith.constant 0 : i32
    %dma_start3A_252 = tpu.memref_slice %arg2[%dma_start3A_251] : memref<3000000xf32, #tpu.memory_space<hbm>> -> memref<3000000xf32, #tpu.memory_space<hbm>>
    tpu.enqueue_indirect_dma source(%dma_start3A_252 : memref<3000000xf32, #tpu.memory_space<hbm>>) target(%dma_start3A_250 : memref<16xf32, #tpu.memory_space<vmem>>) offsets(%add3A_246 : vector<16xi32>) semaphore(%arg7 : memref<!tpu.dma_semaphore, #tpu.memory_space<semaphore_mem>>)
    %add3A_253 = arith.constant 2000000 : i32
    %add3A_254 = vector.broadcast %add3A_253 : i32 to vector<16xi32>
    %add3A_255 = arith.addi %get3A_234, %add3A_254 : vector<16xi32>
    %dma_start3A_256 = arith.constant 2 : i32
    %dma_start3A_257 = arith.constant 128 : i32
    %dma_start3A_258 = tpu.memref_slice %arg6[%dma_start3A_256, %dma_start3A_257] : memref<3x512xf32, #tpu.memory_space<vmem>> -> memref<1x16xf32, #tpu.memory_space<vmem>>
    %dma_start3A_259 = tpu.memref_squeeze %dma_start3A_258 : memref<1x16xf32, #tpu.memory_space<vmem>> -> memref<16xf32, #tpu.memory_space<vmem>>
    %dma_start3A_260 = arith.constant 0 : i32
    %dma_start3A_261 = tpu.memref_slice %arg2[%dma_start3A_260] : memref<3000000xf32, #tpu.memory_space<hbm>> -> memref<3000000xf32, #tpu.memory_space<hbm>>
    tpu.enqueue_indirect_dma source(%dma_start3A_261 : memref<3000000xf32, #tpu.memory_space<hbm>>) target(%dma_start3A_259 : memref<16xf32, #tpu.memory_space<vmem>>) offsets(%add3A_255 : vector<16xi32>) semaphore(%arg7 : memref<!tpu.dma_semaphore, #tpu.memory_space<semaphore_mem>>)
    %get3A_262 = arith.constant 144 : index
    %get3A_263 = tpu.vector_load %arg5[%get3A_262] {strides = array<i32>} : memref<512xi32, #tpu.memory_space<vmem>>, vector<16xi32>,
    %add3A_264 = arith.constant 0 : i32
    %add3A_265 = vector.broadcast %add3A_264 : i32 to vector<16xi32>
    %add3A_266 = arith.addi %get3A_263, %add3A_265 : vector<16xi32>
    %dma_start3A_267 = arith.constant 0 : i32
    %dma_start3A_268 = arith.constant 144 : i32
    %dma_start3A_269 = tpu.memref_slice %arg6[%dma_start3A_267, %dma_start3A_268] : memref<3x512xf32, #tpu.memory_space<vmem>> -> memref<1x16xf32, #tpu.memory_space<vmem>>
    %dma_start3A_270 = tpu.memref_squeeze %dma_start3A_269 : memref<1x16xf32, #tpu.memory_space<vmem>> -> memref<16xf32, #tpu.memory_space<vmem>>
    %dma_start3A_271 = arith.constant 0 : i32
    %dma_start3A_272 = tpu.memref_slice %arg2[%dma_start3A_271] : memref<3000000xf32, #tpu.memory_space<hbm>> -> memref<3000000xf32, #tpu.memory_space<hbm>>
    tpu.enqueue_indirect_dma source(%dma_start3A_272 : memref<3000000xf32, #tpu.memory_space<hbm>>) target(%dma_start3A_270 : memref<16xf32, #tpu.memory_space<vmem>>) offsets(%add3A_266 : vector<16xi32>) semaphore(%arg7 : memref<!tpu.dma_semaphore, #tpu.memory_space<semaphore_mem>>)
    %add3A_273 = arith.constant 1000000 : i32
    %add3A_274 = vector.broadcast %add3A_273 : i32 to vector<16xi32>
    %add3A_275 = arith.addi %get3A_263, %add3A_274 : vector<16xi32>
    %dma_start3A_276 = arith.constant 1 : i32
    %dma_start3A_277 = arith.constant 144 : i32
    %dma_start3A_278 = tpu.memref_slice %arg6[%dma_start3A_276, %dma_start3A_277] : memref<3x512xf32, #tpu.memory_space<vmem>> -> memref<1x16xf32, #tpu.memory_space<vmem>>
    %dma_start3A_279 = tpu.memref_squeeze %dma_start3A_278 : memref<1x16xf32, #tpu.memory_space<vmem>> -> memref<16xf32, #tpu.memory_space<vmem>>
    %dma_start3A_280 = arith.constant 0 : i32
    %dma_start3A_281 = tpu.memref_slice %arg2[%dma_start3A_280] : memref<3000000xf32, #tpu.memory_space<hbm>> -> memref<3000000xf32, #tpu.memory_space<hbm>>
    tpu.enqueue_indirect_dma source(%dma_start3A_281 : memref<3000000xf32, #tpu.memory_space<hbm>>) target(%dma_start3A_279 : memref<16xf32, #tpu.memory_space<vmem>>) offsets(%add3A_275 : vector<16xi32>) semaphore(%arg7 : memref<!tpu.dma_semaphore, #tpu.memory_space<semaphore_mem>>)
    %add3A_282 = arith.constant 2000000 : i32
    %add3A_283 = vector.broadcast %add3A_282 : i32 to vector<16xi32>
    %add3A_284 = arith.addi %get3A_263, %add3A_283 : vector<16xi32>
    %dma_start3A_285 = arith.constant 2 : i32
    %dma_start3A_286 = arith.constant 144 : i32
    %dma_start3A_287 = tpu.memref_slice %arg6[%dma_start3A_285, %dma_start3A_286] : memref<3x512xf32, #tpu.memory_space<vmem>> -> memref<1x16xf32, #tpu.memory_space<vmem>>
    %dma_start3A_288 = tpu.memref_squeeze %dma_start3A_287 : memref<1x16xf32, #tpu.memory_space<vmem>> -> memref<16xf32, #tpu.memory_space<vmem>>
    %dma_start3A_289 = arith.constant 0 : i32
    %dma_start3A_290 = tpu.memref_slice %arg2[%dma_start3A_289] : memref<3000000xf32, #tpu.memory_space<hbm>> -> memref<3000000xf32, #tpu.memory_space<hbm>>
    tpu.enqueue_indirect_dma source(%dma_start3A_290 : memref<3000000xf32, #tpu.memory_space<hbm>>) target(%dma_start3A_288 : memref<16xf32, #tpu.memory_space<vmem>>) offsets(%add3A_284 : vector<16xi32>) semaphore(%arg7 : memref<!tpu.dma_semaphore, #tpu.memory_space<semaphore_mem>>)
    %get3A_291 = arith.constant 160 : index
    %get3A_292 = tpu.vector_load %arg5[%get3A_291] {strides = array<i32>} : memref<512xi32, #tpu.memory_space<vmem>>, vector<16xi32>,
    %add3A_293 = arith.constant 0 : i32
    %add3A_294 = vector.broadcast %add3A_293 : i32 to vector<16xi32>
    %add3A_295 = arith.addi %get3A_292, %add3A_294 : vector<16xi32>
    %dma_start3A_296 = arith.constant 0 : i32
    %dma_start3A_297 = arith.constant 160 : i32
    %dma_start3A_298 = tpu.memref_slice %arg6[%dma_start3A_296, %dma_start3A_297] : memref<3x512xf32, #tpu.memory_space<vmem>> -> memref<1x16xf32, #tpu.memory_space<vmem>>
    %dma_start3A_299 = tpu.memref_squeeze %dma_start3A_298 : memref<1x16xf32, #tpu.memory_space<vmem>> -> memref<16xf32, #tpu.memory_space<vmem>>
    %dma_start3A_300 = arith.constant 0 : i32
    %dma_start3A_301 = tpu.memref_slice %arg2[%dma_start3A_300] : memref<3000000xf32, #tpu.memory_space<hbm>> -> memref<3000000xf32, #tpu.memory_space<hbm>>
    tpu.enqueue_indirect_dma source(%dma_start3A_301 : memref<3000000xf32, #tpu.memory_space<hbm>>) target(%dma_start3A_299 : memref<16xf32, #tpu.memory_space<vmem>>) offsets(%add3A_295 : vector<16xi32>) semaphore(%arg7 : memref<!tpu.dma_semaphore, #tpu.memory_space<semaphore_mem>>)
    %add3A_302 = arith.constant 1000000 : i32
    %add3A_303 = vector.broadcast %add3A_302 : i32 to vector<16xi32>
    %add3A_304 = arith.addi %get3A_292, %add3A_303 : vector<16xi32>
    %dma_start3A_305 = arith.constant 1 : i32
    %dma_start3A_306 = arith.constant 160 : i32
    %dma_start3A_307 = tpu.memref_slice %arg6[%dma_start3A_305, %dma_start3A_306] : memref<3x512xf32, #tpu.memory_space<vmem>> -> memref<1x16xf32, #tpu.memory_space<vmem>>
    %dma_start3A_308 = tpu.memref_squeeze %dma_start3A_307 : memref<1x16xf32, #tpu.memory_space<vmem>> -> memref<16xf32, #tpu.memory_space<vmem>>
    %dma_start3A_309 = arith.constant 0 : i32
    %dma_start3A_310 = tpu.memref_slice %arg2[%dma_start3A_309] : memref<3000000xf32, #tpu.memory_space<hbm>> -> memref<3000000xf32, #tpu.memory_space<hbm>>
    tpu.enqueue_indirect_dma source(%dma_start3A_310 : memref<3000000xf32, #tpu.memory_space<hbm>>) target(%dma_start3A_308 : memref<16xf32, #tpu.memory_space<vmem>>) offsets(%add3A_304 : vector<16xi32>) semaphore(%arg7 : memref<!tpu.dma_semaphore, #tpu.memory_space<semaphore_mem>>)
    %add3A_311 = arith.constant 2000000 : i32
    %add3A_312 = vector.broadcast %add3A_311 : i32 to vector<16xi32>
    %add3A_313 = arith.addi %get3A_292, %add3A_312 : vector<16xi32>
    %dma_start3A_314 = arith.constant 2 : i32
    %dma_start3A_315 = arith.constant 160 : i32
    %dma_start3A_316 = tpu.memref_slice %arg6[%dma_start3A_314, %dma_start3A_315] : memref<3x512xf32, #tpu.memory_space<vmem>> -> memref<1x16xf32, #tpu.memory_space<vmem>>
    %dma_start3A_317 = tpu.memref_squeeze %dma_start3A_316 : memref<1x16xf32, #tpu.memory_space<vmem>> -> memref<16xf32, #tpu.memory_space<vmem>>
    %dma_start3A_318 = arith.constant 0 : i32
    %dma_start3A_319 = tpu.memref_slice %arg2[%dma_start3A_318] : memref<3000000xf32, #tpu.memory_space<hbm>> -> memref<3000000xf32, #tpu.memory_space<hbm>>
    tpu.enqueue_indirect_dma source(%dma_start3A_319 : memref<3000000xf32, #tpu.memory_space<hbm>>) target(%dma_start3A_317 : memref<16xf32, #tpu.memory_space<vmem>>) offsets(%add3A_313 : vector<16xi32>) semaphore(%arg7 : memref<!tpu.dma_semaphore, #tpu.memory_space<semaphore_mem>>)
    %get3A_320 = arith.constant 176 : index
    %get3A_321 = tpu.vector_load %arg5[%get3A_320] {strides = array<i32>} : memref<512xi32, #tpu.memory_space<vmem>>, vector<16xi32>,
    %add3A_322 = arith.constant 0 : i32
    %add3A_323 = vector.broadcast %add3A_322 : i32 to vector<16xi32>
    %add3A_324 = arith.addi %get3A_321, %add3A_323 : vector<16xi32>
    %dma_start3A_325 = arith.constant 0 : i32
    %dma_start3A_326 = arith.constant 176 : i32
    %dma_start3A_327 = tpu.memref_slice %arg6[%dma_start3A_325, %dma_start3A_326] : memref<3x512xf32, #tpu.memory_space<vmem>> -> memref<1x16xf32, #tpu.memory_space<vmem>>
    %dma_start3A_328 = tpu.memref_squeeze %dma_start3A_327 : memref<1x16xf32, #tpu.memory_space<vmem>> -> memref<16xf32, #tpu.memory_space<vmem>>
    %dma_start3A_329 = arith.constant 0 : i32
    %dma_start3A_330 = tpu.memref_slice %arg2[%dma_start3A_329] : memref<3000000xf32, #tpu.memory_space<hbm>> -> memref<3000000xf32, #tpu.memory_space<hbm>>
    tpu.enqueue_indirect_dma source(%dma_start3A_330 : memref<3000000xf32, #tpu.memory_space<hbm>>) target(%dma_start3A_328 : memref<16xf32, #tpu.memory_space<vmem>>) offsets(%add3A_324 : vector<16xi32>) semaphore(%arg7 : memref<!tpu.dma_semaphore, #tpu.memory_space<semaphore_mem>>)
    %add3A_331 = arith.constant 1000000 : i32
    %add3A_332 = vector.broadcast %add3A_331 : i32 to vector<16xi32>
    %add3A_333 = arith.addi %get3A_321, %add3A_332 : vector<16xi32>
    %dma_start3A_334 = arith.constant 1 : i32
    %dma_start3A_335 = arith.constant 176 : i32
    %dma_start3A_336 = tpu.memref_slice %arg6[%dma_start3A_334, %dma_start3A_335] : memref<3x512xf32, #tpu.memory_space<vmem>> -> memref<1x16xf32, #tpu.memory_space<vmem>>
    %dma_start3A_337 = tpu.memref_squeeze %dma_start3A_336 : memref<1x16xf32, #tpu.memory_space<vmem>> -> memref<16xf32, #tpu.memory_space<vmem>>
    %dma_start3A_338 = arith.constant 0 : i32
    %dma_start3A_339 = tpu.memref_slice %arg2[%dma_start3A_338] : memref<3000000xf32, #tpu.memory_space<hbm>> -> memref<3000000xf32, #tpu.memory_space<hbm>>
    tpu.enqueue_indirect_dma source(%dma_start3A_339 : memref<3000000xf32, #tpu.memory_space<hbm>>) target(%dma_start3A_337 : memref<16xf32, #tpu.memory_space<vmem>>) offsets(%add3A_333 : vector<16xi32>) semaphore(%arg7 : memref<!tpu.dma_semaphore, #tpu.memory_space<semaphore_mem>>)
    %add3A_340 = arith.constant 2000000 : i32
    %add3A_341 = vector.broadcast %add3A_340 : i32 to vector<16xi32>
    %add3A_342 = arith.addi %get3A_321, %add3A_341 : vector<16xi32>
    %dma_start3A_343 = arith.constant 2 : i32
    %dma_start3A_344 = arith.constant 176 : i32
    %dma_start3A_345 = tpu.memref_slice %arg6[%dma_start3A_343, %dma_start3A_344] : memref<3x512xf32, #tpu.memory_space<vmem>> -> memref<1x16xf32, #tpu.memory_space<vmem>>
    %dma_start3A_346 = tpu.memref_squeeze %dma_start3A_345 : memref<1x16xf32, #tpu.memory_space<vmem>> -> memref<16xf32, #tpu.memory_space<vmem>>
    %dma_start3A_347 = arith.constant 0 : i32
    %dma_start3A_348 = tpu.memref_slice %arg2[%dma_start3A_347] : memref<3000000xf32, #tpu.memory_space<hbm>> -> memref<3000000xf32, #tpu.memory_space<hbm>>
    tpu.enqueue_indirect_dma source(%dma_start3A_348 : memref<3000000xf32, #tpu.memory_space<hbm>>) target(%dma_start3A_346 : memref<16xf32, #tpu.memory_space<vmem>>) offsets(%add3A_342 : vector<16xi32>) semaphore(%arg7 : memref<!tpu.dma_semaphore, #tpu.memory_space<semaphore_mem>>)
    %get3A_349 = arith.constant 192 : index
    %get3A_350 = tpu.vector_load %arg5[%get3A_349] {strides = array<i32>} : memref<512xi32, #tpu.memory_space<vmem>>, vector<16xi32>,
    %add3A_351 = arith.constant 0 : i32
    %add3A_352 = vector.broadcast %add3A_351 : i32 to vector<16xi32>
    %add3A_353 = arith.addi %get3A_350, %add3A_352 : vector<16xi32>
    %dma_start3A_354 = arith.constant 0 : i32
    %dma_start3A_355 = arith.constant 192 : i32
    %dma_start3A_356 = tpu.memref_slice %arg6[%dma_start3A_354, %dma_start3A_355] : memref<3x512xf32, #tpu.memory_space<vmem>> -> memref<1x16xf32, #tpu.memory_space<vmem>>
    %dma_start3A_357 = tpu.memref_squeeze %dma_start3A_356 : memref<1x16xf32, #tpu.memory_space<vmem>> -> memref<16xf32, #tpu.memory_space<vmem>>
    %dma_start3A_358 = arith.constant 0 : i32
    %dma_start3A_359 = tpu.memref_slice %arg2[%dma_start3A_358] : memref<3000000xf32, #tpu.memory_space<hbm>> -> memref<3000000xf32, #tpu.memory_space<hbm>>
    tpu.enqueue_indirect_dma source(%dma_start3A_359 : memref<3000000xf32, #tpu.memory_space<hbm>>) target(%dma_start3A_357 : memref<16xf32, #tpu.memory_space<vmem>>) offsets(%add3A_353 : vector<16xi32>) semaphore(%arg7 : memref<!tpu.dma_semaphore, #tpu.memory_space<semaphore_mem>>)
    %add3A_360 = arith.constant 1000000 : i32
    %add3A_361 = vector.broadcast %add3A_360 : i32 to vector<16xi32>
    %add3A_362 = arith.addi %get3A_350, %add3A_361 : vector<16xi32>
    %dma_start3A_363 = arith.constant 1 : i32
    %dma_start3A_364 = arith.constant 192 : i32
    %dma_start3A_365 = tpu.memref_slice %arg6[%dma_start3A_363, %dma_start3A_364] : memref<3x512xf32, #tpu.memory_space<vmem>> -> memref<1x16xf32, #tpu.memory_space<vmem>>
    %dma_start3A_366 = tpu.memref_squeeze %dma_start3A_365 : memref<1x16xf32, #tpu.memory_space<vmem>> -> memref<16xf32, #tpu.memory_space<vmem>>
    %dma_start3A_367 = arith.constant 0 : i32
    %dma_start3A_368 = tpu.memref_slice %arg2[%dma_start3A_367] : memref<3000000xf32, #tpu.memory_space<hbm>> -> memref<3000000xf32, #tpu.memory_space<hbm>>
    tpu.enqueue_indirect_dma source(%dma_start3A_368 : memref<3000000xf32, #tpu.memory_space<hbm>>) target(%dma_start3A_366 : memref<16xf32, #tpu.memory_space<vmem>>) offsets(%add3A_362 : vector<16xi32>) semaphore(%arg7 : memref<!tpu.dma_semaphore, #tpu.memory_space<semaphore_mem>>)
    %add3A_369 = arith.constant 2000000 : i32
    %add3A_370 = vector.broadcast %add3A_369 : i32 to vector<16xi32>
    %add3A_371 = arith.addi %get3A_350, %add3A_370 : vector<16xi32>
    %dma_start3A_372 = arith.constant 2 : i32
    %dma_start3A_373 = arith.constant 192 : i32
    %dma_start3A_374 = tpu.memref_slice %arg6[%dma_start3A_372, %dma_start3A_373] : memref<3x512xf32, #tpu.memory_space<vmem>> -> memref<1x16xf32, #tpu.memory_space<vmem>>
    %dma_start3A_375 = tpu.memref_squeeze %dma_start3A_374 : memref<1x16xf32, #tpu.memory_space<vmem>> -> memref<16xf32, #tpu.memory_space<vmem>>
    %dma_start3A_376 = arith.constant 0 : i32
    %dma_start3A_377 = tpu.memref_slice %arg2[%dma_start3A_376] : memref<3000000xf32, #tpu.memory_space<hbm>> -> memref<3000000xf32, #tpu.memory_space<hbm>>
    tpu.enqueue_indirect_dma source(%dma_start3A_377 : memref<3000000xf32, #tpu.memory_space<hbm>>) target(%dma_start3A_375 : memref<16xf32, #tpu.memory_space<vmem>>) offsets(%add3A_371 : vector<16xi32>) semaphore(%arg7 : memref<!tpu.dma_semaphore, #tpu.memory_space<semaphore_mem>>)
    %get3A_378 = arith.constant 208 : index
    %get3A_379 = tpu.vector_load %arg5[%get3A_378] {strides = array<i32>} : memref<512xi32, #tpu.memory_space<vmem>>, vector<16xi32>,
    %add3A_380 = arith.constant 0 : i32
    %add3A_381 = vector.broadcast %add3A_380 : i32 to vector<16xi32>
    %add3A_382 = arith.addi %get3A_379, %add3A_381 : vector<16xi32>
    %dma_start3A_383 = arith.constant 0 : i32
    %dma_start3A_384 = arith.constant 208 : i32
    %dma_start3A_385 = tpu.memref_slice %arg6[%dma_start3A_383, %dma_start3A_384] : memref<3x512xf32, #tpu.memory_space<vmem>> -> memref<1x16xf32, #tpu.memory_space<vmem>>
    %dma_start3A_386 = tpu.memref_squeeze %dma_start3A_385 : memref<1x16xf32, #tpu.memory_space<vmem>> -> memref<16xf32, #tpu.memory_space<vmem>>
    %dma_start3A_387 = arith.constant 0 : i32
    %dma_start3A_388 = tpu.memref_slice %arg2[%dma_start3A_387] : memref<3000000xf32, #tpu.memory_space<hbm>> -> memref<3000000xf32, #tpu.memory_space<hbm>>
    tpu.enqueue_indirect_dma source(%dma_start3A_388 : memref<3000000xf32, #tpu.memory_space<hbm>>) target(%dma_start3A_386 : memref<16xf32, #tpu.memory_space<vmem>>) offsets(%add3A_382 : vector<16xi32>) semaphore(%arg7 : memref<!tpu.dma_semaphore, #tpu.memory_space<semaphore_mem>>)
    %add3A_389 = arith.constant 1000000 : i32
    %add3A_390 = vector.broadcast %add3A_389 : i32 to vector<16xi32>
    %add3A_391 = arith.addi %get3A_379, %add3A_390 : vector<16xi32>
    %dma_start3A_392 = arith.constant 1 : i32
    %dma_start3A_393 = arith.constant 208 : i32
    %dma_start3A_394 = tpu.memref_slice %arg6[%dma_start3A_392, %dma_start3A_393] : memref<3x512xf32, #tpu.memory_space<vmem>> -> memref<1x16xf32, #tpu.memory_space<vmem>>
    %dma_start3A_395 = tpu.memref_squeeze %dma_start3A_394 : memref<1x16xf32, #tpu.memory_space<vmem>> -> memref<16xf32, #tpu.memory_space<vmem>>
    %dma_start3A_396 = arith.constant 0 : i32
    %dma_start3A_397 = tpu.memref_slice %arg2[%dma_start3A_396] : memref<3000000xf32, #tpu.memory_space<hbm>> -> memref<3000000xf32, #tpu.memory_space<hbm>>
    tpu.enqueue_indirect_dma source(%dma_start3A_397 : memref<3000000xf32, #tpu.memory_space<hbm>>) target(%dma_start3A_395 : memref<16xf32, #tpu.memory_space<vmem>>) offsets(%add3A_391 : vector<16xi32>) semaphore(%arg7 : memref<!tpu.dma_semaphore, #tpu.memory_space<semaphore_mem>>)
    %add3A_398 = arith.constant 2000000 : i32
    %add3A_399 = vector.broadcast %add3A_398 : i32 to vector<16xi32>
    %add3A_400 = arith.addi %get3A_379, %add3A_399 : vector<16xi32>
    %dma_start3A_401 = arith.constant 2 : i32
    %dma_start3A_402 = arith.constant 208 : i32
    %dma_start3A_403 = tpu.memref_slice %arg6[%dma_start3A_401, %dma_start3A_402] : memref<3x512xf32, #tpu.memory_space<vmem>> -> memref<1x16xf32, #tpu.memory_space<vmem>>
    %dma_start3A_404 = tpu.memref_squeeze %dma_start3A_403 : memref<1x16xf32, #tpu.memory_space<vmem>> -> memref<16xf32, #tpu.memory_space<vmem>>
    %dma_start3A_405 = arith.constant 0 : i32
    %dma_start3A_406 = tpu.memref_slice %arg2[%dma_start3A_405] : memref<3000000xf32, #tpu.memory_space<hbm>> -> memref<3000000xf32, #tpu.memory_space<hbm>>
    tpu.enqueue_indirect_dma source(%dma_start3A_406 : memref<3000000xf32, #tpu.memory_space<hbm>>) target(%dma_start3A_404 : memref<16xf32, #tpu.memory_space<vmem>>) offsets(%add3A_400 : vector<16xi32>) semaphore(%arg7 : memref<!tpu.dma_semaphore, #tpu.memory_space<semaphore_mem>>)
    %get3A_407 = arith.constant 224 : index
    %get3A_408 = tpu.vector_load %arg5[%get3A_407] {strides = array<i32>} : memref<512xi32, #tpu.memory_space<vmem>>, vector<16xi32>,
    %add3A_409 = arith.constant 0 : i32
    %add3A_410 = vector.broadcast %add3A_409 : i32 to vector<16xi32>
    %add3A_411 = arith.addi %get3A_408, %add3A_410 : vector<16xi32>
    %dma_start3A_412 = arith.constant 0 : i32
    %dma_start3A_413 = arith.constant 224 : i32
    %dma_start3A_414 = tpu.memref_slice %arg6[%dma_start3A_412, %dma_start3A_413] : memref<3x512xf32, #tpu.memory_space<vmem>> -> memref<1x16xf32, #tpu.memory_space<vmem>>
    %dma_start3A_415 = tpu.memref_squeeze %dma_start3A_414 : memref<1x16xf32, #tpu.memory_space<vmem>> -> memref<16xf32, #tpu.memory_space<vmem>>
    %dma_start3A_416 = arith.constant 0 : i32
    %dma_start3A_417 = tpu.memref_slice %arg2[%dma_start3A_416] : memref<3000000xf32, #tpu.memory_space<hbm>> -> memref<3000000xf32, #tpu.memory_space<hbm>>
    tpu.enqueue_indirect_dma source(%dma_start3A_417 : memref<3000000xf32, #tpu.memory_space<hbm>>) target(%dma_start3A_415 : memref<16xf32, #tpu.memory_space<vmem>>) offsets(%add3A_411 : vector<16xi32>) semaphore(%arg7 : memref<!tpu.dma_semaphore, #tpu.memory_space<semaphore_mem>>)
    %add3A_418 = arith.constant 1000000 : i32
    %add3A_419 = vector.broadcast %add3A_418 : i32 to vector<16xi32>
    %add3A_420 = arith.addi %get3A_408, %add3A_419 : vector<16xi32>
    %dma_start3A_421 = arith.constant 1 : i32
    %dma_start3A_422 = arith.constant 224 : i32
    %dma_start3A_423 = tpu.memref_slice %arg6[%dma_start3A_421, %dma_start3A_422] : memref<3x512xf32, #tpu.memory_space<vmem>> -> memref<1x16xf32, #tpu.memory_space<vmem>>
    %dma_start3A_424 = tpu.memref_squeeze %dma_start3A_423 : memref<1x16xf32, #tpu.memory_space<vmem>> -> memref<16xf32, #tpu.memory_space<vmem>>
    %dma_start3A_425 = arith.constant 0 : i32
    %dma_start3A_426 = tpu.memref_slice %arg2[%dma_start3A_425] : memref<3000000xf32, #tpu.memory_space<hbm>> -> memref<3000000xf32, #tpu.memory_space<hbm>>
    tpu.enqueue_indirect_dma source(%dma_start3A_426 : memref<3000000xf32, #tpu.memory_space<hbm>>) target(%dma_start3A_424 : memref<16xf32, #tpu.memory_space<vmem>>) offsets(%add3A_420 : vector<16xi32>) semaphore(%arg7 : memref<!tpu.dma_semaphore, #tpu.memory_space<semaphore_mem>>)
    %add3A_427 = arith.constant 2000000 : i32
    %add3A_428 = vector.broadcast %add3A_427 : i32 to vector<16xi32>
    %add3A_429 = arith.addi %get3A_408, %add3A_428 : vector<16xi32>
    %dma_start3A_430 = arith.constant 2 : i32
    %dma_start3A_431 = arith.constant 224 : i32
    %dma_start3A_432 = tpu.memref_slice %arg6[%dma_start3A_430, %dma_start3A_431] : memref<3x512xf32, #tpu.memory_space<vmem>> -> memref<1x16xf32, #tpu.memory_space<vmem>>
    %dma_start3A_433 = tpu.memref_squeeze %dma_start3A_432 : memref<1x16xf32, #tpu.memory_space<vmem>> -> memref<16xf32, #tpu.memory_space<vmem>>
    %dma_start3A_434 = arith.constant 0 : i32
    %dma_start3A_435 = tpu.memref_slice %arg2[%dma_start3A_434] : memref<3000000xf32, #tpu.memory_space<hbm>> -> memref<3000000xf32, #tpu.memory_space<hbm>>
    tpu.enqueue_indirect_dma source(%dma_start3A_435 : memref<3000000xf32, #tpu.memory_space<hbm>>) target(%dma_start3A_433 : memref<16xf32, #tpu.memory_space<vmem>>) offsets(%add3A_429 : vector<16xi32>) semaphore(%arg7 : memref<!tpu.dma_semaphore, #tpu.memory_space<semaphore_mem>>)
    %get3A_436 = arith.constant 240 : index
    %get3A_437 = tpu.vector_load %arg5[%get3A_436] {strides = array<i32>} : memref<512xi32, #tpu.memory_space<vmem>>, vector<16xi32>,
    %add3A_438 = arith.constant 0 : i32
    %add3A_439 = vector.broadcast %add3A_438 : i32 to vector<16xi32>
    %add3A_440 = arith.addi %get3A_437, %add3A_439 : vector<16xi32>
    %dma_start3A_441 = arith.constant 0 : i32
    %dma_start3A_442 = arith.constant 240 : i32
    %dma_start3A_443 = tpu.memref_slice %arg6[%dma_start3A_441, %dma_start3A_442] : memref<3x512xf32, #tpu.memory_space<vmem>> -> memref<1x16xf32, #tpu.memory_space<vmem>>
    %dma_start3A_444 = tpu.memref_squeeze %dma_start3A_443 : memref<1x16xf32, #tpu.memory_space<vmem>> -> memref<16xf32, #tpu.memory_space<vmem>>
    %dma_start3A_445 = arith.constant 0 : i32
    %dma_start3A_446 = tpu.memref_slice %arg2[%dma_start3A_445] : memref<3000000xf32, #tpu.memory_space<hbm>> -> memref<3000000xf32, #tpu.memory_space<hbm>>
    tpu.enqueue_indirect_dma source(%dma_start3A_446 : memref<3000000xf32, #tpu.memory_space<hbm>>) target(%dma_start3A_444 : memref<16xf32, #tpu.memory_space<vmem>>) offsets(%add3A_440 : vector<16xi32>) semaphore(%arg7 : memref<!tpu.dma_semaphore, #tpu.memory_space<semaphore_mem>>)
    %add3A_447 = arith.constant 1000000 : i32
    %add3A_448 = vector.broadcast %add3A_447 : i32 to vector<16xi32>
    %add3A_449 = arith.addi %get3A_437, %add3A_448 : vector<16xi32>
    %dma_start3A_450 = arith.constant 1 : i32
    %dma_start3A_451 = arith.constant 240 : i32
    %dma_start3A_452 = tpu.memref_slice %arg6[%dma_start3A_450, %dma_start3A_451] : memref<3x512xf32, #tpu.memory_space<vmem>> -> memref<1x16xf32, #tpu.memory_space<vmem>>
    %dma_start3A_453 = tpu.memref_squeeze %dma_start3A_452 : memref<1x16xf32, #tpu.memory_space<vmem>> -> memref<16xf32, #tpu.memory_space<vmem>>
    %dma_start3A_454 = arith.constant 0 : i32
    %dma_start3A_455 = tpu.memref_slice %arg2[%dma_start3A_454] : memref<3000000xf32, #tpu.memory_space<hbm>> -> memref<3000000xf32, #tpu.memory_space<hbm>>
    tpu.enqueue_indirect_dma source(%dma_start3A_455 : memref<3000000xf32, #tpu.memory_space<hbm>>) target(%dma_start3A_453 : memref<16xf32, #tpu.memory_space<vmem>>) offsets(%add3A_449 : vector<16xi32>) semaphore(%arg7 : memref<!tpu.dma_semaphore, #tpu.memory_space<semaphore_mem>>)
    %add3A_456 = arith.constant 2000000 : i32
    %add3A_457 = vector.broadcast %add3A_456 : i32 to vector<16xi32>
    %add3A_458 = arith.addi %get3A_437, %add3A_457 : vector<16xi32>
    %dma_start3A_459 = arith.constant 2 : i32
    %dma_start3A_460 = arith.constant 240 : i32
    %dma_start3A_461 = tpu.memref_slice %arg6[%dma_start3A_459, %dma_start3A_460] : memref<3x512xf32, #tpu.memory_space<vmem>> -> memref<1x16xf32, #tpu.memory_space<vmem>>
    %dma_start3A_462 = tpu.memref_squeeze %dma_start3A_461 : memref<1x16xf32, #tpu.memory_space<vmem>> -> memref<16xf32, #tpu.memory_space<vmem>>
    %dma_start3A_463 = arith.constant 0 : i32
    %dma_start3A_464 = tpu.memref_slice %arg2[%dma_start3A_463] : memref<3000000xf32, #tpu.memory_space<hbm>> -> memref<3000000xf32, #tpu.memory_space<hbm>>
    tpu.enqueue_indirect_dma source(%dma_start3A_464 : memref<3000000xf32, #tpu.memory_space<hbm>>) target(%dma_start3A_462 : memref<16xf32, #tpu.memory_space<vmem>>) offsets(%add3A_458 : vector<16xi32>) semaphore(%arg7 : memref<!tpu.dma_semaphore, #tpu.memory_space<semaphore_mem>>)
    %get3A_465 = arith.constant 256 : index
    %get3A_466 = tpu.vector_load %arg5[%get3A_465] {strides = array<i32>} : memref<512xi32, #tpu.memory_space<vmem>>, vector<16xi32>,
    %add3A_467 = arith.constant 0 : i32
    %add3A_468 = vector.broadcast %add3A_467 : i32 to vector<16xi32>
    %add3A_469 = arith.addi %get3A_466, %add3A_468 : vector<16xi32>
    %dma_start3A_470 = arith.constant 0 : i32
    %dma_start3A_471 = arith.constant 256 : i32
    %dma_start3A_472 = tpu.memref_slice %arg6[%dma_start3A_470, %dma_start3A_471] : memref<3x512xf32, #tpu.memory_space<vmem>> -> memref<1x16xf32, #tpu.memory_space<vmem>>
    %dma_start3A_473 = tpu.memref_squeeze %dma_start3A_472 : memref<1x16xf32, #tpu.memory_space<vmem>> -> memref<16xf32, #tpu.memory_space<vmem>>
    %dma_start3A_474 = arith.constant 0 : i32
    %dma_start3A_475 = tpu.memref_slice %arg2[%dma_start3A_474] : memref<3000000xf32, #tpu.memory_space<hbm>> -> memref<3000000xf32, #tpu.memory_space<hbm>>
    tpu.enqueue_indirect_dma source(%dma_start3A_475 : memref<3000000xf32, #tpu.memory_space<hbm>>) target(%dma_start3A_473 : memref<16xf32, #tpu.memory_space<vmem>>) offsets(%add3A_469 : vector<16xi32>) semaphore(%arg7 : memref<!tpu.dma_semaphore, #tpu.memory_space<semaphore_mem>>)
    %add3A_476 = arith.constant 1000000 : i32
    %add3A_477 = vector.broadcast %add3A_476 : i32 to vector<16xi32>
    %add3A_478 = arith.addi %get3A_466, %add3A_477 : vector<16xi32>
    %dma_start3A_479 = arith.constant 1 : i32
    %dma_start3A_480 = arith.constant 256 : i32
    %dma_start3A_481 = tpu.memref_slice %arg6[%dma_start3A_479, %dma_start3A_480] : memref<3x512xf32, #tpu.memory_space<vmem>> -> memref<1x16xf32, #tpu.memory_space<vmem>>
    %dma_start3A_482 = tpu.memref_squeeze %dma_start3A_481 : memref<1x16xf32, #tpu.memory_space<vmem>> -> memref<16xf32, #tpu.memory_space<vmem>>
    %dma_start3A_483 = arith.constant 0 : i32
    %dma_start3A_484 = tpu.memref_slice %arg2[%dma_start3A_483] : memref<3000000xf32, #tpu.memory_space<hbm>> -> memref<3000000xf32, #tpu.memory_space<hbm>>
    tpu.enqueue_indirect_dma source(%dma_start3A_484 : memref<3000000xf32, #tpu.memory_space<hbm>>) target(%dma_start3A_482 : memref<16xf32, #tpu.memory_space<vmem>>) offsets(%add3A_478 : vector<16xi32>) semaphore(%arg7 : memref<!tpu.dma_semaphore, #tpu.memory_space<semaphore_mem>>)
    %add3A_485 = arith.constant 2000000 : i32
    %add3A_486 = vector.broadcast %add3A_485 : i32 to vector<16xi32>
    %add3A_487 = arith.addi %get3A_466, %add3A_486 : vector<16xi32>
    %dma_start3A_488 = arith.constant 2 : i32
    %dma_start3A_489 = arith.constant 256 : i32
    %dma_start3A_490 = tpu.memref_slice %arg6[%dma_start3A_488, %dma_start3A_489] : memref<3x512xf32, #tpu.memory_space<vmem>> -> memref<1x16xf32, #tpu.memory_space<vmem>>
    %dma_start3A_491 = tpu.memref_squeeze %dma_start3A_490 : memref<1x16xf32, #tpu.memory_space<vmem>> -> memref<16xf32, #tpu.memory_space<vmem>>
    %dma_start3A_492 = arith.constant 0 : i32
    %dma_start3A_493 = tpu.memref_slice %arg2[%dma_start3A_492] : memref<3000000xf32, #tpu.memory_space<hbm>> -> memref<3000000xf32, #tpu.memory_space<hbm>>
    tpu.enqueue_indirect_dma source(%dma_start3A_493 : memref<3000000xf32, #tpu.memory_space<hbm>>) target(%dma_start3A_491 : memref<16xf32, #tpu.memory_space<vmem>>) offsets(%add3A_487 : vector<16xi32>) semaphore(%arg7 : memref<!tpu.dma_semaphore, #tpu.memory_space<semaphore_mem>>)
    %get3A_494 = arith.constant 272 : index
    %get3A_495 = tpu.vector_load %arg5[%get3A_494] {strides = array<i32>} : memref<512xi32, #tpu.memory_space<vmem>>, vector<16xi32>,
    %add3A_496 = arith.constant 0 : i32
    %add3A_497 = vector.broadcast %add3A_496 : i32 to vector<16xi32>
    %add3A_498 = arith.addi %get3A_495, %add3A_497 : vector<16xi32>
    %dma_start3A_499 = arith.constant 0 : i32
    %dma_start3A_500 = arith.constant 272 : i32
    %dma_start3A_501 = tpu.memref_slice %arg6[%dma_start3A_499, %dma_start3A_500] : memref<3x512xf32, #tpu.memory_space<vmem>> -> memref<1x16xf32, #tpu.memory_space<vmem>>
    %dma_start3A_502 = tpu.memref_squeeze %dma_start3A_501 : memref<1x16xf32, #tpu.memory_space<vmem>> -> memref<16xf32, #tpu.memory_space<vmem>>
    %dma_start3A_503 = arith.constant 0 : i32
    %dma_start3A_504 = tpu.memref_slice %arg2[%dma_start3A_503] : memref<3000000xf32, #tpu.memory_space<hbm>> -> memref<3000000xf32, #tpu.memory_space<hbm>>
    tpu.enqueue_indirect_dma source(%dma_start3A_504 : memref<3000000xf32, #tpu.memory_space<hbm>>) target(%dma_start3A_502 : memref<16xf32, #tpu.memory_space<vmem>>) offsets(%add3A_498 : vector<16xi32>) semaphore(%arg7 : memref<!tpu.dma_semaphore, #tpu.memory_space<semaphore_mem>>)
    %add3A_505 = arith.constant 1000000 : i32
    %add3A_506 = vector.broadcast %add3A_505 : i32 to vector<16xi32>
    %add3A_507 = arith.addi %get3A_495, %add3A_506 : vector<16xi32>
    %dma_start3A_508 = arith.constant 1 : i32
    %dma_start3A_509 = arith.constant 272 : i32
    %dma_start3A_510 = tpu.memref_slice %arg6[%dma_start3A_508, %dma_start3A_509] : memref<3x512xf32, #tpu.memory_space<vmem>> -> memref<1x16xf32, #tpu.memory_space<vmem>>
    %dma_start3A_511 = tpu.memref_squeeze %dma_start3A_510 : memref<1x16xf32, #tpu.memory_space<vmem>> -> memref<16xf32, #tpu.memory_space<vmem>>
    %dma_start3A_512 = arith.constant 0 : i32
    %dma_start3A_513 = tpu.memref_slice %arg2[%dma_start3A_512] : memref<3000000xf32, #tpu.memory_space<hbm>> -> memref<3000000xf32, #tpu.memory_space<hbm>>
    tpu.enqueue_indirect_dma source(%dma_start3A_513 : memref<3000000xf32, #tpu.memory_space<hbm>>) target(%dma_start3A_511 : memref<16xf32, #tpu.memory_space<vmem>>) offsets(%add3A_507 : vector<16xi32>) semaphore(%arg7 : memref<!tpu.dma_semaphore, #tpu.memory_space<semaphore_mem>>)
    %add3A_514 = arith.constant 2000000 : i32
    %add3A_515 = vector.broadcast %add3A_514 : i32 to vector<16xi32>
    %add3A_516 = arith.addi %get3A_495, %add3A_515 : vector<16xi32>
    %dma_start3A_517 = arith.constant 2 : i32
    %dma_start3A_518 = arith.constant 272 : i32
    %dma_start3A_519 = tpu.memref_slice %arg6[%dma_start3A_517, %dma_start3A_518] : memref<3x512xf32, #tpu.memory_space<vmem>> -> memref<1x16xf32, #tpu.memory_space<vmem>>
    %dma_start3A_520 = tpu.memref_squeeze %dma_start3A_519 : memref<1x16xf32, #tpu.memory_space<vmem>> -> memref<16xf32, #tpu.memory_space<vmem>>
    %dma_start3A_521 = arith.constant 0 : i32
    %dma_start3A_522 = tpu.memref_slice %arg2[%dma_start3A_521] : memref<3000000xf32, #tpu.memory_space<hbm>> -> memref<3000000xf32, #tpu.memory_space<hbm>>
    tpu.enqueue_indirect_dma source(%dma_start3A_522 : memref<3000000xf32, #tpu.memory_space<hbm>>) target(%dma_start3A_520 : memref<16xf32, #tpu.memory_space<vmem>>) offsets(%add3A_516 : vector<16xi32>) semaphore(%arg7 : memref<!tpu.dma_semaphore, #tpu.memory_space<semaphore_mem>>)
    %get3A_523 = arith.constant 288 : index
    %get3A_524 = tpu.vector_load %arg5[%get3A_523] {strides = array<i32>} : memref<512xi32, #tpu.memory_space<vmem>>, vector<16xi32>,
    %add3A_525 = arith.constant 0 : i32
    %add3A_526 = vector.broadcast %add3A_525 : i32 to vector<16xi32>
    %add3A_527 = arith.addi %get3A_524, %add3A_526 : vector<16xi32>
    %dma_start3A_528 = arith.constant 0 : i32
    %dma_start3A_529 = arith.constant 288 : i32
    %dma_start3A_530 = tpu.memref_slice %arg6[%dma_start3A_528, %dma_start3A_529] : memref<3x512xf32, #tpu.memory_space<vmem>> -> memref<1x16xf32, #tpu.memory_space<vmem>>
    %dma_start3A_531 = tpu.memref_squeeze %dma_start3A_530 : memref<1x16xf32, #tpu.memory_space<vmem>> -> memref<16xf32, #tpu.memory_space<vmem>>
    %dma_start3A_532 = arith.constant 0 : i32
    %dma_start3A_533 = tpu.memref_slice %arg2[%dma_start3A_532] : memref<3000000xf32, #tpu.memory_space<hbm>> -> memref<3000000xf32, #tpu.memory_space<hbm>>
    tpu.enqueue_indirect_dma source(%dma_start3A_533 : memref<3000000xf32, #tpu.memory_space<hbm>>) target(%dma_start3A_531 : memref<16xf32, #tpu.memory_space<vmem>>) offsets(%add3A_527 : vector<16xi32>) semaphore(%arg7 : memref<!tpu.dma_semaphore, #tpu.memory_space<semaphore_mem>>)
    %add3A_534 = arith.constant 1000000 : i32
    %add3A_535 = vector.broadcast %add3A_534 : i32 to vector<16xi32>
    %add3A_536 = arith.addi %get3A_524, %add3A_535 : vector<16xi32>
    %dma_start3A_537 = arith.constant 1 : i32
    %dma_start3A_538 = arith.constant 288 : i32
    %dma_start3A_539 = tpu.memref_slice %arg6[%dma_start3A_537, %dma_start3A_538] : memref<3x512xf32, #tpu.memory_space<vmem>> -> memref<1x16xf32, #tpu.memory_space<vmem>>
    %dma_start3A_540 = tpu.memref_squeeze %dma_start3A_539 : memref<1x16xf32, #tpu.memory_space<vmem>> -> memref<16xf32, #tpu.memory_space<vmem>>
    %dma_start3A_541 = arith.constant 0 : i32
    %dma_start3A_542 = tpu.memref_slice %arg2[%dma_start3A_541] : memref<3000000xf32, #tpu.memory_space<hbm>> -> memref<3000000xf32, #tpu.memory_space<hbm>>
    tpu.enqueue_indirect_dma source(%dma_start3A_542 : memref<3000000xf32, #tpu.memory_space<hbm>>) target(%dma_start3A_540 : memref<16xf32, #tpu.memory_space<vmem>>) offsets(%add3A_536 : vector<16xi32>) semaphore(%arg7 : memref<!tpu.dma_semaphore, #tpu.memory_space<semaphore_mem>>)
    %add3A_543 = arith.constant 2000000 : i32
    %add3A_544 = vector.broadcast %add3A_543 : i32 to vector<16xi32>
    %add3A_545 = arith.addi %get3A_524, %add3A_544 : vector<16xi32>
    %dma_start3A_546 = arith.constant 2 : i32
    %dma_start3A_547 = arith.constant 288 : i32
    %dma_start3A_548 = tpu.memref_slice %arg6[%dma_start3A_546, %dma_start3A_547] : memref<3x512xf32, #tpu.memory_space<vmem>> -> memref<1x16xf32, #tpu.memory_space<vmem>>
    %dma_start3A_549 = tpu.memref_squeeze %dma_start3A_548 : memref<1x16xf32, #tpu.memory_space<vmem>> -> memref<16xf32, #tpu.memory_space<vmem>>
    %dma_start3A_550 = arith.constant 0 : i32
    %dma_start3A_551 = tpu.memref_slice %arg2[%dma_start3A_550] : memref<3000000xf32, #tpu.memory_space<hbm>> -> memref<3000000xf32, #tpu.memory_space<hbm>>
    tpu.enqueue_indirect_dma source(%dma_start3A_551 : memref<3000000xf32, #tpu.memory_space<hbm>>) target(%dma_start3A_549 : memref<16xf32, #tpu.memory_space<vmem>>) offsets(%add3A_545 : vector<16xi32>) semaphore(%arg7 : memref<!tpu.dma_semaphore, #tpu.memory_space<semaphore_mem>>)
    %get3A_552 = arith.constant 304 : index
    %get3A_553 = tpu.vector_load %arg5[%get3A_552] {strides = array<i32>} : memref<512xi32, #tpu.memory_space<vmem>>, vector<16xi32>,
    %add3A_554 = arith.constant 0 : i32
    %add3A_555 = vector.broadcast %add3A_554 : i32 to vector<16xi32>
    %add3A_556 = arith.addi %get3A_553, %add3A_555 : vector<16xi32>
    %dma_start3A_557 = arith.constant 0 : i32
    %dma_start3A_558 = arith.constant 304 : i32
    %dma_start3A_559 = tpu.memref_slice %arg6[%dma_start3A_557, %dma_start3A_558] : memref<3x512xf32, #tpu.memory_space<vmem>> -> memref<1x16xf32, #tpu.memory_space<vmem>>
    %dma_start3A_560 = tpu.memref_squeeze %dma_start3A_559 : memref<1x16xf32, #tpu.memory_space<vmem>> -> memref<16xf32, #tpu.memory_space<vmem>>
    %dma_start3A_561 = arith.constant 0 : i32
    %dma_start3A_562 = tpu.memref_slice %arg2[%dma_start3A_561] : memref<3000000xf32, #tpu.memory_space<hbm>> -> memref<3000000xf32, #tpu.memory_space<hbm>>
    tpu.enqueue_indirect_dma source(%dma_start3A_562 : memref<3000000xf32, #tpu.memory_space<hbm>>) target(%dma_start3A_560 : memref<16xf32, #tpu.memory_space<vmem>>) offsets(%add3A_556 : vector<16xi32>) semaphore(%arg7 : memref<!tpu.dma_semaphore, #tpu.memory_space<semaphore_mem>>)
    %add3A_563 = arith.constant 1000000 : i32
    %add3A_564 = vector.broadcast %add3A_563 : i32 to vector<16xi32>
    %add3A_565 = arith.addi %get3A_553, %add3A_564 : vector<16xi32>
    %dma_start3A_566 = arith.constant 1 : i32
    %dma_start3A_567 = arith.constant 304 : i32
    %dma_start3A_568 = tpu.memref_slice %arg6[%dma_start3A_566, %dma_start3A_567] : memref<3x512xf32, #tpu.memory_space<vmem>> -> memref<1x16xf32, #tpu.memory_space<vmem>>
    %dma_start3A_569 = tpu.memref_squeeze %dma_start3A_568 : memref<1x16xf32, #tpu.memory_space<vmem>> -> memref<16xf32, #tpu.memory_space<vmem>>
    %dma_start3A_570 = arith.constant 0 : i32
    %dma_start3A_571 = tpu.memref_slice %arg2[%dma_start3A_570] : memref<3000000xf32, #tpu.memory_space<hbm>> -> memref<3000000xf32, #tpu.memory_space<hbm>>
    tpu.enqueue_indirect_dma source(%dma_start3A_571 : memref<3000000xf32, #tpu.memory_space<hbm>>) target(%dma_start3A_569 : memref<16xf32, #tpu.memory_space<vmem>>) offsets(%add3A_565 : vector<16xi32>) semaphore(%arg7 : memref<!tpu.dma_semaphore, #tpu.memory_space<semaphore_mem>>)
    %add3A_572 = arith.constant 2000000 : i32
    %add3A_573 = vector.broadcast %add3A_572 : i32 to vector<16xi32>
    %add3A_574 = arith.addi %get3A_553, %add3A_573 : vector<16xi32>
    %dma_start3A_575 = arith.constant 2 : i32
    %dma_start3A_576 = arith.constant 304 : i32
    %dma_start3A_577 = tpu.memref_slice %arg6[%dma_start3A_575, %dma_start3A_576] : memref<3x512xf32, #tpu.memory_space<vmem>> -> memref<1x16xf32, #tpu.memory_space<vmem>>
    %dma_start3A_578 = tpu.memref_squeeze %dma_start3A_577 : memref<1x16xf32, #tpu.memory_space<vmem>> -> memref<16xf32, #tpu.memory_space<vmem>>
    %dma_start3A_579 = arith.constant 0 : i32
    %dma_start3A_580 = tpu.memref_slice %arg2[%dma_start3A_579] : memref<3000000xf32, #tpu.memory_space<hbm>> -> memref<3000000xf32, #tpu.memory_space<hbm>>
    tpu.enqueue_indirect_dma source(%dma_start3A_580 : memref<3000000xf32, #tpu.memory_space<hbm>>) target(%dma_start3A_578 : memref<16xf32, #tpu.memory_space<vmem>>) offsets(%add3A_574 : vector<16xi32>) semaphore(%arg7 : memref<!tpu.dma_semaphore, #tpu.memory_space<semaphore_mem>>)
    %get3A_581 = arith.constant 320 : index
    %get3A_582 = tpu.vector_load %arg5[%get3A_581] {strides = array<i32>} : memref<512xi32, #tpu.memory_space<vmem>>, vector<16xi32>,
    %add3A_583 = arith.constant 0 : i32
    %add3A_584 = vector.broadcast %add3A_583 : i32 to vector<16xi32>
    %add3A_585 = arith.addi %get3A_582, %add3A_584 : vector<16xi32>
    %dma_start3A_586 = arith.constant 0 : i32
    %dma_start3A_587 = arith.constant 320 : i32
    %dma_start3A_588 = tpu.memref_slice %arg6[%dma_start3A_586, %dma_start3A_587] : memref<3x512xf32, #tpu.memory_space<vmem>> -> memref<1x16xf32, #tpu.memory_space<vmem>>
    %dma_start3A_589 = tpu.memref_squeeze %dma_start3A_588 : memref<1x16xf32, #tpu.memory_space<vmem>> -> memref<16xf32, #tpu.memory_space<vmem>>
    %dma_start3A_590 = arith.constant 0 : i32
    %dma_start3A_591 = tpu.memref_slice %arg2[%dma_start3A_590] : memref<3000000xf32, #tpu.memory_space<hbm>> -> memref<3000000xf32, #tpu.memory_space<hbm>>
    tpu.enqueue_indirect_dma source(%dma_start3A_591 : memref<3000000xf32, #tpu.memory_space<hbm>>) target(%dma_start3A_589 : memref<16xf32, #tpu.memory_space<vmem>>) offsets(%add3A_585 : vector<16xi32>) semaphore(%arg7 : memref<!tpu.dma_semaphore, #tpu.memory_space<semaphore_mem>>)
    %add3A_592 = arith.constant 1000000 : i32
    %add3A_593 = vector.broadcast %add3A_592 : i32 to vector<16xi32>
    %add3A_594 = arith.addi %get3A_582, %add3A_593 : vector<16xi32>
    %dma_start3A_595 = arith.constant 1 : i32
    %dma_start3A_596 = arith.constant 320 : i32
    %dma_start3A_597 = tpu.memref_slice %arg6[%dma_start3A_595, %dma_start3A_596] : memref<3x512xf32, #tpu.memory_space<vmem>> -> memref<1x16xf32, #tpu.memory_space<vmem>>
    %dma_start3A_598 = tpu.memref_squeeze %dma_start3A_597 : memref<1x16xf32, #tpu.memory_space<vmem>> -> memref<16xf32, #tpu.memory_space<vmem>>
    %dma_start3A_599 = arith.constant 0 : i32
    %dma_start3A_600 = tpu.memref_slice %arg2[%dma_start3A_599] : memref<3000000xf32, #tpu.memory_space<hbm>> -> memref<3000000xf32, #tpu.memory_space<hbm>>
    tpu.enqueue_indirect_dma source(%dma_start3A_600 : memref<3000000xf32, #tpu.memory_space<hbm>>) target(%dma_start3A_598 : memref<16xf32, #tpu.memory_space<vmem>>) offsets(%add3A_594 : vector<16xi32>) semaphore(%arg7 : memref<!tpu.dma_semaphore, #tpu.memory_space<semaphore_mem>>)
    %add3A_601 = arith.constant 2000000 : i32
    %add3A_602 = vector.broadcast %add3A_601 : i32 to vector<16xi32>
    %add3A_603 = arith.addi %get3A_582, %add3A_602 : vector<16xi32>
    %dma_start3A_604 = arith.constant 2 : i32
    %dma_start3A_605 = arith.constant 320 : i32
    %dma_start3A_606 = tpu.memref_slice %arg6[%dma_start3A_604, %dma_start3A_605] : memref<3x512xf32, #tpu.memory_space<vmem>> -> memref<1x16xf32, #tpu.memory_space<vmem>>
    %dma_start3A_607 = tpu.memref_squeeze %dma_start3A_606 : memref<1x16xf32, #tpu.memory_space<vmem>> -> memref<16xf32, #tpu.memory_space<vmem>>
    %dma_start3A_608 = arith.constant 0 : i32
    %dma_start3A_609 = tpu.memref_slice %arg2[%dma_start3A_608] : memref<3000000xf32, #tpu.memory_space<hbm>> -> memref<3000000xf32, #tpu.memory_space<hbm>>
    tpu.enqueue_indirect_dma source(%dma_start3A_609 : memref<3000000xf32, #tpu.memory_space<hbm>>) target(%dma_start3A_607 : memref<16xf32, #tpu.memory_space<vmem>>) offsets(%add3A_603 : vector<16xi32>) semaphore(%arg7 : memref<!tpu.dma_semaphore, #tpu.memory_space<semaphore_mem>>)
    %get3A_610 = arith.constant 336 : index
    %get3A_611 = tpu.vector_load %arg5[%get3A_610] {strides = array<i32>} : memref<512xi32, #tpu.memory_space<vmem>>, vector<16xi32>,
    %add3A_612 = arith.constant 0 : i32
    %add3A_613 = vector.broadcast %add3A_612 : i32 to vector<16xi32>
    %add3A_614 = arith.addi %get3A_611, %add3A_613 : vector<16xi32>
    %dma_start3A_615 = arith.constant 0 : i32
    %dma_start3A_616 = arith.constant 336 : i32
    %dma_start3A_617 = tpu.memref_slice %arg6[%dma_start3A_615, %dma_start3A_616] : memref<3x512xf32, #tpu.memory_space<vmem>> -> memref<1x16xf32, #tpu.memory_space<vmem>>
    %dma_start3A_618 = tpu.memref_squeeze %dma_start3A_617 : memref<1x16xf32, #tpu.memory_space<vmem>> -> memref<16xf32, #tpu.memory_space<vmem>>
    %dma_start3A_619 = arith.constant 0 : i32
    %dma_start3A_620 = tpu.memref_slice %arg2[%dma_start3A_619] : memref<3000000xf32, #tpu.memory_space<hbm>> -> memref<3000000xf32, #tpu.memory_space<hbm>>
    tpu.enqueue_indirect_dma source(%dma_start3A_620 : memref<3000000xf32, #tpu.memory_space<hbm>>) target(%dma_start3A_618 : memref<16xf32, #tpu.memory_space<vmem>>) offsets(%add3A_614 : vector<16xi32>) semaphore(%arg7 : memref<!tpu.dma_semaphore, #tpu.memory_space<semaphore_mem>>)
    %add3A_621 = arith.constant 1000000 : i32
    %add3A_622 = vector.broadcast %add3A_621 : i32 to vector<16xi32>
    %add3A_623 = arith.addi %get3A_611, %add3A_622 : vector<16xi32>
    %dma_start3A_624 = arith.constant 1 : i32
    %dma_start3A_625 = arith.constant 336 : i32
    %dma_start3A_626 = tpu.memref_slice %arg6[%dma_start3A_624, %dma_start3A_625] : memref<3x512xf32, #tpu.memory_space<vmem>> -> memref<1x16xf32, #tpu.memory_space<vmem>>
    %dma_start3A_627 = tpu.memref_squeeze %dma_start3A_626 : memref<1x16xf32, #tpu.memory_space<vmem>> -> memref<16xf32, #tpu.memory_space<vmem>>
    %dma_start3A_628 = arith.constant 0 : i32
    %dma_start3A_629 = tpu.memref_slice %arg2[%dma_start3A_628] : memref<3000000xf32, #tpu.memory_space<hbm>> -> memref<3000000xf32, #tpu.memory_space<hbm>>
    tpu.enqueue_indirect_dma source(%dma_start3A_629 : memref<3000000xf32, #tpu.memory_space<hbm>>) target(%dma_start3A_627 : memref<16xf32, #tpu.memory_space<vmem>>) offsets(%add3A_623 : vector<16xi32>) semaphore(%arg7 : memref<!tpu.dma_semaphore, #tpu.memory_space<semaphore_mem>>)
    %add3A_630 = arith.constant 2000000 : i32
    %add3A_631 = vector.broadcast %add3A_630 : i32 to vector<16xi32>
    %add3A_632 = arith.addi %get3A_611, %add3A_631 : vector<16xi32>
    %dma_start3A_633 = arith.constant 2 : i32
    %dma_start3A_634 = arith.constant 336 : i32
    %dma_start3A_635 = tpu.memref_slice %arg6[%dma_start3A_633, %dma_start3A_634] : memref<3x512xf32, #tpu.memory_space<vmem>> -> memref<1x16xf32, #tpu.memory_space<vmem>>
    %dma_start3A_636 = tpu.memref_squeeze %dma_start3A_635 : memref<1x16xf32, #tpu.memory_space<vmem>> -> memref<16xf32, #tpu.memory_space<vmem>>
    %dma_start3A_637 = arith.constant 0 : i32
    %dma_start3A_638 = tpu.memref_slice %arg2[%dma_start3A_637] : memref<3000000xf32, #tpu.memory_space<hbm>> -> memref<3000000xf32, #tpu.memory_space<hbm>>
    tpu.enqueue_indirect_dma source(%dma_start3A_638 : memref<3000000xf32, #tpu.memory_space<hbm>>) target(%dma_start3A_636 : memref<16xf32, #tpu.memory_space<vmem>>) offsets(%add3A_632 : vector<16xi32>) semaphore(%arg7 : memref<!tpu.dma_semaphore, #tpu.memory_space<semaphore_mem>>)
    %get3A_639 = arith.constant 352 : index
    %get3A_640 = tpu.vector_load %arg5[%get3A_639] {strides = array<i32>} : memref<512xi32, #tpu.memory_space<vmem>>, vector<16xi32>,
    %add3A_641 = arith.constant 0 : i32
    %add3A_642 = vector.broadcast %add3A_641 : i32 to vector<16xi32>
    %add3A_643 = arith.addi %get3A_640, %add3A_642 : vector<16xi32>
    %dma_start3A_644 = arith.constant 0 : i32
    %dma_start3A_645 = arith.constant 352 : i32
    %dma_start3A_646 = tpu.memref_slice %arg6[%dma_start3A_644, %dma_start3A_645] : memref<3x512xf32, #tpu.memory_space<vmem>> -> memref<1x16xf32, #tpu.memory_space<vmem>>
    %dma_start3A_647 = tpu.memref_squeeze %dma_start3A_646 : memref<1x16xf32, #tpu.memory_space<vmem>> -> memref<16xf32, #tpu.memory_space<vmem>>
    %dma_start3A_648 = arith.constant 0 : i32
    %dma_start3A_649 = tpu.memref_slice %arg2[%dma_start3A_648] : memref<3000000xf32, #tpu.memory_space<hbm>> -> memref<3000000xf32, #tpu.memory_space<hbm>>
    tpu.enqueue_indirect_dma source(%dma_start3A_649 : memref<3000000xf32, #tpu.memory_space<hbm>>) target(%dma_start3A_647 : memref<16xf32, #tpu.memory_space<vmem>>) offsets(%add3A_643 : vector<16xi32>) semaphore(%arg7 : memref<!tpu.dma_semaphore, #tpu.memory_space<semaphore_mem>>)
    %add3A_650 = arith.constant 1000000 : i32
    %add3A_651 = vector.broadcast %add3A_650 : i32 to vector<16xi32>
    %add3A_652 = arith.addi %get3A_640, %add3A_651 : vector<16xi32>
    %dma_start3A_653 = arith.constant 1 : i32
    %dma_start3A_654 = arith.constant 352 : i32
    %dma_start3A_655 = tpu.memref_slice %arg6[%dma_start3A_653, %dma_start3A_654] : memref<3x512xf32, #tpu.memory_space<vmem>> -> memref<1x16xf32, #tpu.memory_space<vmem>>
    %dma_start3A_656 = tpu.memref_squeeze %dma_start3A_655 : memref<1x16xf32, #tpu.memory_space<vmem>> -> memref<16xf32, #tpu.memory_space<vmem>>
    %dma_start3A_657 = arith.constant 0 : i32
    %dma_start3A_658 = tpu.memref_slice %arg2[%dma_start3A_657] : memref<3000000xf32, #tpu.memory_space<hbm>> -> memref<3000000xf32, #tpu.memory_space<hbm>>
    tpu.enqueue_indirect_dma source(%dma_start3A_658 : memref<3000000xf32, #tpu.memory_space<hbm>>) target(%dma_start3A_656 : memref<16xf32, #tpu.memory_space<vmem>>) offsets(%add3A_652 : vector<16xi32>) semaphore(%arg7 : memref<!tpu.dma_semaphore, #tpu.memory_space<semaphore_mem>>)
    %add3A_659 = arith.constant 2000000 : i32
    %add3A_660 = vector.broadcast %add3A_659 : i32 to vector<16xi32>
    %add3A_661 = arith.addi %get3A_640, %add3A_660 : vector<16xi32>
    %dma_start3A_662 = arith.constant 2 : i32
    %dma_start3A_663 = arith.constant 352 : i32
    %dma_start3A_664 = tpu.memref_slice %arg6[%dma_start3A_662, %dma_start3A_663] : memref<3x512xf32, #tpu.memory_space<vmem>> -> memref<1x16xf32, #tpu.memory_space<vmem>>
    %dma_start3A_665 = tpu.memref_squeeze %dma_start3A_664 : memref<1x16xf32, #tpu.memory_space<vmem>> -> memref<16xf32, #tpu.memory_space<vmem>>
    %dma_start3A_666 = arith.constant 0 : i32
    %dma_start3A_667 = tpu.memref_slice %arg2[%dma_start3A_666] : memref<3000000xf32, #tpu.memory_space<hbm>> -> memref<3000000xf32, #tpu.memory_space<hbm>>
    tpu.enqueue_indirect_dma source(%dma_start3A_667 : memref<3000000xf32, #tpu.memory_space<hbm>>) target(%dma_start3A_665 : memref<16xf32, #tpu.memory_space<vmem>>) offsets(%add3A_661 : vector<16xi32>) semaphore(%arg7 : memref<!tpu.dma_semaphore, #tpu.memory_space<semaphore_mem>>)
    %get3A_668 = arith.constant 368 : index
    %get3A_669 = tpu.vector_load %arg5[%get3A_668] {strides = array<i32>} : memref<512xi32, #tpu.memory_space<vmem>>, vector<16xi32>,
    %add3A_670 = arith.constant 0 : i32
    %add3A_671 = vector.broadcast %add3A_670 : i32 to vector<16xi32>
    %add3A_672 = arith.addi %get3A_669, %add3A_671 : vector<16xi32>
    %dma_start3A_673 = arith.constant 0 : i32
    %dma_start3A_674 = arith.constant 368 : i32
    %dma_start3A_675 = tpu.memref_slice %arg6[%dma_start3A_673, %dma_start3A_674] : memref<3x512xf32, #tpu.memory_space<vmem>> -> memref<1x16xf32, #tpu.memory_space<vmem>>
    %dma_start3A_676 = tpu.memref_squeeze %dma_start3A_675 : memref<1x16xf32, #tpu.memory_space<vmem>> -> memref<16xf32, #tpu.memory_space<vmem>>
    %dma_start3A_677 = arith.constant 0 : i32
    %dma_start3A_678 = tpu.memref_slice %arg2[%dma_start3A_677] : memref<3000000xf32, #tpu.memory_space<hbm>> -> memref<3000000xf32, #tpu.memory_space<hbm>>
    tpu.enqueue_indirect_dma source(%dma_start3A_678 : memref<3000000xf32, #tpu.memory_space<hbm>>) target(%dma_start3A_676 : memref<16xf32, #tpu.memory_space<vmem>>) offsets(%add3A_672 : vector<16xi32>) semaphore(%arg7 : memref<!tpu.dma_semaphore, #tpu.memory_space<semaphore_mem>>)
    %add3A_679 = arith.constant 1000000 : i32
    %add3A_680 = vector.broadcast %add3A_679 : i32 to vector<16xi32>
    %add3A_681 = arith.addi %get3A_669, %add3A_680 : vector<16xi32>
    %dma_start3A_682 = arith.constant 1 : i32
    %dma_start3A_683 = arith.constant 368 : i32
    %dma_start3A_684 = tpu.memref_slice %arg6[%dma_start3A_682, %dma_start3A_683] : memref<3x512xf32, #tpu.memory_space<vmem>> -> memref<1x16xf32, #tpu.memory_space<vmem>>
    %dma_start3A_685 = tpu.memref_squeeze %dma_start3A_684 : memref<1x16xf32, #tpu.memory_space<vmem>> -> memref<16xf32, #tpu.memory_space<vmem>>
    %dma_start3A_686 = arith.constant 0 : i32
    %dma_start3A_687 = tpu.memref_slice %arg2[%dma_start3A_686] : memref<3000000xf32, #tpu.memory_space<hbm>> -> memref<3000000xf32, #tpu.memory_space<hbm>>
    tpu.enqueue_indirect_dma source(%dma_start3A_687 : memref<3000000xf32, #tpu.memory_space<hbm>>) target(%dma_start3A_685 : memref<16xf32, #tpu.memory_space<vmem>>) offsets(%add3A_681 : vector<16xi32>) semaphore(%arg7 : memref<!tpu.dma_semaphore, #tpu.memory_space<semaphore_mem>>)
    %add3A_688 = arith.constant 2000000 : i32
    %add3A_689 = vector.broadcast %add3A_688 : i32 to vector<16xi32>
    %add3A_690 = arith.addi %get3A_669, %add3A_689 : vector<16xi32>
    %dma_start3A_691 = arith.constant 2 : i32
    %dma_start3A_692 = arith.constant 368 : i32
    %dma_start3A_693 = tpu.memref_slice %arg6[%dma_start3A_691, %dma_start3A_692] : memref<3x512xf32, #tpu.memory_space<vmem>> -> memref<1x16xf32, #tpu.memory_space<vmem>>
    %dma_start3A_694 = tpu.memref_squeeze %dma_start3A_693 : memref<1x16xf32, #tpu.memory_space<vmem>> -> memref<16xf32, #tpu.memory_space<vmem>>
    %dma_start3A_695 = arith.constant 0 : i32
    %dma_start3A_696 = tpu.memref_slice %arg2[%dma_start3A_695] : memref<3000000xf32, #tpu.memory_space<hbm>> -> memref<3000000xf32, #tpu.memory_space<hbm>>
    tpu.enqueue_indirect_dma source(%dma_start3A_696 : memref<3000000xf32, #tpu.memory_space<hbm>>) target(%dma_start3A_694 : memref<16xf32, #tpu.memory_space<vmem>>) offsets(%add3A_690 : vector<16xi32>) semaphore(%arg7 : memref<!tpu.dma_semaphore, #tpu.memory_space<semaphore_mem>>)
    %get3A_697 = arith.constant 384 : index
    %get3A_698 = tpu.vector_load %arg5[%get3A_697] {strides = array<i32>} : memref<512xi32, #tpu.memory_space<vmem>>, vector<16xi32>,
    %add3A_699 = arith.constant 0 : i32
    %add3A_700 = vector.broadcast %add3A_699 : i32 to vector<16xi32>
    %add3A_701 = arith.addi %get3A_698, %add3A_700 : vector<16xi32>
    %dma_start3A_702 = arith.constant 0 : i32
    %dma_start3A_703 = arith.constant 384 : i32
    %dma_start3A_704 = tpu.memref_slice %arg6[%dma_start3A_702, %dma_start3A_703] : memref<3x512xf32, #tpu.memory_space<vmem>> -> memref<1x16xf32, #tpu.memory_space<vmem>>
    %dma_start3A_705 = tpu.memref_squeeze %dma_start3A_704 : memref<1x16xf32, #tpu.memory_space<vmem>> -> memref<16xf32, #tpu.memory_space<vmem>>
    %dma_start3A_706 = arith.constant 0 : i32
    %dma_start3A_707 = tpu.memref_slice %arg2[%dma_start3A_706] : memref<3000000xf32, #tpu.memory_space<hbm>> -> memref<3000000xf32, #tpu.memory_space<hbm>>
    tpu.enqueue_indirect_dma source(%dma_start3A_707 : memref<3000000xf32, #tpu.memory_space<hbm>>) target(%dma_start3A_705 : memref<16xf32, #tpu.memory_space<vmem>>) offsets(%add3A_701 : vector<16xi32>) semaphore(%arg7 : memref<!tpu.dma_semaphore, #tpu.memory_space<semaphore_mem>>)
    %add3A_708 = arith.constant 1000000 : i32
    %add3A_709 = vector.broadcast %add3A_708 : i32 to vector<16xi32>
    %add3A_710 = arith.addi %get3A_698, %add3A_709 : vector<16xi32>
    %dma_start3A_711 = arith.constant 1 : i32
    %dma_start3A_712 = arith.constant 384 : i32
    %dma_start3A_713 = tpu.memref_slice %arg6[%dma_start3A_711, %dma_start3A_712] : memref<3x512xf32, #tpu.memory_space<vmem>> -> memref<1x16xf32, #tpu.memory_space<vmem>>
    %dma_start3A_714 = tpu.memref_squeeze %dma_start3A_713 : memref<1x16xf32, #tpu.memory_space<vmem>> -> memref<16xf32, #tpu.memory_space<vmem>>
    %dma_start3A_715 = arith.constant 0 : i32
    %dma_start3A_716 = tpu.memref_slice %arg2[%dma_start3A_715] : memref<3000000xf32, #tpu.memory_space<hbm>> -> memref<3000000xf32, #tpu.memory_space<hbm>>
    tpu.enqueue_indirect_dma source(%dma_start3A_716 : memref<3000000xf32, #tpu.memory_space<hbm>>) target(%dma_start3A_714 : memref<16xf32, #tpu.memory_space<vmem>>) offsets(%add3A_710 : vector<16xi32>) semaphore(%arg7 : memref<!tpu.dma_semaphore, #tpu.memory_space<semaphore_mem>>)
    %add3A_717 = arith.constant 2000000 : i32
    %add3A_718 = vector.broadcast %add3A_717 : i32 to vector<16xi32>
    %add3A_719 = arith.addi %get3A_698, %add3A_718 : vector<16xi32>
    %dma_start3A_720 = arith.constant 2 : i32
    %dma_start3A_721 = arith.constant 384 : i32
    %dma_start3A_722 = tpu.memref_slice %arg6[%dma_start3A_720, %dma_start3A_721] : memref<3x512xf32, #tpu.memory_space<vmem>> -> memref<1x16xf32, #tpu.memory_space<vmem>>
    %dma_start3A_723 = tpu.memref_squeeze %dma_start3A_722 : memref<1x16xf32, #tpu.memory_space<vmem>> -> memref<16xf32, #tpu.memory_space<vmem>>
    %dma_start3A_724 = arith.constant 0 : i32
    %dma_start3A_725 = tpu.memref_slice %arg2[%dma_start3A_724] : memref<3000000xf32, #tpu.memory_space<hbm>> -> memref<3000000xf32, #tpu.memory_space<hbm>>
    tpu.enqueue_indirect_dma source(%dma_start3A_725 : memref<3000000xf32, #tpu.memory_space<hbm>>) target(%dma_start3A_723 : memref<16xf32, #tpu.memory_space<vmem>>) offsets(%add3A_719 : vector<16xi32>) semaphore(%arg7 : memref<!tpu.dma_semaphore, #tpu.memory_space<semaphore_mem>>)
    %get3A_726 = arith.constant 400 : index
    %get3A_727 = tpu.vector_load %arg5[%get3A_726] {strides = array<i32>} : memref<512xi32, #tpu.memory_space<vmem>>, vector<16xi32>,
    %add3A_728 = arith.constant 0 : i32
    %add3A_729 = vector.broadcast %add3A_728 : i32 to vector<16xi32>
    %add3A_730 = arith.addi %get3A_727, %add3A_729 : vector<16xi32>
    %dma_start3A_731 = arith.constant 0 : i32
    %dma_start3A_732 = arith.constant 400 : i32
    %dma_start3A_733 = tpu.memref_slice %arg6[%dma_start3A_731, %dma_start3A_732] : memref<3x512xf32, #tpu.memory_space<vmem>> -> memref<1x16xf32, #tpu.memory_space<vmem>>
    %dma_start3A_734 = tpu.memref_squeeze %dma_start3A_733 : memref<1x16xf32, #tpu.memory_space<vmem>> -> memref<16xf32, #tpu.memory_space<vmem>>
    %dma_start3A_735 = arith.constant 0 : i32
    %dma_start3A_736 = tpu.memref_slice %arg2[%dma_start3A_735] : memref<3000000xf32, #tpu.memory_space<hbm>> -> memref<3000000xf32, #tpu.memory_space<hbm>>
    tpu.enqueue_indirect_dma source(%dma_start3A_736 : memref<3000000xf32, #tpu.memory_space<hbm>>) target(%dma_start3A_734 : memref<16xf32, #tpu.memory_space<vmem>>) offsets(%add3A_730 : vector<16xi32>) semaphore(%arg7 : memref<!tpu.dma_semaphore, #tpu.memory_space<semaphore_mem>>)
    %add3A_737 = arith.constant 1000000 : i32
    %add3A_738 = vector.broadcast %add3A_737 : i32 to vector<16xi32>
    %add3A_739 = arith.addi %get3A_727, %add3A_738 : vector<16xi32>
    %dma_start3A_740 = arith.constant 1 : i32
    %dma_start3A_741 = arith.constant 400 : i32
    %dma_start3A_742 = tpu.memref_slice %arg6[%dma_start3A_740, %dma_start3A_741] : memref<3x512xf32, #tpu.memory_space<vmem>> -> memref<1x16xf32, #tpu.memory_space<vmem>>
    %dma_start3A_743 = tpu.memref_squeeze %dma_start3A_742 : memref<1x16xf32, #tpu.memory_space<vmem>> -> memref<16xf32, #tpu.memory_space<vmem>>
    %dma_start3A_744 = arith.constant 0 : i32
    %dma_start3A_745 = tpu.memref_slice %arg2[%dma_start3A_744] : memref<3000000xf32, #tpu.memory_space<hbm>> -> memref<3000000xf32, #tpu.memory_space<hbm>>
    tpu.enqueue_indirect_dma source(%dma_start3A_745 : memref<3000000xf32, #tpu.memory_space<hbm>>) target(%dma_start3A_743 : memref<16xf32, #tpu.memory_space<vmem>>) offsets(%add3A_739 : vector<16xi32>) semaphore(%arg7 : memref<!tpu.dma_semaphore, #tpu.memory_space<semaphore_mem>>)
    %add3A_746 = arith.constant 2000000 : i32
    %add3A_747 = vector.broadcast %add3A_746 : i32 to vector<16xi32>
    %add3A_748 = arith.addi %get3A_727, %add3A_747 : vector<16xi32>
    %dma_start3A_749 = arith.constant 2 : i32
    %dma_start3A_750 = arith.constant 400 : i32
    %dma_start3A_751 = tpu.memref_slice %arg6[%dma_start3A_749, %dma_start3A_750] : memref<3x512xf32, #tpu.memory_space<vmem>> -> memref<1x16xf32, #tpu.memory_space<vmem>>
    %dma_start3A_752 = tpu.memref_squeeze %dma_start3A_751 : memref<1x16xf32, #tpu.memory_space<vmem>> -> memref<16xf32, #tpu.memory_space<vmem>>
    %dma_start3A_753 = arith.constant 0 : i32
    %dma_start3A_754 = tpu.memref_slice %arg2[%dma_start3A_753] : memref<3000000xf32, #tpu.memory_space<hbm>> -> memref<3000000xf32, #tpu.memory_space<hbm>>
    tpu.enqueue_indirect_dma source(%dma_start3A_754 : memref<3000000xf32, #tpu.memory_space<hbm>>) target(%dma_start3A_752 : memref<16xf32, #tpu.memory_space<vmem>>) offsets(%add3A_748 : vector<16xi32>) semaphore(%arg7 : memref<!tpu.dma_semaphore, #tpu.memory_space<semaphore_mem>>)
    %get3A_755 = arith.constant 416 : index
    %get3A_756 = tpu.vector_load %arg5[%get3A_755] {strides = array<i32>} : memref<512xi32, #tpu.memory_space<vmem>>, vector<16xi32>,
    %add3A_757 = arith.constant 0 : i32
    %add3A_758 = vector.broadcast %add3A_757 : i32 to vector<16xi32>
    %add3A_759 = arith.addi %get3A_756, %add3A_758 : vector<16xi32>
    %dma_start3A_760 = arith.constant 0 : i32
    %dma_start3A_761 = arith.constant 416 : i32
    %dma_start3A_762 = tpu.memref_slice %arg6[%dma_start3A_760, %dma_start3A_761] : memref<3x512xf32, #tpu.memory_space<vmem>> -> memref<1x16xf32, #tpu.memory_space<vmem>>
    %dma_start3A_763 = tpu.memref_squeeze %dma_start3A_762 : memref<1x16xf32, #tpu.memory_space<vmem>> -> memref<16xf32, #tpu.memory_space<vmem>>
    %dma_start3A_764 = arith.constant 0 : i32
    %dma_start3A_765 = tpu.memref_slice %arg2[%dma_start3A_764] : memref<3000000xf32, #tpu.memory_space<hbm>> -> memref<3000000xf32, #tpu.memory_space<hbm>>
    tpu.enqueue_indirect_dma source(%dma_start3A_765 : memref<3000000xf32, #tpu.memory_space<hbm>>) target(%dma_start3A_763 : memref<16xf32, #tpu.memory_space<vmem>>) offsets(%add3A_759 : vector<16xi32>) semaphore(%arg7 : memref<!tpu.dma_semaphore, #tpu.memory_space<semaphore_mem>>)
    %add3A_766 = arith.constant 1000000 : i32
    %add3A_767 = vector.broadcast %add3A_766 : i32 to vector<16xi32>
    %add3A_768 = arith.addi %get3A_756, %add3A_767 : vector<16xi32>
    %dma_start3A_769 = arith.constant 1 : i32
    %dma_start3A_770 = arith.constant 416 : i32
    %dma_start3A_771 = tpu.memref_slice %arg6[%dma_start3A_769, %dma_start3A_770] : memref<3x512xf32, #tpu.memory_space<vmem>> -> memref<1x16xf32, #tpu.memory_space<vmem>>
    %dma_start3A_772 = tpu.memref_squeeze %dma_start3A_771 : memref<1x16xf32, #tpu.memory_space<vmem>> -> memref<16xf32, #tpu.memory_space<vmem>>
    %dma_start3A_773 = arith.constant 0 : i32
    %dma_start3A_774 = tpu.memref_slice %arg2[%dma_start3A_773] : memref<3000000xf32, #tpu.memory_space<hbm>> -> memref<3000000xf32, #tpu.memory_space<hbm>>
    tpu.enqueue_indirect_dma source(%dma_start3A_774 : memref<3000000xf32, #tpu.memory_space<hbm>>) target(%dma_start3A_772 : memref<16xf32, #tpu.memory_space<vmem>>) offsets(%add3A_768 : vector<16xi32>) semaphore(%arg7 : memref<!tpu.dma_semaphore, #tpu.memory_space<semaphore_mem>>)
    %add3A_775 = arith.constant 2000000 : i32
    %add3A_776 = vector.broadcast %add3A_775 : i32 to vector<16xi32>
    %add3A_777 = arith.addi %get3A_756, %add3A_776 : vector<16xi32>
    %dma_start3A_778 = arith.constant 2 : i32
    %dma_start3A_779 = arith.constant 416 : i32
    %dma_start3A_780 = tpu.memref_slice %arg6[%dma_start3A_778, %dma_start3A_779] : memref<3x512xf32, #tpu.memory_space<vmem>> -> memref<1x16xf32, #tpu.memory_space<vmem>>
    %dma_start3A_781 = tpu.memref_squeeze %dma_start3A_780 : memref<1x16xf32, #tpu.memory_space<vmem>> -> memref<16xf32, #tpu.memory_space<vmem>>
    %dma_start3A_782 = arith.constant 0 : i32
    %dma_start3A_783 = tpu.memref_slice %arg2[%dma_start3A_782] : memref<3000000xf32, #tpu.memory_space<hbm>> -> memref<3000000xf32, #tpu.memory_space<hbm>>
    tpu.enqueue_indirect_dma source(%dma_start3A_783 : memref<3000000xf32, #tpu.memory_space<hbm>>) target(%dma_start3A_781 : memref<16xf32, #tpu.memory_space<vmem>>) offsets(%add3A_777 : vector<16xi32>) semaphore(%arg7 : memref<!tpu.dma_semaphore, #tpu.memory_space<semaphore_mem>>)
    %get3A_784 = arith.constant 432 : index
    %get3A_785 = tpu.vector_load %arg5[%get3A_784] {strides = array<i32>} : memref<512xi32, #tpu.memory_space<vmem>>, vector<16xi32>,
    %add3A_786 = arith.constant 0 : i32
    %add3A_787 = vector.broadcast %add3A_786 : i32 to vector<16xi32>
    %add3A_788 = arith.addi %get3A_785, %add3A_787 : vector<16xi32>
    %dma_start3A_789 = arith.constant 0 : i32
    %dma_start3A_790 = arith.constant 432 : i32
    %dma_start3A_791 = tpu.memref_slice %arg6[%dma_start3A_789, %dma_start3A_790] : memref<3x512xf32, #tpu.memory_space<vmem>> -> memref<1x16xf32, #tpu.memory_space<vmem>>
    %dma_start3A_792 = tpu.memref_squeeze %dma_start3A_791 : memref<1x16xf32, #tpu.memory_space<vmem>> -> memref<16xf32, #tpu.memory_space<vmem>>
    %dma_start3A_793 = arith.constant 0 : i32
    %dma_start3A_794 = tpu.memref_slice %arg2[%dma_start3A_793] : memref<3000000xf32, #tpu.memory_space<hbm>> -> memref<3000000xf32, #tpu.memory_space<hbm>>
    tpu.enqueue_indirect_dma source(%dma_start3A_794 : memref<3000000xf32, #tpu.memory_space<hbm>>) target(%dma_start3A_792 : memref<16xf32, #tpu.memory_space<vmem>>) offsets(%add3A_788 : vector<16xi32>) semaphore(%arg7 : memref<!tpu.dma_semaphore, #tpu.memory_space<semaphore_mem>>)
    %add3A_795 = arith.constant 1000000 : i32
    %add3A_796 = vector.broadcast %add3A_795 : i32 to vector<16xi32>
    %add3A_797 = arith.addi %get3A_785, %add3A_796 : vector<16xi32>
    %dma_start3A_798 = arith.constant 1 : i32
    %dma_start3A_799 = arith.constant 432 : i32
    %dma_start3A_800 = tpu.memref_slice %arg6[%dma_start3A_798, %dma_start3A_799] : memref<3x512xf32, #tpu.memory_space<vmem>> -> memref<1x16xf32, #tpu.memory_space<vmem>>
    %dma_start3A_801 = tpu.memref_squeeze %dma_start3A_800 : memref<1x16xf32, #tpu.memory_space<vmem>> -> memref<16xf32, #tpu.memory_space<vmem>>
    %dma_start3A_802 = arith.constant 0 : i32
    %dma_start3A_803 = tpu.memref_slice %arg2[%dma_start3A_802] : memref<3000000xf32, #tpu.memory_space<hbm>> -> memref<3000000xf32, #tpu.memory_space<hbm>>
    tpu.enqueue_indirect_dma source(%dma_start3A_803 : memref<3000000xf32, #tpu.memory_space<hbm>>) target(%dma_start3A_801 : memref<16xf32, #tpu.memory_space<vmem>>) offsets(%add3A_797 : vector<16xi32>) semaphore(%arg7 : memref<!tpu.dma_semaphore, #tpu.memory_space<semaphore_mem>>)
    %add3A_804 = arith.constant 2000000 : i32
    %add3A_805 = vector.broadcast %add3A_804 : i32 to vector<16xi32>
    %add3A_806 = arith.addi %get3A_785, %add3A_805 : vector<16xi32>
    %dma_start3A_807 = arith.constant 2 : i32
    %dma_start3A_808 = arith.constant 432 : i32
    %dma_start3A_809 = tpu.memref_slice %arg6[%dma_start3A_807, %dma_start3A_808] : memref<3x512xf32, #tpu.memory_space<vmem>> -> memref<1x16xf32, #tpu.memory_space<vmem>>
    %dma_start3A_810 = tpu.memref_squeeze %dma_start3A_809 : memref<1x16xf32, #tpu.memory_space<vmem>> -> memref<16xf32, #tpu.memory_space<vmem>>
    %dma_start3A_811 = arith.constant 0 : i32
    %dma_start3A_812 = tpu.memref_slice %arg2[%dma_start3A_811] : memref<3000000xf32, #tpu.memory_space<hbm>> -> memref<3000000xf32, #tpu.memory_space<hbm>>
    tpu.enqueue_indirect_dma source(%dma_start3A_812 : memref<3000000xf32, #tpu.memory_space<hbm>>) target(%dma_start3A_810 : memref<16xf32, #tpu.memory_space<vmem>>) offsets(%add3A_806 : vector<16xi32>) semaphore(%arg7 : memref<!tpu.dma_semaphore, #tpu.memory_space<semaphore_mem>>)
    %get3A_813 = arith.constant 448 : index
    %get3A_814 = tpu.vector_load %arg5[%get3A_813] {strides = array<i32>} : memref<512xi32, #tpu.memory_space<vmem>>, vector<16xi32>,
    %add3A_815 = arith.constant 0 : i32
    %add3A_816 = vector.broadcast %add3A_815 : i32 to vector<16xi32>
    %add3A_817 = arith.addi %get3A_814, %add3A_816 : vector<16xi32>
    %dma_start3A_818 = arith.constant 0 : i32
    %dma_start3A_819 = arith.constant 448 : i32
    %dma_start3A_820 = tpu.memref_slice %arg6[%dma_start3A_818, %dma_start3A_819] : memref<3x512xf32, #tpu.memory_space<vmem>> -> memref<1x16xf32, #tpu.memory_space<vmem>>
    %dma_start3A_821 = tpu.memref_squeeze %dma_start3A_820 : memref<1x16xf32, #tpu.memory_space<vmem>> -> memref<16xf32, #tpu.memory_space<vmem>>
    %dma_start3A_822 = arith.constant 0 : i32
    %dma_start3A_823 = tpu.memref_slice %arg2[%dma_start3A_822] : memref<3000000xf32, #tpu.memory_space<hbm>> -> memref<3000000xf32, #tpu.memory_space<hbm>>
    tpu.enqueue_indirect_dma source(%dma_start3A_823 : memref<3000000xf32, #tpu.memory_space<hbm>>) target(%dma_start3A_821 : memref<16xf32, #tpu.memory_space<vmem>>) offsets(%add3A_817 : vector<16xi32>) semaphore(%arg7 : memref<!tpu.dma_semaphore, #tpu.memory_space<semaphore_mem>>)
    %add3A_824 = arith.constant 1000000 : i32
    %add3A_825 = vector.broadcast %add3A_824 : i32 to vector<16xi32>
    %add3A_826 = arith.addi %get3A_814, %add3A_825 : vector<16xi32>
    %dma_start3A_827 = arith.constant 1 : i32
    %dma_start3A_828 = arith.constant 448 : i32
    %dma_start3A_829 = tpu.memref_slice %arg6[%dma_start3A_827, %dma_start3A_828] : memref<3x512xf32, #tpu.memory_space<vmem>> -> memref<1x16xf32, #tpu.memory_space<vmem>>
    %dma_start3A_830 = tpu.memref_squeeze %dma_start3A_829 : memref<1x16xf32, #tpu.memory_space<vmem>> -> memref<16xf32, #tpu.memory_space<vmem>>
    %dma_start3A_831 = arith.constant 0 : i32
    %dma_start3A_832 = tpu.memref_slice %arg2[%dma_start3A_831] : memref<3000000xf32, #tpu.memory_space<hbm>> -> memref<3000000xf32, #tpu.memory_space<hbm>>
    tpu.enqueue_indirect_dma source(%dma_start3A_832 : memref<3000000xf32, #tpu.memory_space<hbm>>) target(%dma_start3A_830 : memref<16xf32, #tpu.memory_space<vmem>>) offsets(%add3A_826 : vector<16xi32>) semaphore(%arg7 : memref<!tpu.dma_semaphore, #tpu.memory_space<semaphore_mem>>)
    %add3A_833 = arith.constant 2000000 : i32
    %add3A_834 = vector.broadcast %add3A_833 : i32 to vector<16xi32>
    %add3A_835 = arith.addi %get3A_814, %add3A_834 : vector<16xi32>
    %dma_start3A_836 = arith.constant 2 : i32
    %dma_start3A_837 = arith.constant 448 : i32
    %dma_start3A_838 = tpu.memref_slice %arg6[%dma_start3A_836, %dma_start3A_837] : memref<3x512xf32, #tpu.memory_space<vmem>> -> memref<1x16xf32, #tpu.memory_space<vmem>>
    %dma_start3A_839 = tpu.memref_squeeze %dma_start3A_838 : memref<1x16xf32, #tpu.memory_space<vmem>> -> memref<16xf32, #tpu.memory_space<vmem>>
    %dma_start3A_840 = arith.constant 0 : i32
    %dma_start3A_841 = tpu.memref_slice %arg2[%dma_start3A_840] : memref<3000000xf32, #tpu.memory_space<hbm>> -> memref<3000000xf32, #tpu.memory_space<hbm>>
    tpu.enqueue_indirect_dma source(%dma_start3A_841 : memref<3000000xf32, #tpu.memory_space<hbm>>) target(%dma_start3A_839 : memref<16xf32, #tpu.memory_space<vmem>>) offsets(%add3A_835 : vector<16xi32>) semaphore(%arg7 : memref<!tpu.dma_semaphore, #tpu.memory_space<semaphore_mem>>)
    %get3A_842 = arith.constant 464 : index
    %get3A_843 = tpu.vector_load %arg5[%get3A_842] {strides = array<i32>} : memref<512xi32, #tpu.memory_space<vmem>>, vector<16xi32>,
    %add3A_844 = arith.constant 0 : i32
    %add3A_845 = vector.broadcast %add3A_844 : i32 to vector<16xi32>
    %add3A_846 = arith.addi %get3A_843, %add3A_845 : vector<16xi32>
    %dma_start3A_847 = arith.constant 0 : i32
    %dma_start3A_848 = arith.constant 464 : i32
    %dma_start3A_849 = tpu.memref_slice %arg6[%dma_start3A_847, %dma_start3A_848] : memref<3x512xf32, #tpu.memory_space<vmem>> -> memref<1x16xf32, #tpu.memory_space<vmem>>
    %dma_start3A_850 = tpu.memref_squeeze %dma_start3A_849 : memref<1x16xf32, #tpu.memory_space<vmem>> -> memref<16xf32, #tpu.memory_space<vmem>>
    %dma_start3A_851 = arith.constant 0 : i32
    %dma_start3A_852 = tpu.memref_slice %arg2[%dma_start3A_851] : memref<3000000xf32, #tpu.memory_space<hbm>> -> memref<3000000xf32, #tpu.memory_space<hbm>>
    tpu.enqueue_indirect_dma source(%dma_start3A_852 : memref<3000000xf32, #tpu.memory_space<hbm>>) target(%dma_start3A_850 : memref<16xf32, #tpu.memory_space<vmem>>) offsets(%add3A_846 : vector<16xi32>) semaphore(%arg7 : memref<!tpu.dma_semaphore, #tpu.memory_space<semaphore_mem>>)
    %add3A_853 = arith.constant 1000000 : i32
    %add3A_854 = vector.broadcast %add3A_853 : i32 to vector<16xi32>
    %add3A_855 = arith.addi %get3A_843, %add3A_854 : vector<16xi32>
    %dma_start3A_856 = arith.constant 1 : i32
    %dma_start3A_857 = arith.constant 464 : i32
    %dma_start3A_858 = tpu.memref_slice %arg6[%dma_start3A_856, %dma_start3A_857] : memref<3x512xf32, #tpu.memory_space<vmem>> -> memref<1x16xf32, #tpu.memory_space<vmem>>
    %dma_start3A_859 = tpu.memref_squeeze %dma_start3A_858 : memref<1x16xf32, #tpu.memory_space<vmem>> -> memref<16xf32, #tpu.memory_space<vmem>>
    %dma_start3A_860 = arith.constant 0 : i32
    %dma_start3A_861 = tpu.memref_slice %arg2[%dma_start3A_860] : memref<3000000xf32, #tpu.memory_space<hbm>> -> memref<3000000xf32, #tpu.memory_space<hbm>>
    tpu.enqueue_indirect_dma source(%dma_start3A_861 : memref<3000000xf32, #tpu.memory_space<hbm>>) target(%dma_start3A_859 : memref<16xf32, #tpu.memory_space<vmem>>) offsets(%add3A_855 : vector<16xi32>) semaphore(%arg7 : memref<!tpu.dma_semaphore, #tpu.memory_space<semaphore_mem>>)
    %add3A_862 = arith.constant 2000000 : i32
    %add3A_863 = vector.broadcast %add3A_862 : i32 to vector<16xi32>
    %add3A_864 = arith.addi %get3A_843, %add3A_863 : vector<16xi32>
    %dma_start3A_865 = arith.constant 2 : i32
    %dma_start3A_866 = arith.constant 464 : i32
    %dma_start3A_867 = tpu.memref_slice %arg6[%dma_start3A_865, %dma_start3A_866] : memref<3x512xf32, #tpu.memory_space<vmem>> -> memref<1x16xf32, #tpu.memory_space<vmem>>
    %dma_start3A_868 = tpu.memref_squeeze %dma_start3A_867 : memref<1x16xf32, #tpu.memory_space<vmem>> -> memref<16xf32, #tpu.memory_space<vmem>>
    %dma_start3A_869 = arith.constant 0 : i32
    %dma_start3A_870 = tpu.memref_slice %arg2[%dma_start3A_869] : memref<3000000xf32, #tpu.memory_space<hbm>> -> memref<3000000xf32, #tpu.memory_space<hbm>>
    tpu.enqueue_indirect_dma source(%dma_start3A_870 : memref<3000000xf32, #tpu.memory_space<hbm>>) target(%dma_start3A_868 : memref<16xf32, #tpu.memory_space<vmem>>) offsets(%add3A_864 : vector<16xi32>) semaphore(%arg7 : memref<!tpu.dma_semaphore, #tpu.memory_space<semaphore_mem>>)
    %get3A_871 = arith.constant 480 : index
    %get3A_872 = tpu.vector_load %arg5[%get3A_871] {strides = array<i32>} : memref<512xi32, #tpu.memory_space<vmem>>, vector<16xi32>,
    %add3A_873 = arith.constant 0 : i32
    %add3A_874 = vector.broadcast %add3A_873 : i32 to vector<16xi32>
    %add3A_875 = arith.addi %get3A_872, %add3A_874 : vector<16xi32>
    %dma_start3A_876 = arith.constant 0 : i32
    %dma_start3A_877 = arith.constant 480 : i32
    %dma_start3A_878 = tpu.memref_slice %arg6[%dma_start3A_876, %dma_start3A_877] : memref<3x512xf32, #tpu.memory_space<vmem>> -> memref<1x16xf32, #tpu.memory_space<vmem>>
    %dma_start3A_879 = tpu.memref_squeeze %dma_start3A_878 : memref<1x16xf32, #tpu.memory_space<vmem>> -> memref<16xf32, #tpu.memory_space<vmem>>
    %dma_start3A_880 = arith.constant 0 : i32
    %dma_start3A_881 = tpu.memref_slice %arg2[%dma_start3A_880] : memref<3000000xf32, #tpu.memory_space<hbm>> -> memref<3000000xf32, #tpu.memory_space<hbm>>
    tpu.enqueue_indirect_dma source(%dma_start3A_881 : memref<3000000xf32, #tpu.memory_space<hbm>>) target(%dma_start3A_879 : memref<16xf32, #tpu.memory_space<vmem>>) offsets(%add3A_875 : vector<16xi32>) semaphore(%arg7 : memref<!tpu.dma_semaphore, #tpu.memory_space<semaphore_mem>>)
    %add3A_882 = arith.constant 1000000 : i32
    %add3A_883 = vector.broadcast %add3A_882 : i32 to vector<16xi32>
    %add3A_884 = arith.addi %get3A_872, %add3A_883 : vector<16xi32>
    %dma_start3A_885 = arith.constant 1 : i32
    %dma_start3A_886 = arith.constant 480 : i32
    %dma_start3A_887 = tpu.memref_slice %arg6[%dma_start3A_885, %dma_start3A_886] : memref<3x512xf32, #tpu.memory_space<vmem>> -> memref<1x16xf32, #tpu.memory_space<vmem>>
    %dma_start3A_888 = tpu.memref_squeeze %dma_start3A_887 : memref<1x16xf32, #tpu.memory_space<vmem>> -> memref<16xf32, #tpu.memory_space<vmem>>
    %dma_start3A_889 = arith.constant 0 : i32
    %dma_start3A_890 = tpu.memref_slice %arg2[%dma_start3A_889] : memref<3000000xf32, #tpu.memory_space<hbm>> -> memref<3000000xf32, #tpu.memory_space<hbm>>
    tpu.enqueue_indirect_dma source(%dma_start3A_890 : memref<3000000xf32, #tpu.memory_space<hbm>>) target(%dma_start3A_888 : memref<16xf32, #tpu.memory_space<vmem>>) offsets(%add3A_884 : vector<16xi32>) semaphore(%arg7 : memref<!tpu.dma_semaphore, #tpu.memory_space<semaphore_mem>>)
    %add3A_891 = arith.constant 2000000 : i32
    %add3A_892 = vector.broadcast %add3A_891 : i32 to vector<16xi32>
    %add3A_893 = arith.addi %get3A_872, %add3A_892 : vector<16xi32>
    %dma_start3A_894 = arith.constant 2 : i32
    %dma_start3A_895 = arith.constant 480 : i32
    %dma_start3A_896 = tpu.memref_slice %arg6[%dma_start3A_894, %dma_start3A_895] : memref<3x512xf32, #tpu.memory_space<vmem>> -> memref<1x16xf32, #tpu.memory_space<vmem>>
    %dma_start3A_897 = tpu.memref_squeeze %dma_start3A_896 : memref<1x16xf32, #tpu.memory_space<vmem>> -> memref<16xf32, #tpu.memory_space<vmem>>
    %dma_start3A_898 = arith.constant 0 : i32
    %dma_start3A_899 = tpu.memref_slice %arg2[%dma_start3A_898] : memref<3000000xf32, #tpu.memory_space<hbm>> -> memref<3000000xf32, #tpu.memory_space<hbm>>
    tpu.enqueue_indirect_dma source(%dma_start3A_899 : memref<3000000xf32, #tpu.memory_space<hbm>>) target(%dma_start3A_897 : memref<16xf32, #tpu.memory_space<vmem>>) offsets(%add3A_893 : vector<16xi32>) semaphore(%arg7 : memref<!tpu.dma_semaphore, #tpu.memory_space<semaphore_mem>>)
    %get3A_900 = arith.constant 496 : index
    %get3A_901 = tpu.vector_load %arg5[%get3A_900] {strides = array<i32>} : memref<512xi32, #tpu.memory_space<vmem>>, vector<16xi32>,
    %add3A_902 = arith.constant 0 : i32
    %add3A_903 = vector.broadcast %add3A_902 : i32 to vector<16xi32>
    %add3A_904 = arith.addi %get3A_901, %add3A_903 : vector<16xi32>
    %dma_start3A_905 = arith.constant 0 : i32
    %dma_start3A_906 = arith.constant 496 : i32
    %dma_start3A_907 = tpu.memref_slice %arg6[%dma_start3A_905, %dma_start3A_906] : memref<3x512xf32, #tpu.memory_space<vmem>> -> memref<1x16xf32, #tpu.memory_space<vmem>>
    %dma_start3A_908 = tpu.memref_squeeze %dma_start3A_907 : memref<1x16xf32, #tpu.memory_space<vmem>> -> memref<16xf32, #tpu.memory_space<vmem>>
    %dma_start3A_909 = arith.constant 0 : i32
    %dma_start3A_910 = tpu.memref_slice %arg2[%dma_start3A_909] : memref<3000000xf32, #tpu.memory_space<hbm>> -> memref<3000000xf32, #tpu.memory_space<hbm>>
    tpu.enqueue_indirect_dma source(%dma_start3A_910 : memref<3000000xf32, #tpu.memory_space<hbm>>) target(%dma_start3A_908 : memref<16xf32, #tpu.memory_space<vmem>>) offsets(%add3A_904 : vector<16xi32>) semaphore(%arg7 : memref<!tpu.dma_semaphore, #tpu.memory_space<semaphore_mem>>)
    %add3A_911 = arith.constant 1000000 : i32
    %add3A_912 = vector.broadcast %add3A_911 : i32 to vector<16xi32>
    %add3A_913 = arith.addi %get3A_901, %add3A_912 : vector<16xi32>
    %dma_start3A_914 = arith.constant 1 : i32
    %dma_start3A_915 = arith.constant 496 : i32
    %dma_start3A_916 = tpu.memref_slice %arg6[%dma_start3A_914, %dma_start3A_915] : memref<3x512xf32, #tpu.memory_space<vmem>> -> memref<1x16xf32, #tpu.memory_space<vmem>>
    %dma_start3A_917 = tpu.memref_squeeze %dma_start3A_916 : memref<1x16xf32, #tpu.memory_space<vmem>> -> memref<16xf32, #tpu.memory_space<vmem>>
    %dma_start3A_918 = arith.constant 0 : i32
    %dma_start3A_919 = tpu.memref_slice %arg2[%dma_start3A_918] : memref<3000000xf32, #tpu.memory_space<hbm>> -> memref<3000000xf32, #tpu.memory_space<hbm>>
    tpu.enqueue_indirect_dma source(%dma_start3A_919 : memref<3000000xf32, #tpu.memory_space<hbm>>) target(%dma_start3A_917 : memref<16xf32, #tpu.memory_space<vmem>>) offsets(%add3A_913 : vector<16xi32>) semaphore(%arg7 : memref<!tpu.dma_semaphore, #tpu.memory_space<semaphore_mem>>)
    %add3A_920 = arith.constant 2000000 : i32
    %add3A_921 = vector.broadcast %add3A_920 : i32 to vector<16xi32>
    %add3A_922 = arith.addi %get3A_901, %add3A_921 : vector<16xi32>
    %dma_start3A_923 = arith.constant 2 : i32
    %dma_start3A_924 = arith.constant 496 : i32
    %dma_start3A_925 = tpu.memref_slice %arg6[%dma_start3A_923, %dma_start3A_924] : memref<3x512xf32, #tpu.memory_space<vmem>> -> memref<1x16xf32, #tpu.memory_space<vmem>>
    %dma_start3A_926 = tpu.memref_squeeze %dma_start3A_925 : memref<1x16xf32, #tpu.memory_space<vmem>> -> memref<16xf32, #tpu.memory_space<vmem>>
    %dma_start3A_927 = arith.constant 0 : i32
    %dma_start3A_928 = tpu.memref_slice %arg2[%dma_start3A_927] : memref<3000000xf32, #tpu.memory_space<hbm>> -> memref<3000000xf32, #tpu.memory_space<hbm>>
    tpu.enqueue_indirect_dma source(%dma_start3A_928 : memref<3000000xf32, #tpu.memory_space<hbm>>) target(%dma_start3A_926 : memref<16xf32, #tpu.memory_space<vmem>>) offsets(%add3A_922 : vector<16xi32>) semaphore(%arg7 : memref<!tpu.dma_semaphore, #tpu.memory_space<semaphore_mem>>)
    %dma_wait3A = arith.constant 0 : i32
    %dma_wait3A_929 = arith.constant 0 : i32
    %dma_wait3A_930 = tpu.memref_slice %arg6[%dma_wait3A, %dma_wait3A_929] : memref<3x512xf32, #tpu.memory_space<vmem>> -> memref<1x16xf32, #tpu.memory_space<vmem>>
    %dma_wait3A_931 = tpu.memref_squeeze %dma_wait3A_930 : memref<1x16xf32, #tpu.memory_space<vmem>> -> memref<16xf32, #tpu.memory_space<vmem>>
    %dma_wait3A_932 = arith.constant 0 : i32
    %dma_wait3A_933 = tpu.memref_slice %arg2[%dma_wait3A_932] : memref<3000000xf32, #tpu.memory_space<hbm>> -> memref<3000000xf32, #tpu.memory_space<hbm>>
    tpu.wait_indirect_dma semaphore(%arg7 : memref<!tpu.dma_semaphore, #tpu.memory_space<semaphore_mem>>) src(%dma_wait3A_933 : memref<3000000xf32, #tpu.memory_space<hbm>>) dst(%dma_wait3A_931 : memref<16xf32, #tpu.memory_space<vmem>>)
    %dma_wait3A_934 = arith.constant 1 : i32
    %dma_wait3A_935 = arith.constant 0 : i32
    %dma_wait3A_936 = tpu.memref_slice %arg6[%dma_wait3A_934, %dma_wait3A_935] : memref<3x512xf32, #tpu.memory_space<vmem>> -> memref<1x16xf32, #tpu.memory_space<vmem>>
    %dma_wait3A_937 = tpu.memref_squeeze %dma_wait3A_936 : memref<1x16xf32, #tpu.memory_space<vmem>> -> memref<16xf32, #tpu.memory_space<vmem>>
    %dma_wait3A_938 = arith.constant 0 : i32
    %dma_wait3A_939 = tpu.memref_slice %arg2[%dma_wait3A_938] : memref<3000000xf32, #tpu.memory_space<hbm>> -> memref<3000000xf32, #tpu.memory_space<hbm>>
    tpu.wait_indirect_dma semaphore(%arg7 : memref<!tpu.dma_semaphore, #tpu.memory_space<semaphore_mem>>) src(%dma_wait3A_939 : memref<3000000xf32, #tpu.memory_space<hbm>>) dst(%dma_wait3A_937 : memref<16xf32, #tpu.memory_space<vmem>>)
    %dma_wait3A_940 = arith.constant 2 : i32
    %dma_wait3A_941 = arith.constant 0 : i32
    %dma_wait3A_942 = tpu.memref_slice %arg6[%dma_wait3A_940, %dma_wait3A_941] : memref<3x512xf32, #tpu.memory_space<vmem>> -> memref<1x16xf32, #tpu.memory_space<vmem>>
    %dma_wait3A_943 = tpu.memref_squeeze %dma_wait3A_942 : memref<1x16xf32, #tpu.memory_space<vmem>> -> memref<16xf32, #tpu.memory_space<vmem>>
    %dma_wait3A_944 = arith.constant 0 : i32
    %dma_wait3A_945 = tpu.memref_slice %arg2[%dma_wait3A_944] : memref<3000000xf32, #tpu.memory_space<hbm>> -> memref<3000000xf32, #tpu.memory_space<hbm>>
    tpu.wait_indirect_dma semaphore(%arg7 : memref<!tpu.dma_semaphore, #tpu.memory_space<semaphore_mem>>) src(%dma_wait3A_945 : memref<3000000xf32, #tpu.memory_space<hbm>>) dst(%dma_wait3A_943 : memref<16xf32, #tpu.memory_space<vmem>>)
    %dma_wait3A_946 = arith.constant 0 : i32
    %dma_wait3A_947 = arith.constant 16 : i32
    %dma_wait3A_948 = tpu.memref_slice %arg6[%dma_wait3A_946, %dma_wait3A_947] : memref<3x512xf32, #tpu.memory_space<vmem>> -> memref<1x16xf32, #tpu.memory_space<vmem>>
    %dma_wait3A_949 = tpu.memref_squeeze %dma_wait3A_948 : memref<1x16xf32, #tpu.memory_space<vmem>> -> memref<16xf32, #tpu.memory_space<vmem>>
    %dma_wait3A_950 = arith.constant 0 : i32
    %dma_wait3A_951 = tpu.memref_slice %arg2[%dma_wait3A_950] : memref<3000000xf32, #tpu.memory_space<hbm>> -> memref<3000000xf32, #tpu.memory_space<hbm>>
    tpu.wait_indirect_dma semaphore(%arg7 : memref<!tpu.dma_semaphore, #tpu.memory_space<semaphore_mem>>) src(%dma_wait3A_951 : memref<3000000xf32, #tpu.memory_space<hbm>>) dst(%dma_wait3A_949 : memref<16xf32, #tpu.memory_space<vmem>>)
    %dma_wait3A_952 = arith.constant 1 : i32
    %dma_wait3A_953 = arith.constant 16 : i32
    %dma_wait3A_954 = tpu.memref_slice %arg6[%dma_wait3A_952, %dma_wait3A_953] : memref<3x512xf32, #tpu.memory_space<vmem>> -> memref<1x16xf32, #tpu.memory_space<vmem>>
    %dma_wait3A_955 = tpu.memref_squeeze %dma_wait3A_954 : memref<1x16xf32, #tpu.memory_space<vmem>> -> memref<16xf32, #tpu.memory_space<vmem>>
    %dma_wait3A_956 = arith.constant 0 : i32
    %dma_wait3A_957 = tpu.memref_slice %arg2[%dma_wait3A_956] : memref<3000000xf32, #tpu.memory_space<hbm>> -> memref<3000000xf32, #tpu.memory_space<hbm>>
    tpu.wait_indirect_dma semaphore(%arg7 : memref<!tpu.dma_semaphore, #tpu.memory_space<semaphore_mem>>) src(%dma_wait3A_957 : memref<3000000xf32, #tpu.memory_space<hbm>>) dst(%dma_wait3A_955 : memref<16xf32, #tpu.memory_space<vmem>>)
    %dma_wait3A_958 = arith.constant 2 : i32
    %dma_wait3A_959 = arith.constant 16 : i32
    %dma_wait3A_960 = tpu.memref_slice %arg6[%dma_wait3A_958, %dma_wait3A_959] : memref<3x512xf32, #tpu.memory_space<vmem>> -> memref<1x16xf32, #tpu.memory_space<vmem>>
    %dma_wait3A_961 = tpu.memref_squeeze %dma_wait3A_960 : memref<1x16xf32, #tpu.memory_space<vmem>> -> memref<16xf32, #tpu.memory_space<vmem>>
    %dma_wait3A_962 = arith.constant 0 : i32
    %dma_wait3A_963 = tpu.memref_slice %arg2[%dma_wait3A_962] : memref<3000000xf32, #tpu.memory_space<hbm>> -> memref<3000000xf32, #tpu.memory_space<hbm>>
    tpu.wait_indirect_dma semaphore(%arg7 : memref<!tpu.dma_semaphore, #tpu.memory_space<semaphore_mem>>) src(%dma_wait3A_963 : memref<3000000xf32, #tpu.memory_space<hbm>>) dst(%dma_wait3A_961 : memref<16xf32, #tpu.memory_space<vmem>>)
    %dma_wait3A_964 = arith.constant 0 : i32
    %dma_wait3A_965 = arith.constant 32 : i32
    %dma_wait3A_966 = tpu.memref_slice %arg6[%dma_wait3A_964, %dma_wait3A_965] : memref<3x512xf32, #tpu.memory_space<vmem>> -> memref<1x16xf32, #tpu.memory_space<vmem>>
    %dma_wait3A_967 = tpu.memref_squeeze %dma_wait3A_966 : memref<1x16xf32, #tpu.memory_space<vmem>> -> memref<16xf32, #tpu.memory_space<vmem>>
    %dma_wait3A_968 = arith.constant 0 : i32
    %dma_wait3A_969 = tpu.memref_slice %arg2[%dma_wait3A_968] : memref<3000000xf32, #tpu.memory_space<hbm>> -> memref<3000000xf32, #tpu.memory_space<hbm>>
    tpu.wait_indirect_dma semaphore(%arg7 : memref<!tpu.dma_semaphore, #tpu.memory_space<semaphore_mem>>) src(%dma_wait3A_969 : memref<3000000xf32, #tpu.memory_space<hbm>>) dst(%dma_wait3A_967 : memref<16xf32, #tpu.memory_space<vmem>>)
    %dma_wait3A_970 = arith.constant 1 : i32
    %dma_wait3A_971 = arith.constant 32 : i32
    %dma_wait3A_972 = tpu.memref_slice %arg6[%dma_wait3A_970, %dma_wait3A_971] : memref<3x512xf32, #tpu.memory_space<vmem>> -> memref<1x16xf32, #tpu.memory_space<vmem>>
    %dma_wait3A_973 = tpu.memref_squeeze %dma_wait3A_972 : memref<1x16xf32, #tpu.memory_space<vmem>> -> memref<16xf32, #tpu.memory_space<vmem>>
    %dma_wait3A_974 = arith.constant 0 : i32
    %dma_wait3A_975 = tpu.memref_slice %arg2[%dma_wait3A_974] : memref<3000000xf32, #tpu.memory_space<hbm>> -> memref<3000000xf32, #tpu.memory_space<hbm>>
    tpu.wait_indirect_dma semaphore(%arg7 : memref<!tpu.dma_semaphore, #tpu.memory_space<semaphore_mem>>) src(%dma_wait3A_975 : memref<3000000xf32, #tpu.memory_space<hbm>>) dst(%dma_wait3A_973 : memref<16xf32, #tpu.memory_space<vmem>>)
    %dma_wait3A_976 = arith.constant 2 : i32
    %dma_wait3A_977 = arith.constant 32 : i32
    %dma_wait3A_978 = tpu.memref_slice %arg6[%dma_wait3A_976, %dma_wait3A_977] : memref<3x512xf32, #tpu.memory_space<vmem>> -> memref<1x16xf32, #tpu.memory_space<vmem>>
    %dma_wait3A_979 = tpu.memref_squeeze %dma_wait3A_978 : memref<1x16xf32, #tpu.memory_space<vmem>> -> memref<16xf32, #tpu.memory_space<vmem>>
    %dma_wait3A_980 = arith.constant 0 : i32
    %dma_wait3A_981 = tpu.memref_slice %arg2[%dma_wait3A_980] : memref<3000000xf32, #tpu.memory_space<hbm>> -> memref<3000000xf32, #tpu.memory_space<hbm>>
    tpu.wait_indirect_dma semaphore(%arg7 : memref<!tpu.dma_semaphore, #tpu.memory_space<semaphore_mem>>) src(%dma_wait3A_981 : memref<3000000xf32, #tpu.memory_space<hbm>>) dst(%dma_wait3A_979 : memref<16xf32, #tpu.memory_space<vmem>>)
    %dma_wait3A_982 = arith.constant 0 : i32
    %dma_wait3A_983 = arith.constant 48 : i32
    %dma_wait3A_984 = tpu.memref_slice %arg6[%dma_wait3A_982, %dma_wait3A_983] : memref<3x512xf32, #tpu.memory_space<vmem>> -> memref<1x16xf32, #tpu.memory_space<vmem>>
    %dma_wait3A_985 = tpu.memref_squeeze %dma_wait3A_984 : memref<1x16xf32, #tpu.memory_space<vmem>> -> memref<16xf32, #tpu.memory_space<vmem>>
    %dma_wait3A_986 = arith.constant 0 : i32
    %dma_wait3A_987 = tpu.memref_slice %arg2[%dma_wait3A_986] : memref<3000000xf32, #tpu.memory_space<hbm>> -> memref<3000000xf32, #tpu.memory_space<hbm>>
    tpu.wait_indirect_dma semaphore(%arg7 : memref<!tpu.dma_semaphore, #tpu.memory_space<semaphore_mem>>) src(%dma_wait3A_987 : memref<3000000xf32, #tpu.memory_space<hbm>>) dst(%dma_wait3A_985 : memref<16xf32, #tpu.memory_space<vmem>>)
    %dma_wait3A_988 = arith.constant 1 : i32
    %dma_wait3A_989 = arith.constant 48 : i32
    %dma_wait3A_990 = tpu.memref_slice %arg6[%dma_wait3A_988, %dma_wait3A_989] : memref<3x512xf32, #tpu.memory_space<vmem>> -> memref<1x16xf32, #tpu.memory_space<vmem>>
    %dma_wait3A_991 = tpu.memref_squeeze %dma_wait3A_990 : memref<1x16xf32, #tpu.memory_space<vmem>> -> memref<16xf32, #tpu.memory_space<vmem>>
    %dma_wait3A_992 = arith.constant 0 : i32
    %dma_wait3A_993 = tpu.memref_slice %arg2[%dma_wait3A_992] : memref<3000000xf32, #tpu.memory_space<hbm>> -> memref<3000000xf32, #tpu.memory_space<hbm>>
    tpu.wait_indirect_dma semaphore(%arg7 : memref<!tpu.dma_semaphore, #tpu.memory_space<semaphore_mem>>) src(%dma_wait3A_993 : memref<3000000xf32, #tpu.memory_space<hbm>>) dst(%dma_wait3A_991 : memref<16xf32, #tpu.memory_space<vmem>>)
    %dma_wait3A_994 = arith.constant 2 : i32
    %dma_wait3A_995 = arith.constant 48 : i32
    %dma_wait3A_996 = tpu.memref_slice %arg6[%dma_wait3A_994, %dma_wait3A_995] : memref<3x512xf32, #tpu.memory_space<vmem>> -> memref<1x16xf32, #tpu.memory_space<vmem>>
    %dma_wait3A_997 = tpu.memref_squeeze %dma_wait3A_996 : memref<1x16xf32, #tpu.memory_space<vmem>> -> memref<16xf32, #tpu.memory_space<vmem>>
    %dma_wait3A_998 = arith.constant 0 : i32
    %dma_wait3A_999 = tpu.memref_slice %arg2[%dma_wait3A_998] : memref<3000000xf32, #tpu.memory_space<hbm>> -> memref<3000000xf32, #tpu.memory_space<hbm>>
    tpu.wait_indirect_dma semaphore(%arg7 : memref<!tpu.dma_semaphore, #tpu.memory_space<semaphore_mem>>) src(%dma_wait3A_999 : memref<3000000xf32, #tpu.memory_space<hbm>>) dst(%dma_wait3A_997 : memref<16xf32, #tpu.memory_space<vmem>>)
    %dma_wait3A_1000 = arith.constant 0 : i32
    %dma_wait3A_1001 = arith.constant 64 : i32
    %dma_wait3A_1002 = tpu.memref_slice %arg6[%dma_wait3A_1000, %dma_wait3A_1001] : memref<3x512xf32, #tpu.memory_space<vmem>> -> memref<1x16xf32, #tpu.memory_space<vmem>>
    %dma_wait3A_1003 = tpu.memref_squeeze %dma_wait3A_1002 : memref<1x16xf32, #tpu.memory_space<vmem>> -> memref<16xf32, #tpu.memory_space<vmem>>
    %dma_wait3A_1004 = arith.constant 0 : i32
    %dma_wait3A_1005 = tpu.memref_slice %arg2[%dma_wait3A_1004] : memref<3000000xf32, #tpu.memory_space<hbm>> -> memref<3000000xf32, #tpu.memory_space<hbm>>
    tpu.wait_indirect_dma semaphore(%arg7 : memref<!tpu.dma_semaphore, #tpu.memory_space<semaphore_mem>>) src(%dma_wait3A_1005 : memref<3000000xf32, #tpu.memory_space<hbm>>) dst(%dma_wait3A_1003 : memref<16xf32, #tpu.memory_space<vmem>>)
    %dma_wait3A_1006 = arith.constant 1 : i32
    %dma_wait3A_1007 = arith.constant 64 : i32
    %dma_wait3A_1008 = tpu.memref_slice %arg6[%dma_wait3A_1006, %dma_wait3A_1007] : memref<3x512xf32, #tpu.memory_space<vmem>> -> memref<1x16xf32, #tpu.memory_space<vmem>>
    %dma_wait3A_1009 = tpu.memref_squeeze %dma_wait3A_1008 : memref<1x16xf32, #tpu.memory_space<vmem>> -> memref<16xf32, #tpu.memory_space<vmem>>
    %dma_wait3A_1010 = arith.constant 0 : i32
    %dma_wait3A_1011 = tpu.memref_slice %arg2[%dma_wait3A_1010] : memref<3000000xf32, #tpu.memory_space<hbm>> -> memref<3000000xf32, #tpu.memory_space<hbm>>
    tpu.wait_indirect_dma semaphore(%arg7 : memref<!tpu.dma_semaphore, #tpu.memory_space<semaphore_mem>>) src(%dma_wait3A_1011 : memref<3000000xf32, #tpu.memory_space<hbm>>) dst(%dma_wait3A_1009 : memref<16xf32, #tpu.memory_space<vmem>>)
    %dma_wait3A_1012 = arith.constant 2 : i32
    %dma_wait3A_1013 = arith.constant 64 : i32
    %dma_wait3A_1014 = tpu.memref_slice %arg6[%dma_wait3A_1012, %dma_wait3A_1013] : memref<3x512xf32, #tpu.memory_space<vmem>> -> memref<1x16xf32, #tpu.memory_space<vmem>>
    %dma_wait3A_1015 = tpu.memref_squeeze %dma_wait3A_1014 : memref<1x16xf32, #tpu.memory_space<vmem>> -> memref<16xf32, #tpu.memory_space<vmem>>
    %dma_wait3A_1016 = arith.constant 0 : i32
    %dma_wait3A_1017 = tpu.memref_slice %arg2[%dma_wait3A_1016] : memref<3000000xf32, #tpu.memory_space<hbm>> -> memref<3000000xf32, #tpu.memory_space<hbm>>
    tpu.wait_indirect_dma semaphore(%arg7 : memref<!tpu.dma_semaphore, #tpu.memory_space<semaphore_mem>>) src(%dma_wait3A_1017 : memref<3000000xf32, #tpu.memory_space<hbm>>) dst(%dma_wait3A_1015 : memref<16xf32, #tpu.memory_space<vmem>>)
    %dma_wait3A_1018 = arith.constant 0 : i32
    %dma_wait3A_1019 = arith.constant 80 : i32
    %dma_wait3A_1020 = tpu.memref_slice %arg6[%dma_wait3A_1018, %dma_wait3A_1019] : memref<3x512xf32, #tpu.memory_space<vmem>> -> memref<1x16xf32, #tpu.memory_space<vmem>>
    %dma_wait3A_1021 = tpu.memref_squeeze %dma_wait3A_1020 : memref<1x16xf32, #tpu.memory_space<vmem>> -> memref<16xf32, #tpu.memory_space<vmem>>
    %dma_wait3A_1022 = arith.constant 0 : i32
    %dma_wait3A_1023 = tpu.memref_slice %arg2[%dma_wait3A_1022] : memref<3000000xf32, #tpu.memory_space<hbm>> -> memref<3000000xf32, #tpu.memory_space<hbm>>
    tpu.wait_indirect_dma semaphore(%arg7 : memref<!tpu.dma_semaphore, #tpu.memory_space<semaphore_mem>>) src(%dma_wait3A_1023 : memref<3000000xf32, #tpu.memory_space<hbm>>) dst(%dma_wait3A_1021 : memref<16xf32, #tpu.memory_space<vmem>>)
    %dma_wait3A_1024 = arith.constant 1 : i32
    %dma_wait3A_1025 = arith.constant 80 : i32
    %dma_wait3A_1026 = tpu.memref_slice %arg6[%dma_wait3A_1024, %dma_wait3A_1025] : memref<3x512xf32, #tpu.memory_space<vmem>> -> memref<1x16xf32, #tpu.memory_space<vmem>>
    %dma_wait3A_1027 = tpu.memref_squeeze %dma_wait3A_1026 : memref<1x16xf32, #tpu.memory_space<vmem>> -> memref<16xf32, #tpu.memory_space<vmem>>
    %dma_wait3A_1028 = arith.constant 0 : i32
    %dma_wait3A_1029 = tpu.memref_slice %arg2[%dma_wait3A_1028] : memref<3000000xf32, #tpu.memory_space<hbm>> -> memref<3000000xf32, #tpu.memory_space<hbm>>
    tpu.wait_indirect_dma semaphore(%arg7 : memref<!tpu.dma_semaphore, #tpu.memory_space<semaphore_mem>>) src(%dma_wait3A_1029 : memref<3000000xf32, #tpu.memory_space<hbm>>) dst(%dma_wait3A_1027 : memref<16xf32, #tpu.memory_space<vmem>>)
    %dma_wait3A_1030 = arith.constant 2 : i32
    %dma_wait3A_1031 = arith.constant 80 : i32
    %dma_wait3A_1032 = tpu.memref_slice %arg6[%dma_wait3A_1030, %dma_wait3A_1031] : memref<3x512xf32, #tpu.memory_space<vmem>> -> memref<1x16xf32, #tpu.memory_space<vmem>>
    %dma_wait3A_1033 = tpu.memref_squeeze %dma_wait3A_1032 : memref<1x16xf32, #tpu.memory_space<vmem>> -> memref<16xf32, #tpu.memory_space<vmem>>
    %dma_wait3A_1034 = arith.constant 0 : i32
    %dma_wait3A_1035 = tpu.memref_slice %arg2[%dma_wait3A_1034] : memref<3000000xf32, #tpu.memory_space<hbm>> -> memref<3000000xf32, #tpu.memory_space<hbm>>
    tpu.wait_indirect_dma semaphore(%arg7 : memref<!tpu.dma_semaphore, #tpu.memory_space<semaphore_mem>>) src(%dma_wait3A_1035 : memref<3000000xf32, #tpu.memory_space<hbm>>) dst(%dma_wait3A_1033 : memref<16xf32, #tpu.memory_space<vmem>>)
    %dma_wait3A_1036 = arith.constant 0 : i32
    %dma_wait3A_1037 = arith.constant 96 : i32
    %dma_wait3A_1038 = tpu.memref_slice %arg6[%dma_wait3A_1036, %dma_wait3A_1037] : memref<3x512xf32, #tpu.memory_space<vmem>> -> memref<1x16xf32, #tpu.memory_space<vmem>>
    %dma_wait3A_1039 = tpu.memref_squeeze %dma_wait3A_1038 : memref<1x16xf32, #tpu.memory_space<vmem>> -> memref<16xf32, #tpu.memory_space<vmem>>
    %dma_wait3A_1040 = arith.constant 0 : i32
    %dma_wait3A_1041 = tpu.memref_slice %arg2[%dma_wait3A_1040] : memref<3000000xf32, #tpu.memory_space<hbm>> -> memref<3000000xf32, #tpu.memory_space<hbm>>
    tpu.wait_indirect_dma semaphore(%arg7 : memref<!tpu.dma_semaphore, #tpu.memory_space<semaphore_mem>>) src(%dma_wait3A_1041 : memref<3000000xf32, #tpu.memory_space<hbm>>) dst(%dma_wait3A_1039 : memref<16xf32, #tpu.memory_space<vmem>>)
    %dma_wait3A_1042 = arith.constant 1 : i32
    %dma_wait3A_1043 = arith.constant 96 : i32
    %dma_wait3A_1044 = tpu.memref_slice %arg6[%dma_wait3A_1042, %dma_wait3A_1043] : memref<3x512xf32, #tpu.memory_space<vmem>> -> memref<1x16xf32, #tpu.memory_space<vmem>>
    %dma_wait3A_1045 = tpu.memref_squeeze %dma_wait3A_1044 : memref<1x16xf32, #tpu.memory_space<vmem>> -> memref<16xf32, #tpu.memory_space<vmem>>
    %dma_wait3A_1046 = arith.constant 0 : i32
    %dma_wait3A_1047 = tpu.memref_slice %arg2[%dma_wait3A_1046] : memref<3000000xf32, #tpu.memory_space<hbm>> -> memref<3000000xf32, #tpu.memory_space<hbm>>
    tpu.wait_indirect_dma semaphore(%arg7 : memref<!tpu.dma_semaphore, #tpu.memory_space<semaphore_mem>>) src(%dma_wait3A_1047 : memref<3000000xf32, #tpu.memory_space<hbm>>) dst(%dma_wait3A_1045 : memref<16xf32, #tpu.memory_space<vmem>>)
    %dma_wait3A_1048 = arith.constant 2 : i32
    %dma_wait3A_1049 = arith.constant 96 : i32
    %dma_wait3A_1050 = tpu.memref_slice %arg6[%dma_wait3A_1048, %dma_wait3A_1049] : memref<3x512xf32, #tpu.memory_space<vmem>> -> memref<1x16xf32, #tpu.memory_space<vmem>>
    %dma_wait3A_1051 = tpu.memref_squeeze %dma_wait3A_1050 : memref<1x16xf32, #tpu.memory_space<vmem>> -> memref<16xf32, #tpu.memory_space<vmem>>
    %dma_wait3A_1052 = arith.constant 0 : i32
    %dma_wait3A_1053 = tpu.memref_slice %arg2[%dma_wait3A_1052] : memref<3000000xf32, #tpu.memory_space<hbm>> -> memref<3000000xf32, #tpu.memory_space<hbm>>
    tpu.wait_indirect_dma semaphore(%arg7 : memref<!tpu.dma_semaphore, #tpu.memory_space<semaphore_mem>>) src(%dma_wait3A_1053 : memref<3000000xf32, #tpu.memory_space<hbm>>) dst(%dma_wait3A_1051 : memref<16xf32, #tpu.memory_space<vmem>>)
    %dma_wait3A_1054 = arith.constant 0 : i32
    %dma_wait3A_1055 = arith.constant 112 : i32
    %dma_wait3A_1056 = tpu.memref_slice %arg6[%dma_wait3A_1054, %dma_wait3A_1055] : memref<3x512xf32, #tpu.memory_space<vmem>> -> memref<1x16xf32, #tpu.memory_space<vmem>>
    %dma_wait3A_1057 = tpu.memref_squeeze %dma_wait3A_1056 : memref<1x16xf32, #tpu.memory_space<vmem>> -> memref<16xf32, #tpu.memory_space<vmem>>
    %dma_wait3A_1058 = arith.constant 0 : i32
    %dma_wait3A_1059 = tpu.memref_slice %arg2[%dma_wait3A_1058] : memref<3000000xf32, #tpu.memory_space<hbm>> -> memref<3000000xf32, #tpu.memory_space<hbm>>
    tpu.wait_indirect_dma semaphore(%arg7 : memref<!tpu.dma_semaphore, #tpu.memory_space<semaphore_mem>>) src(%dma_wait3A_1059 : memref<3000000xf32, #tpu.memory_space<hbm>>) dst(%dma_wait3A_1057 : memref<16xf32, #tpu.memory_space<vmem>>)
    %dma_wait3A_1060 = arith.constant 1 : i32
    %dma_wait3A_1061 = arith.constant 112 : i32
    %dma_wait3A_1062 = tpu.memref_slice %arg6[%dma_wait3A_1060, %dma_wait3A_1061] : memref<3x512xf32, #tpu.memory_space<vmem>> -> memref<1x16xf32, #tpu.memory_space<vmem>>
    %dma_wait3A_1063 = tpu.memref_squeeze %dma_wait3A_1062 : memref<1x16xf32, #tpu.memory_space<vmem>> -> memref<16xf32, #tpu.memory_space<vmem>>
    %dma_wait3A_1064 = arith.constant 0 : i32
    %dma_wait3A_1065 = tpu.memref_slice %arg2[%dma_wait3A_1064] : memref<3000000xf32, #tpu.memory_space<hbm>> -> memref<3000000xf32, #tpu.memory_space<hbm>>
    tpu.wait_indirect_dma semaphore(%arg7 : memref<!tpu.dma_semaphore, #tpu.memory_space<semaphore_mem>>) src(%dma_wait3A_1065 : memref<3000000xf32, #tpu.memory_space<hbm>>) dst(%dma_wait3A_1063 : memref<16xf32, #tpu.memory_space<vmem>>)
    %dma_wait3A_1066 = arith.constant 2 : i32
    %dma_wait3A_1067 = arith.constant 112 : i32
    %dma_wait3A_1068 = tpu.memref_slice %arg6[%dma_wait3A_1066, %dma_wait3A_1067] : memref<3x512xf32, #tpu.memory_space<vmem>> -> memref<1x16xf32, #tpu.memory_space<vmem>>
    %dma_wait3A_1069 = tpu.memref_squeeze %dma_wait3A_1068 : memref<1x16xf32, #tpu.memory_space<vmem>> -> memref<16xf32, #tpu.memory_space<vmem>>
    %dma_wait3A_1070 = arith.constant 0 : i32
    %dma_wait3A_1071 = tpu.memref_slice %arg2[%dma_wait3A_1070] : memref<3000000xf32, #tpu.memory_space<hbm>> -> memref<3000000xf32, #tpu.memory_space<hbm>>
    tpu.wait_indirect_dma semaphore(%arg7 : memref<!tpu.dma_semaphore, #tpu.memory_space<semaphore_mem>>) src(%dma_wait3A_1071 : memref<3000000xf32, #tpu.memory_space<hbm>>) dst(%dma_wait3A_1069 : memref<16xf32, #tpu.memory_space<vmem>>)
    %dma_wait3A_1072 = arith.constant 0 : i32
    %dma_wait3A_1073 = arith.constant 128 : i32
    %dma_wait3A_1074 = tpu.memref_slice %arg6[%dma_wait3A_1072, %dma_wait3A_1073] : memref<3x512xf32, #tpu.memory_space<vmem>> -> memref<1x16xf32, #tpu.memory_space<vmem>>
    %dma_wait3A_1075 = tpu.memref_squeeze %dma_wait3A_1074 : memref<1x16xf32, #tpu.memory_space<vmem>> -> memref<16xf32, #tpu.memory_space<vmem>>
    %dma_wait3A_1076 = arith.constant 0 : i32
    %dma_wait3A_1077 = tpu.memref_slice %arg2[%dma_wait3A_1076] : memref<3000000xf32, #tpu.memory_space<hbm>> -> memref<3000000xf32, #tpu.memory_space<hbm>>
    tpu.wait_indirect_dma semaphore(%arg7 : memref<!tpu.dma_semaphore, #tpu.memory_space<semaphore_mem>>) src(%dma_wait3A_1077 : memref<3000000xf32, #tpu.memory_space<hbm>>) dst(%dma_wait3A_1075 : memref<16xf32, #tpu.memory_space<vmem>>)
    %dma_wait3A_1078 = arith.constant 1 : i32
    %dma_wait3A_1079 = arith.constant 128 : i32
    %dma_wait3A_1080 = tpu.memref_slice %arg6[%dma_wait3A_1078, %dma_wait3A_1079] : memref<3x512xf32, #tpu.memory_space<vmem>> -> memref<1x16xf32, #tpu.memory_space<vmem>>
    %dma_wait3A_1081 = tpu.memref_squeeze %dma_wait3A_1080 : memref<1x16xf32, #tpu.memory_space<vmem>> -> memref<16xf32, #tpu.memory_space<vmem>>
    %dma_wait3A_1082 = arith.constant 0 : i32
    %dma_wait3A_1083 = tpu.memref_slice %arg2[%dma_wait3A_1082] : memref<3000000xf32, #tpu.memory_space<hbm>> -> memref<3000000xf32, #tpu.memory_space<hbm>>
    tpu.wait_indirect_dma semaphore(%arg7 : memref<!tpu.dma_semaphore, #tpu.memory_space<semaphore_mem>>) src(%dma_wait3A_1083 : memref<3000000xf32, #tpu.memory_space<hbm>>) dst(%dma_wait3A_1081 : memref<16xf32, #tpu.memory_space<vmem>>)
    %dma_wait3A_1084 = arith.constant 2 : i32
    %dma_wait3A_1085 = arith.constant 128 : i32
    %dma_wait3A_1086 = tpu.memref_slice %arg6[%dma_wait3A_1084, %dma_wait3A_1085] : memref<3x512xf32, #tpu.memory_space<vmem>> -> memref<1x16xf32, #tpu.memory_space<vmem>>
    %dma_wait3A_1087 = tpu.memref_squeeze %dma_wait3A_1086 : memref<1x16xf32, #tpu.memory_space<vmem>> -> memref<16xf32, #tpu.memory_space<vmem>>
    %dma_wait3A_1088 = arith.constant 0 : i32
    %dma_wait3A_1089 = tpu.memref_slice %arg2[%dma_wait3A_1088] : memref<3000000xf32, #tpu.memory_space<hbm>> -> memref<3000000xf32, #tpu.memory_space<hbm>>
    tpu.wait_indirect_dma semaphore(%arg7 : memref<!tpu.dma_semaphore, #tpu.memory_space<semaphore_mem>>) src(%dma_wait3A_1089 : memref<3000000xf32, #tpu.memory_space<hbm>>) dst(%dma_wait3A_1087 : memref<16xf32, #tpu.memory_space<vmem>>)
    %dma_wait3A_1090 = arith.constant 0 : i32
    %dma_wait3A_1091 = arith.constant 144 : i32
    %dma_wait3A_1092 = tpu.memref_slice %arg6[%dma_wait3A_1090, %dma_wait3A_1091] : memref<3x512xf32, #tpu.memory_space<vmem>> -> memref<1x16xf32, #tpu.memory_space<vmem>>
    %dma_wait3A_1093 = tpu.memref_squeeze %dma_wait3A_1092 : memref<1x16xf32, #tpu.memory_space<vmem>> -> memref<16xf32, #tpu.memory_space<vmem>>
    %dma_wait3A_1094 = arith.constant 0 : i32
    %dma_wait3A_1095 = tpu.memref_slice %arg2[%dma_wait3A_1094] : memref<3000000xf32, #tpu.memory_space<hbm>> -> memref<3000000xf32, #tpu.memory_space<hbm>>
    tpu.wait_indirect_dma semaphore(%arg7 : memref<!tpu.dma_semaphore, #tpu.memory_space<semaphore_mem>>) src(%dma_wait3A_1095 : memref<3000000xf32, #tpu.memory_space<hbm>>) dst(%dma_wait3A_1093 : memref<16xf32, #tpu.memory_space<vmem>>)
    %dma_wait3A_1096 = arith.constant 1 : i32
    %dma_wait3A_1097 = arith.constant 144 : i32
    %dma_wait3A_1098 = tpu.memref_slice %arg6[%dma_wait3A_1096, %dma_wait3A_1097] : memref<3x512xf32, #tpu.memory_space<vmem>> -> memref<1x16xf32, #tpu.memory_space<vmem>>
    %dma_wait3A_1099 = tpu.memref_squeeze %dma_wait3A_1098 : memref<1x16xf32, #tpu.memory_space<vmem>> -> memref<16xf32, #tpu.memory_space<vmem>>
    %dma_wait3A_1100 = arith.constant 0 : i32
    %dma_wait3A_1101 = tpu.memref_slice %arg2[%dma_wait3A_1100] : memref<3000000xf32, #tpu.memory_space<hbm>> -> memref<3000000xf32, #tpu.memory_space<hbm>>
    tpu.wait_indirect_dma semaphore(%arg7 : memref<!tpu.dma_semaphore, #tpu.memory_space<semaphore_mem>>) src(%dma_wait3A_1101 : memref<3000000xf32, #tpu.memory_space<hbm>>) dst(%dma_wait3A_1099 : memref<16xf32, #tpu.memory_space<vmem>>)
    %dma_wait3A_1102 = arith.constant 2 : i32
    %dma_wait3A_1103 = arith.constant 144 : i32
    %dma_wait3A_1104 = tpu.memref_slice %arg6[%dma_wait3A_1102, %dma_wait3A_1103] : memref<3x512xf32, #tpu.memory_space<vmem>> -> memref<1x16xf32, #tpu.memory_space<vmem>>
    %dma_wait3A_1105 = tpu.memref_squeeze %dma_wait3A_1104 : memref<1x16xf32, #tpu.memory_space<vmem>> -> memref<16xf32, #tpu.memory_space<vmem>>
    %dma_wait3A_1106 = arith.constant 0 : i32
    %dma_wait3A_1107 = tpu.memref_slice %arg2[%dma_wait3A_1106] : memref<3000000xf32, #tpu.memory_space<hbm>> -> memref<3000000xf32, #tpu.memory_space<hbm>>
    tpu.wait_indirect_dma semaphore(%arg7 : memref<!tpu.dma_semaphore, #tpu.memory_space<semaphore_mem>>) src(%dma_wait3A_1107 : memref<3000000xf32, #tpu.memory_space<hbm>>) dst(%dma_wait3A_1105 : memref<16xf32, #tpu.memory_space<vmem>>)
    %dma_wait3A_1108 = arith.constant 0 : i32
    %dma_wait3A_1109 = arith.constant 160 : i32
    %dma_wait3A_1110 = tpu.memref_slice %arg6[%dma_wait3A_1108, %dma_wait3A_1109] : memref<3x512xf32, #tpu.memory_space<vmem>> -> memref<1x16xf32, #tpu.memory_space<vmem>>
    %dma_wait3A_1111 = tpu.memref_squeeze %dma_wait3A_1110 : memref<1x16xf32, #tpu.memory_space<vmem>> -> memref<16xf32, #tpu.memory_space<vmem>>
    %dma_wait3A_1112 = arith.constant 0 : i32
    %dma_wait3A_1113 = tpu.memref_slice %arg2[%dma_wait3A_1112] : memref<3000000xf32, #tpu.memory_space<hbm>> -> memref<3000000xf32, #tpu.memory_space<hbm>>
    tpu.wait_indirect_dma semaphore(%arg7 : memref<!tpu.dma_semaphore, #tpu.memory_space<semaphore_mem>>) src(%dma_wait3A_1113 : memref<3000000xf32, #tpu.memory_space<hbm>>) dst(%dma_wait3A_1111 : memref<16xf32, #tpu.memory_space<vmem>>)
    %dma_wait3A_1114 = arith.constant 1 : i32
    %dma_wait3A_1115 = arith.constant 160 : i32
    %dma_wait3A_1116 = tpu.memref_slice %arg6[%dma_wait3A_1114, %dma_wait3A_1115] : memref<3x512xf32, #tpu.memory_space<vmem>> -> memref<1x16xf32, #tpu.memory_space<vmem>>
    %dma_wait3A_1117 = tpu.memref_squeeze %dma_wait3A_1116 : memref<1x16xf32, #tpu.memory_space<vmem>> -> memref<16xf32, #tpu.memory_space<vmem>>
    %dma_wait3A_1118 = arith.constant 0 : i32
    %dma_wait3A_1119 = tpu.memref_slice %arg2[%dma_wait3A_1118] : memref<3000000xf32, #tpu.memory_space<hbm>> -> memref<3000000xf32, #tpu.memory_space<hbm>>
    tpu.wait_indirect_dma semaphore(%arg7 : memref<!tpu.dma_semaphore, #tpu.memory_space<semaphore_mem>>) src(%dma_wait3A_1119 : memref<3000000xf32, #tpu.memory_space<hbm>>) dst(%dma_wait3A_1117 : memref<16xf32, #tpu.memory_space<vmem>>)
    %dma_wait3A_1120 = arith.constant 2 : i32
    %dma_wait3A_1121 = arith.constant 160 : i32
    %dma_wait3A_1122 = tpu.memref_slice %arg6[%dma_wait3A_1120, %dma_wait3A_1121] : memref<3x512xf32, #tpu.memory_space<vmem>> -> memref<1x16xf32, #tpu.memory_space<vmem>>
    %dma_wait3A_1123 = tpu.memref_squeeze %dma_wait3A_1122 : memref<1x16xf32, #tpu.memory_space<vmem>> -> memref<16xf32, #tpu.memory_space<vmem>>
    %dma_wait3A_1124 = arith.constant 0 : i32
    %dma_wait3A_1125 = tpu.memref_slice %arg2[%dma_wait3A_1124] : memref<3000000xf32, #tpu.memory_space<hbm>> -> memref<3000000xf32, #tpu.memory_space<hbm>>
    tpu.wait_indirect_dma semaphore(%arg7 : memref<!tpu.dma_semaphore, #tpu.memory_space<semaphore_mem>>) src(%dma_wait3A_1125 : memref<3000000xf32, #tpu.memory_space<hbm>>) dst(%dma_wait3A_1123 : memref<16xf32, #tpu.memory_space<vmem>>)
    %dma_wait3A_1126 = arith.constant 0 : i32
    %dma_wait3A_1127 = arith.constant 176 : i32
    %dma_wait3A_1128 = tpu.memref_slice %arg6[%dma_wait3A_1126, %dma_wait3A_1127] : memref<3x512xf32, #tpu.memory_space<vmem>> -> memref<1x16xf32, #tpu.memory_space<vmem>>
    %dma_wait3A_1129 = tpu.memref_squeeze %dma_wait3A_1128 : memref<1x16xf32, #tpu.memory_space<vmem>> -> memref<16xf32, #tpu.memory_space<vmem>>
    %dma_wait3A_1130 = arith.constant 0 : i32
    %dma_wait3A_1131 = tpu.memref_slice %arg2[%dma_wait3A_1130] : memref<3000000xf32, #tpu.memory_space<hbm>> -> memref<3000000xf32, #tpu.memory_space<hbm>>
    tpu.wait_indirect_dma semaphore(%arg7 : memref<!tpu.dma_semaphore, #tpu.memory_space<semaphore_mem>>) src(%dma_wait3A_1131 : memref<3000000xf32, #tpu.memory_space<hbm>>) dst(%dma_wait3A_1129 : memref<16xf32, #tpu.memory_space<vmem>>)
    %dma_wait3A_1132 = arith.constant 1 : i32
    %dma_wait3A_1133 = arith.constant 176 : i32
    %dma_wait3A_1134 = tpu.memref_slice %arg6[%dma_wait3A_1132, %dma_wait3A_1133] : memref<3x512xf32, #tpu.memory_space<vmem>> -> memref<1x16xf32, #tpu.memory_space<vmem>>
    %dma_wait3A_1135 = tpu.memref_squeeze %dma_wait3A_1134 : memref<1x16xf32, #tpu.memory_space<vmem>> -> memref<16xf32, #tpu.memory_space<vmem>>
    %dma_wait3A_1136 = arith.constant 0 : i32
    %dma_wait3A_1137 = tpu.memref_slice %arg2[%dma_wait3A_1136] : memref<3000000xf32, #tpu.memory_space<hbm>> -> memref<3000000xf32, #tpu.memory_space<hbm>>
    tpu.wait_indirect_dma semaphore(%arg7 : memref<!tpu.dma_semaphore, #tpu.memory_space<semaphore_mem>>) src(%dma_wait3A_1137 : memref<3000000xf32, #tpu.memory_space<hbm>>) dst(%dma_wait3A_1135 : memref<16xf32, #tpu.memory_space<vmem>>)
    %dma_wait3A_1138 = arith.constant 2 : i32
    %dma_wait3A_1139 = arith.constant 176 : i32
    %dma_wait3A_1140 = tpu.memref_slice %arg6[%dma_wait3A_1138, %dma_wait3A_1139] : memref<3x512xf32, #tpu.memory_space<vmem>> -> memref<1x16xf32, #tpu.memory_space<vmem>>
    %dma_wait3A_1141 = tpu.memref_squeeze %dma_wait3A_1140 : memref<1x16xf32, #tpu.memory_space<vmem>> -> memref<16xf32, #tpu.memory_space<vmem>>
    %dma_wait3A_1142 = arith.constant 0 : i32
    %dma_wait3A_1143 = tpu.memref_slice %arg2[%dma_wait3A_1142] : memref<3000000xf32, #tpu.memory_space<hbm>> -> memref<3000000xf32, #tpu.memory_space<hbm>>
    tpu.wait_indirect_dma semaphore(%arg7 : memref<!tpu.dma_semaphore, #tpu.memory_space<semaphore_mem>>) src(%dma_wait3A_1143 : memref<3000000xf32, #tpu.memory_space<hbm>>) dst(%dma_wait3A_1141 : memref<16xf32, #tpu.memory_space<vmem>>)
    %dma_wait3A_1144 = arith.constant 0 : i32
    %dma_wait3A_1145 = arith.constant 192 : i32
    %dma_wait3A_1146 = tpu.memref_slice %arg6[%dma_wait3A_1144, %dma_wait3A_1145] : memref<3x512xf32, #tpu.memory_space<vmem>> -> memref<1x16xf32, #tpu.memory_space<vmem>>
    %dma_wait3A_1147 = tpu.memref_squeeze %dma_wait3A_1146 : memref<1x16xf32, #tpu.memory_space<vmem>> -> memref<16xf32, #tpu.memory_space<vmem>>
    %dma_wait3A_1148 = arith.constant 0 : i32
    %dma_wait3A_1149 = tpu.memref_slice %arg2[%dma_wait3A_1148] : memref<3000000xf32, #tpu.memory_space<hbm>> -> memref<3000000xf32, #tpu.memory_space<hbm>>
    tpu.wait_indirect_dma semaphore(%arg7 : memref<!tpu.dma_semaphore, #tpu.memory_space<semaphore_mem>>) src(%dma_wait3A_1149 : memref<3000000xf32, #tpu.memory_space<hbm>>) dst(%dma_wait3A_1147 : memref<16xf32, #tpu.memory_space<vmem>>)
    %dma_wait3A_1150 = arith.constant 1 : i32
    %dma_wait3A_1151 = arith.constant 192 : i32
    %dma_wait3A_1152 = tpu.memref_slice %arg6[%dma_wait3A_1150, %dma_wait3A_1151] : memref<3x512xf32, #tpu.memory_space<vmem>> -> memref<1x16xf32, #tpu.memory_space<vmem>>
    %dma_wait3A_1153 = tpu.memref_squeeze %dma_wait3A_1152 : memref<1x16xf32, #tpu.memory_space<vmem>> -> memref<16xf32, #tpu.memory_space<vmem>>
    %dma_wait3A_1154 = arith.constant 0 : i32
    %dma_wait3A_1155 = tpu.memref_slice %arg2[%dma_wait3A_1154] : memref<3000000xf32, #tpu.memory_space<hbm>> -> memref<3000000xf32, #tpu.memory_space<hbm>>
    tpu.wait_indirect_dma semaphore(%arg7 : memref<!tpu.dma_semaphore, #tpu.memory_space<semaphore_mem>>) src(%dma_wait3A_1155 : memref<3000000xf32, #tpu.memory_space<hbm>>) dst(%dma_wait3A_1153 : memref<16xf32, #tpu.memory_space<vmem>>)
    %dma_wait3A_1156 = arith.constant 2 : i32
    %dma_wait3A_1157 = arith.constant 192 : i32
    %dma_wait3A_1158 = tpu.memref_slice %arg6[%dma_wait3A_1156, %dma_wait3A_1157] : memref<3x512xf32, #tpu.memory_space<vmem>> -> memref<1x16xf32, #tpu.memory_space<vmem>>
    %dma_wait3A_1159 = tpu.memref_squeeze %dma_wait3A_1158 : memref<1x16xf32, #tpu.memory_space<vmem>> -> memref<16xf32, #tpu.memory_space<vmem>>
    %dma_wait3A_1160 = arith.constant 0 : i32
    %dma_wait3A_1161 = tpu.memref_slice %arg2[%dma_wait3A_1160] : memref<3000000xf32, #tpu.memory_space<hbm>> -> memref<3000000xf32, #tpu.memory_space<hbm>>
    tpu.wait_indirect_dma semaphore(%arg7 : memref<!tpu.dma_semaphore, #tpu.memory_space<semaphore_mem>>) src(%dma_wait3A_1161 : memref<3000000xf32, #tpu.memory_space<hbm>>) dst(%dma_wait3A_1159 : memref<16xf32, #tpu.memory_space<vmem>>)
    %dma_wait3A_1162 = arith.constant 0 : i32
    %dma_wait3A_1163 = arith.constant 208 : i32
    %dma_wait3A_1164 = tpu.memref_slice %arg6[%dma_wait3A_1162, %dma_wait3A_1163] : memref<3x512xf32, #tpu.memory_space<vmem>> -> memref<1x16xf32, #tpu.memory_space<vmem>>
    %dma_wait3A_1165 = tpu.memref_squeeze %dma_wait3A_1164 : memref<1x16xf32, #tpu.memory_space<vmem>> -> memref<16xf32, #tpu.memory_space<vmem>>
    %dma_wait3A_1166 = arith.constant 0 : i32
    %dma_wait3A_1167 = tpu.memref_slice %arg2[%dma_wait3A_1166] : memref<3000000xf32, #tpu.memory_space<hbm>> -> memref<3000000xf32, #tpu.memory_space<hbm>>
    tpu.wait_indirect_dma semaphore(%arg7 : memref<!tpu.dma_semaphore, #tpu.memory_space<semaphore_mem>>) src(%dma_wait3A_1167 : memref<3000000xf32, #tpu.memory_space<hbm>>) dst(%dma_wait3A_1165 : memref<16xf32, #tpu.memory_space<vmem>>)
    %dma_wait3A_1168 = arith.constant 1 : i32
    %dma_wait3A_1169 = arith.constant 208 : i32
    %dma_wait3A_1170 = tpu.memref_slice %arg6[%dma_wait3A_1168, %dma_wait3A_1169] : memref<3x512xf32, #tpu.memory_space<vmem>> -> memref<1x16xf32, #tpu.memory_space<vmem>>
    %dma_wait3A_1171 = tpu.memref_squeeze %dma_wait3A_1170 : memref<1x16xf32, #tpu.memory_space<vmem>> -> memref<16xf32, #tpu.memory_space<vmem>>
    %dma_wait3A_1172 = arith.constant 0 : i32
    %dma_wait3A_1173 = tpu.memref_slice %arg2[%dma_wait3A_1172] : memref<3000000xf32, #tpu.memory_space<hbm>> -> memref<3000000xf32, #tpu.memory_space<hbm>>
    tpu.wait_indirect_dma semaphore(%arg7 : memref<!tpu.dma_semaphore, #tpu.memory_space<semaphore_mem>>) src(%dma_wait3A_1173 : memref<3000000xf32, #tpu.memory_space<hbm>>) dst(%dma_wait3A_1171 : memref<16xf32, #tpu.memory_space<vmem>>)
    %dma_wait3A_1174 = arith.constant 2 : i32
    %dma_wait3A_1175 = arith.constant 208 : i32
    %dma_wait3A_1176 = tpu.memref_slice %arg6[%dma_wait3A_1174, %dma_wait3A_1175] : memref<3x512xf32, #tpu.memory_space<vmem>> -> memref<1x16xf32, #tpu.memory_space<vmem>>
    %dma_wait3A_1177 = tpu.memref_squeeze %dma_wait3A_1176 : memref<1x16xf32, #tpu.memory_space<vmem>> -> memref<16xf32, #tpu.memory_space<vmem>>
    %dma_wait3A_1178 = arith.constant 0 : i32
    %dma_wait3A_1179 = tpu.memref_slice %arg2[%dma_wait3A_1178] : memref<3000000xf32, #tpu.memory_space<hbm>> -> memref<3000000xf32, #tpu.memory_space<hbm>>
    tpu.wait_indirect_dma semaphore(%arg7 : memref<!tpu.dma_semaphore, #tpu.memory_space<semaphore_mem>>) src(%dma_wait3A_1179 : memref<3000000xf32, #tpu.memory_space<hbm>>) dst(%dma_wait3A_1177 : memref<16xf32, #tpu.memory_space<vmem>>)
    %dma_wait3A_1180 = arith.constant 0 : i32
    %dma_wait3A_1181 = arith.constant 224 : i32
    %dma_wait3A_1182 = tpu.memref_slice %arg6[%dma_wait3A_1180, %dma_wait3A_1181] : memref<3x512xf32, #tpu.memory_space<vmem>> -> memref<1x16xf32, #tpu.memory_space<vmem>>
    %dma_wait3A_1183 = tpu.memref_squeeze %dma_wait3A_1182 : memref<1x16xf32, #tpu.memory_space<vmem>> -> memref<16xf32, #tpu.memory_space<vmem>>
    %dma_wait3A_1184 = arith.constant 0 : i32
    %dma_wait3A_1185 = tpu.memref_slice %arg2[%dma_wait3A_1184] : memref<3000000xf32, #tpu.memory_space<hbm>> -> memref<3000000xf32, #tpu.memory_space<hbm>>
    tpu.wait_indirect_dma semaphore(%arg7 : memref<!tpu.dma_semaphore, #tpu.memory_space<semaphore_mem>>) src(%dma_wait3A_1185 : memref<3000000xf32, #tpu.memory_space<hbm>>) dst(%dma_wait3A_1183 : memref<16xf32, #tpu.memory_space<vmem>>)
    %dma_wait3A_1186 = arith.constant 1 : i32
    %dma_wait3A_1187 = arith.constant 224 : i32
    %dma_wait3A_1188 = tpu.memref_slice %arg6[%dma_wait3A_1186, %dma_wait3A_1187] : memref<3x512xf32, #tpu.memory_space<vmem>> -> memref<1x16xf32, #tpu.memory_space<vmem>>
    %dma_wait3A_1189 = tpu.memref_squeeze %dma_wait3A_1188 : memref<1x16xf32, #tpu.memory_space<vmem>> -> memref<16xf32, #tpu.memory_space<vmem>>
    %dma_wait3A_1190 = arith.constant 0 : i32
    %dma_wait3A_1191 = tpu.memref_slice %arg2[%dma_wait3A_1190] : memref<3000000xf32, #tpu.memory_space<hbm>> -> memref<3000000xf32, #tpu.memory_space<hbm>>
    tpu.wait_indirect_dma semaphore(%arg7 : memref<!tpu.dma_semaphore, #tpu.memory_space<semaphore_mem>>) src(%dma_wait3A_1191 : memref<3000000xf32, #tpu.memory_space<hbm>>) dst(%dma_wait3A_1189 : memref<16xf32, #tpu.memory_space<vmem>>)
    %dma_wait3A_1192 = arith.constant 2 : i32
    %dma_wait3A_1193 = arith.constant 224 : i32
    %dma_wait3A_1194 = tpu.memref_slice %arg6[%dma_wait3A_1192, %dma_wait3A_1193] : memref<3x512xf32, #tpu.memory_space<vmem>> -> memref<1x16xf32, #tpu.memory_space<vmem>>
    %dma_wait3A_1195 = tpu.memref_squeeze %dma_wait3A_1194 : memref<1x16xf32, #tpu.memory_space<vmem>> -> memref<16xf32, #tpu.memory_space<vmem>>
    %dma_wait3A_1196 = arith.constant 0 : i32
    %dma_wait3A_1197 = tpu.memref_slice %arg2[%dma_wait3A_1196] : memref<3000000xf32, #tpu.memory_space<hbm>> -> memref<3000000xf32, #tpu.memory_space<hbm>>
    tpu.wait_indirect_dma semaphore(%arg7 : memref<!tpu.dma_semaphore, #tpu.memory_space<semaphore_mem>>) src(%dma_wait3A_1197 : memref<3000000xf32, #tpu.memory_space<hbm>>) dst(%dma_wait3A_1195 : memref<16xf32, #tpu.memory_space<vmem>>)
    %dma_wait3A_1198 = arith.constant 0 : i32
    %dma_wait3A_1199 = arith.constant 240 : i32
    %dma_wait3A_1200 = tpu.memref_slice %arg6[%dma_wait3A_1198, %dma_wait3A_1199] : memref<3x512xf32, #tpu.memory_space<vmem>> -> memref<1x16xf32, #tpu.memory_space<vmem>>
    %dma_wait3A_1201 = tpu.memref_squeeze %dma_wait3A_1200 : memref<1x16xf32, #tpu.memory_space<vmem>> -> memref<16xf32, #tpu.memory_space<vmem>>
    %dma_wait3A_1202 = arith.constant 0 : i32
    %dma_wait3A_1203 = tpu.memref_slice %arg2[%dma_wait3A_1202] : memref<3000000xf32, #tpu.memory_space<hbm>> -> memref<3000000xf32, #tpu.memory_space<hbm>>
    tpu.wait_indirect_dma semaphore(%arg7 : memref<!tpu.dma_semaphore, #tpu.memory_space<semaphore_mem>>) src(%dma_wait3A_1203 : memref<3000000xf32, #tpu.memory_space<hbm>>) dst(%dma_wait3A_1201 : memref<16xf32, #tpu.memory_space<vmem>>)
    %dma_wait3A_1204 = arith.constant 1 : i32
    %dma_wait3A_1205 = arith.constant 240 : i32
    %dma_wait3A_1206 = tpu.memref_slice %arg6[%dma_wait3A_1204, %dma_wait3A_1205] : memref<3x512xf32, #tpu.memory_space<vmem>> -> memref<1x16xf32, #tpu.memory_space<vmem>>
    %dma_wait3A_1207 = tpu.memref_squeeze %dma_wait3A_1206 : memref<1x16xf32, #tpu.memory_space<vmem>> -> memref<16xf32, #tpu.memory_space<vmem>>
    %dma_wait3A_1208 = arith.constant 0 : i32
    %dma_wait3A_1209 = tpu.memref_slice %arg2[%dma_wait3A_1208] : memref<3000000xf32, #tpu.memory_space<hbm>> -> memref<3000000xf32, #tpu.memory_space<hbm>>
    tpu.wait_indirect_dma semaphore(%arg7 : memref<!tpu.dma_semaphore, #tpu.memory_space<semaphore_mem>>) src(%dma_wait3A_1209 : memref<3000000xf32, #tpu.memory_space<hbm>>) dst(%dma_wait3A_1207 : memref<16xf32, #tpu.memory_space<vmem>>)
    %dma_wait3A_1210 = arith.constant 2 : i32
    %dma_wait3A_1211 = arith.constant 240 : i32
    %dma_wait3A_1212 = tpu.memref_slice %arg6[%dma_wait3A_1210, %dma_wait3A_1211] : memref<3x512xf32, #tpu.memory_space<vmem>> -> memref<1x16xf32, #tpu.memory_space<vmem>>
    %dma_wait3A_1213 = tpu.memref_squeeze %dma_wait3A_1212 : memref<1x16xf32, #tpu.memory_space<vmem>> -> memref<16xf32, #tpu.memory_space<vmem>>
    %dma_wait3A_1214 = arith.constant 0 : i32
    %dma_wait3A_1215 = tpu.memref_slice %arg2[%dma_wait3A_1214] : memref<3000000xf32, #tpu.memory_space<hbm>> -> memref<3000000xf32, #tpu.memory_space<hbm>>
    tpu.wait_indirect_dma semaphore(%arg7 : memref<!tpu.dma_semaphore, #tpu.memory_space<semaphore_mem>>) src(%dma_wait3A_1215 : memref<3000000xf32, #tpu.memory_space<hbm>>) dst(%dma_wait3A_1213 : memref<16xf32, #tpu.memory_space<vmem>>)
    %dma_wait3A_1216 = arith.constant 0 : i32
    %dma_wait3A_1217 = arith.constant 256 : i32
    %dma_wait3A_1218 = tpu.memref_slice %arg6[%dma_wait3A_1216, %dma_wait3A_1217] : memref<3x512xf32, #tpu.memory_space<vmem>> -> memref<1x16xf32, #tpu.memory_space<vmem>>
    %dma_wait3A_1219 = tpu.memref_squeeze %dma_wait3A_1218 : memref<1x16xf32, #tpu.memory_space<vmem>> -> memref<16xf32, #tpu.memory_space<vmem>>
    %dma_wait3A_1220 = arith.constant 0 : i32
    %dma_wait3A_1221 = tpu.memref_slice %arg2[%dma_wait3A_1220] : memref<3000000xf32, #tpu.memory_space<hbm>> -> memref<3000000xf32, #tpu.memory_space<hbm>>
    tpu.wait_indirect_dma semaphore(%arg7 : memref<!tpu.dma_semaphore, #tpu.memory_space<semaphore_mem>>) src(%dma_wait3A_1221 : memref<3000000xf32, #tpu.memory_space<hbm>>) dst(%dma_wait3A_1219 : memref<16xf32, #tpu.memory_space<vmem>>)
    %dma_wait3A_1222 = arith.constant 1 : i32
    %dma_wait3A_1223 = arith.constant 256 : i32
    %dma_wait3A_1224 = tpu.memref_slice %arg6[%dma_wait3A_1222, %dma_wait3A_1223] : memref<3x512xf32, #tpu.memory_space<vmem>> -> memref<1x16xf32, #tpu.memory_space<vmem>>
    %dma_wait3A_1225 = tpu.memref_squeeze %dma_wait3A_1224 : memref<1x16xf32, #tpu.memory_space<vmem>> -> memref<16xf32, #tpu.memory_space<vmem>>
    %dma_wait3A_1226 = arith.constant 0 : i32
    %dma_wait3A_1227 = tpu.memref_slice %arg2[%dma_wait3A_1226] : memref<3000000xf32, #tpu.memory_space<hbm>> -> memref<3000000xf32, #tpu.memory_space<hbm>>
    tpu.wait_indirect_dma semaphore(%arg7 : memref<!tpu.dma_semaphore, #tpu.memory_space<semaphore_mem>>) src(%dma_wait3A_1227 : memref<3000000xf32, #tpu.memory_space<hbm>>) dst(%dma_wait3A_1225 : memref<16xf32, #tpu.memory_space<vmem>>)
    %dma_wait3A_1228 = arith.constant 2 : i32
    %dma_wait3A_1229 = arith.constant 256 : i32
    %dma_wait3A_1230 = tpu.memref_slice %arg6[%dma_wait3A_1228, %dma_wait3A_1229] : memref<3x512xf32, #tpu.memory_space<vmem>> -> memref<1x16xf32, #tpu.memory_space<vmem>>
    %dma_wait3A_1231 = tpu.memref_squeeze %dma_wait3A_1230 : memref<1x16xf32, #tpu.memory_space<vmem>> -> memref<16xf32, #tpu.memory_space<vmem>>
    %dma_wait3A_1232 = arith.constant 0 : i32
    %dma_wait3A_1233 = tpu.memref_slice %arg2[%dma_wait3A_1232] : memref<3000000xf32, #tpu.memory_space<hbm>> -> memref<3000000xf32, #tpu.memory_space<hbm>>
    tpu.wait_indirect_dma semaphore(%arg7 : memref<!tpu.dma_semaphore, #tpu.memory_space<semaphore_mem>>) src(%dma_wait3A_1233 : memref<3000000xf32, #tpu.memory_space<hbm>>) dst(%dma_wait3A_1231 : memref<16xf32, #tpu.memory_space<vmem>>)
    %dma_wait3A_1234 = arith.constant 0 : i32
    %dma_wait3A_1235 = arith.constant 272 : i32
    %dma_wait3A_1236 = tpu.memref_slice %arg6[%dma_wait3A_1234, %dma_wait3A_1235] : memref<3x512xf32, #tpu.memory_space<vmem>> -> memref<1x16xf32, #tpu.memory_space<vmem>>
    %dma_wait3A_1237 = tpu.memref_squeeze %dma_wait3A_1236 : memref<1x16xf32, #tpu.memory_space<vmem>> -> memref<16xf32, #tpu.memory_space<vmem>>
    %dma_wait3A_1238 = arith.constant 0 : i32
    %dma_wait3A_1239 = tpu.memref_slice %arg2[%dma_wait3A_1238] : memref<3000000xf32, #tpu.memory_space<hbm>> -> memref<3000000xf32, #tpu.memory_space<hbm>>
    tpu.wait_indirect_dma semaphore(%arg7 : memref<!tpu.dma_semaphore, #tpu.memory_space<semaphore_mem>>) src(%dma_wait3A_1239 : memref<3000000xf32, #tpu.memory_space<hbm>>) dst(%dma_wait3A_1237 : memref<16xf32, #tpu.memory_space<vmem>>)
    %dma_wait3A_1240 = arith.constant 1 : i32
    %dma_wait3A_1241 = arith.constant 272 : i32
    %dma_wait3A_1242 = tpu.memref_slice %arg6[%dma_wait3A_1240, %dma_wait3A_1241] : memref<3x512xf32, #tpu.memory_space<vmem>> -> memref<1x16xf32, #tpu.memory_space<vmem>>
    %dma_wait3A_1243 = tpu.memref_squeeze %dma_wait3A_1242 : memref<1x16xf32, #tpu.memory_space<vmem>> -> memref<16xf32, #tpu.memory_space<vmem>>
    %dma_wait3A_1244 = arith.constant 0 : i32
    %dma_wait3A_1245 = tpu.memref_slice %arg2[%dma_wait3A_1244] : memref<3000000xf32, #tpu.memory_space<hbm>> -> memref<3000000xf32, #tpu.memory_space<hbm>>
    tpu.wait_indirect_dma semaphore(%arg7 : memref<!tpu.dma_semaphore, #tpu.memory_space<semaphore_mem>>) src(%dma_wait3A_1245 : memref<3000000xf32, #tpu.memory_space<hbm>>) dst(%dma_wait3A_1243 : memref<16xf32, #tpu.memory_space<vmem>>)
    %dma_wait3A_1246 = arith.constant 2 : i32
    %dma_wait3A_1247 = arith.constant 272 : i32
    %dma_wait3A_1248 = tpu.memref_slice %arg6[%dma_wait3A_1246, %dma_wait3A_1247] : memref<3x512xf32, #tpu.memory_space<vmem>> -> memref<1x16xf32, #tpu.memory_space<vmem>>
    %dma_wait3A_1249 = tpu.memref_squeeze %dma_wait3A_1248 : memref<1x16xf32, #tpu.memory_space<vmem>> -> memref<16xf32, #tpu.memory_space<vmem>>
    %dma_wait3A_1250 = arith.constant 0 : i32
    %dma_wait3A_1251 = tpu.memref_slice %arg2[%dma_wait3A_1250] : memref<3000000xf32, #tpu.memory_space<hbm>> -> memref<3000000xf32, #tpu.memory_space<hbm>>
    tpu.wait_indirect_dma semaphore(%arg7 : memref<!tpu.dma_semaphore, #tpu.memory_space<semaphore_mem>>) src(%dma_wait3A_1251 : memref<3000000xf32, #tpu.memory_space<hbm>>) dst(%dma_wait3A_1249 : memref<16xf32, #tpu.memory_space<vmem>>)
    %dma_wait3A_1252 = arith.constant 0 : i32
    %dma_wait3A_1253 = arith.constant 288 : i32
    %dma_wait3A_1254 = tpu.memref_slice %arg6[%dma_wait3A_1252, %dma_wait3A_1253] : memref<3x512xf32, #tpu.memory_space<vmem>> -> memref<1x16xf32, #tpu.memory_space<vmem>>
    %dma_wait3A_1255 = tpu.memref_squeeze %dma_wait3A_1254 : memref<1x16xf32, #tpu.memory_space<vmem>> -> memref<16xf32, #tpu.memory_space<vmem>>
    %dma_wait3A_1256 = arith.constant 0 : i32
    %dma_wait3A_1257 = tpu.memref_slice %arg2[%dma_wait3A_1256] : memref<3000000xf32, #tpu.memory_space<hbm>> -> memref<3000000xf32, #tpu.memory_space<hbm>>
    tpu.wait_indirect_dma semaphore(%arg7 : memref<!tpu.dma_semaphore, #tpu.memory_space<semaphore_mem>>) src(%dma_wait3A_1257 : memref<3000000xf32, #tpu.memory_space<hbm>>) dst(%dma_wait3A_1255 : memref<16xf32, #tpu.memory_space<vmem>>)
    %dma_wait3A_1258 = arith.constant 1 : i32
    %dma_wait3A_1259 = arith.constant 288 : i32
    %dma_wait3A_1260 = tpu.memref_slice %arg6[%dma_wait3A_1258, %dma_wait3A_1259] : memref<3x512xf32, #tpu.memory_space<vmem>> -> memref<1x16xf32, #tpu.memory_space<vmem>>
    %dma_wait3A_1261 = tpu.memref_squeeze %dma_wait3A_1260 : memref<1x16xf32, #tpu.memory_space<vmem>> -> memref<16xf32, #tpu.memory_space<vmem>>
    %dma_wait3A_1262 = arith.constant 0 : i32
    %dma_wait3A_1263 = tpu.memref_slice %arg2[%dma_wait3A_1262] : memref<3000000xf32, #tpu.memory_space<hbm>> -> memref<3000000xf32, #tpu.memory_space<hbm>>
    tpu.wait_indirect_dma semaphore(%arg7 : memref<!tpu.dma_semaphore, #tpu.memory_space<semaphore_mem>>) src(%dma_wait3A_1263 : memref<3000000xf32, #tpu.memory_space<hbm>>) dst(%dma_wait3A_1261 : memref<16xf32, #tpu.memory_space<vmem>>)
    %dma_wait3A_1264 = arith.constant 2 : i32
    %dma_wait3A_1265 = arith.constant 288 : i32
    %dma_wait3A_1266 = tpu.memref_slice %arg6[%dma_wait3A_1264, %dma_wait3A_1265] : memref<3x512xf32, #tpu.memory_space<vmem>> -> memref<1x16xf32, #tpu.memory_space<vmem>>
    %dma_wait3A_1267 = tpu.memref_squeeze %dma_wait3A_1266 : memref<1x16xf32, #tpu.memory_space<vmem>> -> memref<16xf32, #tpu.memory_space<vmem>>
    %dma_wait3A_1268 = arith.constant 0 : i32
    %dma_wait3A_1269 = tpu.memref_slice %arg2[%dma_wait3A_1268] : memref<3000000xf32, #tpu.memory_space<hbm>> -> memref<3000000xf32, #tpu.memory_space<hbm>>
    tpu.wait_indirect_dma semaphore(%arg7 : memref<!tpu.dma_semaphore, #tpu.memory_space<semaphore_mem>>) src(%dma_wait3A_1269 : memref<3000000xf32, #tpu.memory_space<hbm>>) dst(%dma_wait3A_1267 : memref<16xf32, #tpu.memory_space<vmem>>)
    %dma_wait3A_1270 = arith.constant 0 : i32
    %dma_wait3A_1271 = arith.constant 304 : i32
    %dma_wait3A_1272 = tpu.memref_slice %arg6[%dma_wait3A_1270, %dma_wait3A_1271] : memref<3x512xf32, #tpu.memory_space<vmem>> -> memref<1x16xf32, #tpu.memory_space<vmem>>
    %dma_wait3A_1273 = tpu.memref_squeeze %dma_wait3A_1272 : memref<1x16xf32, #tpu.memory_space<vmem>> -> memref<16xf32, #tpu.memory_space<vmem>>
    %dma_wait3A_1274 = arith.constant 0 : i32
    %dma_wait3A_1275 = tpu.memref_slice %arg2[%dma_wait3A_1274] : memref<3000000xf32, #tpu.memory_space<hbm>> -> memref<3000000xf32, #tpu.memory_space<hbm>>
    tpu.wait_indirect_dma semaphore(%arg7 : memref<!tpu.dma_semaphore, #tpu.memory_space<semaphore_mem>>) src(%dma_wait3A_1275 : memref<3000000xf32, #tpu.memory_space<hbm>>) dst(%dma_wait3A_1273 : memref<16xf32, #tpu.memory_space<vmem>>)
    %dma_wait3A_1276 = arith.constant 1 : i32
    %dma_wait3A_1277 = arith.constant 304 : i32
    %dma_wait3A_1278 = tpu.memref_slice %arg6[%dma_wait3A_1276, %dma_wait3A_1277] : memref<3x512xf32, #tpu.memory_space<vmem>> -> memref<1x16xf32, #tpu.memory_space<vmem>>
    %dma_wait3A_1279 = tpu.memref_squeeze %dma_wait3A_1278 : memref<1x16xf32, #tpu.memory_space<vmem>> -> memref<16xf32, #tpu.memory_space<vmem>>
    %dma_wait3A_1280 = arith.constant 0 : i32
    %dma_wait3A_1281 = tpu.memref_slice %arg2[%dma_wait3A_1280] : memref<3000000xf32, #tpu.memory_space<hbm>> -> memref<3000000xf32, #tpu.memory_space<hbm>>
    tpu.wait_indirect_dma semaphore(%arg7 : memref<!tpu.dma_semaphore, #tpu.memory_space<semaphore_mem>>) src(%dma_wait3A_1281 : memref<3000000xf32, #tpu.memory_space<hbm>>) dst(%dma_wait3A_1279 : memref<16xf32, #tpu.memory_space<vmem>>)
    %dma_wait3A_1282 = arith.constant 2 : i32
    %dma_wait3A_1283 = arith.constant 304 : i32
    %dma_wait3A_1284 = tpu.memref_slice %arg6[%dma_wait3A_1282, %dma_wait3A_1283] : memref<3x512xf32, #tpu.memory_space<vmem>> -> memref<1x16xf32, #tpu.memory_space<vmem>>
    %dma_wait3A_1285 = tpu.memref_squeeze %dma_wait3A_1284 : memref<1x16xf32, #tpu.memory_space<vmem>> -> memref<16xf32, #tpu.memory_space<vmem>>
    %dma_wait3A_1286 = arith.constant 0 : i32
    %dma_wait3A_1287 = tpu.memref_slice %arg2[%dma_wait3A_1286] : memref<3000000xf32, #tpu.memory_space<hbm>> -> memref<3000000xf32, #tpu.memory_space<hbm>>
    tpu.wait_indirect_dma semaphore(%arg7 : memref<!tpu.dma_semaphore, #tpu.memory_space<semaphore_mem>>) src(%dma_wait3A_1287 : memref<3000000xf32, #tpu.memory_space<hbm>>) dst(%dma_wait3A_1285 : memref<16xf32, #tpu.memory_space<vmem>>)
    %dma_wait3A_1288 = arith.constant 0 : i32
    %dma_wait3A_1289 = arith.constant 320 : i32
    %dma_wait3A_1290 = tpu.memref_slice %arg6[%dma_wait3A_1288, %dma_wait3A_1289] : memref<3x512xf32, #tpu.memory_space<vmem>> -> memref<1x16xf32, #tpu.memory_space<vmem>>
    %dma_wait3A_1291 = tpu.memref_squeeze %dma_wait3A_1290 : memref<1x16xf32, #tpu.memory_space<vmem>> -> memref<16xf32, #tpu.memory_space<vmem>>
    %dma_wait3A_1292 = arith.constant 0 : i32
    %dma_wait3A_1293 = tpu.memref_slice %arg2[%dma_wait3A_1292] : memref<3000000xf32, #tpu.memory_space<hbm>> -> memref<3000000xf32, #tpu.memory_space<hbm>>
    tpu.wait_indirect_dma semaphore(%arg7 : memref<!tpu.dma_semaphore, #tpu.memory_space<semaphore_mem>>) src(%dma_wait3A_1293 : memref<3000000xf32, #tpu.memory_space<hbm>>) dst(%dma_wait3A_1291 : memref<16xf32, #tpu.memory_space<vmem>>)
    %dma_wait3A_1294 = arith.constant 1 : i32
    %dma_wait3A_1295 = arith.constant 320 : i32
    %dma_wait3A_1296 = tpu.memref_slice %arg6[%dma_wait3A_1294, %dma_wait3A_1295] : memref<3x512xf32, #tpu.memory_space<vmem>> -> memref<1x16xf32, #tpu.memory_space<vmem>>
    %dma_wait3A_1297 = tpu.memref_squeeze %dma_wait3A_1296 : memref<1x16xf32, #tpu.memory_space<vmem>> -> memref<16xf32, #tpu.memory_space<vmem>>
    %dma_wait3A_1298 = arith.constant 0 : i32
    %dma_wait3A_1299 = tpu.memref_slice %arg2[%dma_wait3A_1298] : memref<3000000xf32, #tpu.memory_space<hbm>> -> memref<3000000xf32, #tpu.memory_space<hbm>>
    tpu.wait_indirect_dma semaphore(%arg7 : memref<!tpu.dma_semaphore, #tpu.memory_space<semaphore_mem>>) src(%dma_wait3A_1299 : memref<3000000xf32, #tpu.memory_space<hbm>>) dst(%dma_wait3A_1297 : memref<16xf32, #tpu.memory_space<vmem>>)
    %dma_wait3A_1300 = arith.constant 2 : i32
    %dma_wait3A_1301 = arith.constant 320 : i32
    %dma_wait3A_1302 = tpu.memref_slice %arg6[%dma_wait3A_1300, %dma_wait3A_1301] : memref<3x512xf32, #tpu.memory_space<vmem>> -> memref<1x16xf32, #tpu.memory_space<vmem>>
    %dma_wait3A_1303 = tpu.memref_squeeze %dma_wait3A_1302 : memref<1x16xf32, #tpu.memory_space<vmem>> -> memref<16xf32, #tpu.memory_space<vmem>>
    %dma_wait3A_1304 = arith.constant 0 : i32
    %dma_wait3A_1305 = tpu.memref_slice %arg2[%dma_wait3A_1304] : memref<3000000xf32, #tpu.memory_space<hbm>> -> memref<3000000xf32, #tpu.memory_space<hbm>>
    tpu.wait_indirect_dma semaphore(%arg7 : memref<!tpu.dma_semaphore, #tpu.memory_space<semaphore_mem>>) src(%dma_wait3A_1305 : memref<3000000xf32, #tpu.memory_space<hbm>>) dst(%dma_wait3A_1303 : memref<16xf32, #tpu.memory_space<vmem>>)
    %dma_wait3A_1306 = arith.constant 0 : i32
    %dma_wait3A_1307 = arith.constant 336 : i32
    %dma_wait3A_1308 = tpu.memref_slice %arg6[%dma_wait3A_1306, %dma_wait3A_1307] : memref<3x512xf32, #tpu.memory_space<vmem>> -> memref<1x16xf32, #tpu.memory_space<vmem>>
    %dma_wait3A_1309 = tpu.memref_squeeze %dma_wait3A_1308 : memref<1x16xf32, #tpu.memory_space<vmem>> -> memref<16xf32, #tpu.memory_space<vmem>>
    %dma_wait3A_1310 = arith.constant 0 : i32
    %dma_wait3A_1311 = tpu.memref_slice %arg2[%dma_wait3A_1310] : memref<3000000xf32, #tpu.memory_space<hbm>> -> memref<3000000xf32, #tpu.memory_space<hbm>>
    tpu.wait_indirect_dma semaphore(%arg7 : memref<!tpu.dma_semaphore, #tpu.memory_space<semaphore_mem>>) src(%dma_wait3A_1311 : memref<3000000xf32, #tpu.memory_space<hbm>>) dst(%dma_wait3A_1309 : memref<16xf32, #tpu.memory_space<vmem>>)
    %dma_wait3A_1312 = arith.constant 1 : i32
    %dma_wait3A_1313 = arith.constant 336 : i32
    %dma_wait3A_1314 = tpu.memref_slice %arg6[%dma_wait3A_1312, %dma_wait3A_1313] : memref<3x512xf32, #tpu.memory_space<vmem>> -> memref<1x16xf32, #tpu.memory_space<vmem>>
    %dma_wait3A_1315 = tpu.memref_squeeze %dma_wait3A_1314 : memref<1x16xf32, #tpu.memory_space<vmem>> -> memref<16xf32, #tpu.memory_space<vmem>>
    %dma_wait3A_1316 = arith.constant 0 : i32
    %dma_wait3A_1317 = tpu.memref_slice %arg2[%dma_wait3A_1316] : memref<3000000xf32, #tpu.memory_space<hbm>> -> memref<3000000xf32, #tpu.memory_space<hbm>>
    tpu.wait_indirect_dma semaphore(%arg7 : memref<!tpu.dma_semaphore, #tpu.memory_space<semaphore_mem>>) src(%dma_wait3A_1317 : memref<3000000xf32, #tpu.memory_space<hbm>>) dst(%dma_wait3A_1315 : memref<16xf32, #tpu.memory_space<vmem>>)
    %dma_wait3A_1318 = arith.constant 2 : i32
    %dma_wait3A_1319 = arith.constant 336 : i32
    %dma_wait3A_1320 = tpu.memref_slice %arg6[%dma_wait3A_1318, %dma_wait3A_1319] : memref<3x512xf32, #tpu.memory_space<vmem>> -> memref<1x16xf32, #tpu.memory_space<vmem>>
    %dma_wait3A_1321 = tpu.memref_squeeze %dma_wait3A_1320 : memref<1x16xf32, #tpu.memory_space<vmem>> -> memref<16xf32, #tpu.memory_space<vmem>>
    %dma_wait3A_1322 = arith.constant 0 : i32
    %dma_wait3A_1323 = tpu.memref_slice %arg2[%dma_wait3A_1322] : memref<3000000xf32, #tpu.memory_space<hbm>> -> memref<3000000xf32, #tpu.memory_space<hbm>>
    tpu.wait_indirect_dma semaphore(%arg7 : memref<!tpu.dma_semaphore, #tpu.memory_space<semaphore_mem>>) src(%dma_wait3A_1323 : memref<3000000xf32, #tpu.memory_space<hbm>>) dst(%dma_wait3A_1321 : memref<16xf32, #tpu.memory_space<vmem>>)
    %dma_wait3A_1324 = arith.constant 0 : i32
    %dma_wait3A_1325 = arith.constant 352 : i32
    %dma_wait3A_1326 = tpu.memref_slice %arg6[%dma_wait3A_1324, %dma_wait3A_1325] : memref<3x512xf32, #tpu.memory_space<vmem>> -> memref<1x16xf32, #tpu.memory_space<vmem>>
    %dma_wait3A_1327 = tpu.memref_squeeze %dma_wait3A_1326 : memref<1x16xf32, #tpu.memory_space<vmem>> -> memref<16xf32, #tpu.memory_space<vmem>>
    %dma_wait3A_1328 = arith.constant 0 : i32
    %dma_wait3A_1329 = tpu.memref_slice %arg2[%dma_wait3A_1328] : memref<3000000xf32, #tpu.memory_space<hbm>> -> memref<3000000xf32, #tpu.memory_space<hbm>>
    tpu.wait_indirect_dma semaphore(%arg7 : memref<!tpu.dma_semaphore, #tpu.memory_space<semaphore_mem>>) src(%dma_wait3A_1329 : memref<3000000xf32, #tpu.memory_space<hbm>>) dst(%dma_wait3A_1327 : memref<16xf32, #tpu.memory_space<vmem>>)
    %dma_wait3A_1330 = arith.constant 1 : i32
    %dma_wait3A_1331 = arith.constant 352 : i32
    %dma_wait3A_1332 = tpu.memref_slice %arg6[%dma_wait3A_1330, %dma_wait3A_1331] : memref<3x512xf32, #tpu.memory_space<vmem>> -> memref<1x16xf32, #tpu.memory_space<vmem>>
    %dma_wait3A_1333 = tpu.memref_squeeze %dma_wait3A_1332 : memref<1x16xf32, #tpu.memory_space<vmem>> -> memref<16xf32, #tpu.memory_space<vmem>>
    %dma_wait3A_1334 = arith.constant 0 : i32
    %dma_wait3A_1335 = tpu.memref_slice %arg2[%dma_wait3A_1334] : memref<3000000xf32, #tpu.memory_space<hbm>> -> memref<3000000xf32, #tpu.memory_space<hbm>>
    tpu.wait_indirect_dma semaphore(%arg7 : memref<!tpu.dma_semaphore, #tpu.memory_space<semaphore_mem>>) src(%dma_wait3A_1335 : memref<3000000xf32, #tpu.memory_space<hbm>>) dst(%dma_wait3A_1333 : memref<16xf32, #tpu.memory_space<vmem>>)
    %dma_wait3A_1336 = arith.constant 2 : i32
    %dma_wait3A_1337 = arith.constant 352 : i32
    %dma_wait3A_1338 = tpu.memref_slice %arg6[%dma_wait3A_1336, %dma_wait3A_1337] : memref<3x512xf32, #tpu.memory_space<vmem>> -> memref<1x16xf32, #tpu.memory_space<vmem>>
    %dma_wait3A_1339 = tpu.memref_squeeze %dma_wait3A_1338 : memref<1x16xf32, #tpu.memory_space<vmem>> -> memref<16xf32, #tpu.memory_space<vmem>>
    %dma_wait3A_1340 = arith.constant 0 : i32
    %dma_wait3A_1341 = tpu.memref_slice %arg2[%dma_wait3A_1340] : memref<3000000xf32, #tpu.memory_space<hbm>> -> memref<3000000xf32, #tpu.memory_space<hbm>>
    tpu.wait_indirect_dma semaphore(%arg7 : memref<!tpu.dma_semaphore, #tpu.memory_space<semaphore_mem>>) src(%dma_wait3A_1341 : memref<3000000xf32, #tpu.memory_space<hbm>>) dst(%dma_wait3A_1339 : memref<16xf32, #tpu.memory_space<vmem>>)
    %dma_wait3A_1342 = arith.constant 0 : i32
    %dma_wait3A_1343 = arith.constant 368 : i32
    %dma_wait3A_1344 = tpu.memref_slice %arg6[%dma_wait3A_1342, %dma_wait3A_1343] : memref<3x512xf32, #tpu.memory_space<vmem>> -> memref<1x16xf32, #tpu.memory_space<vmem>>
    %dma_wait3A_1345 = tpu.memref_squeeze %dma_wait3A_1344 : memref<1x16xf32, #tpu.memory_space<vmem>> -> memref<16xf32, #tpu.memory_space<vmem>>
    %dma_wait3A_1346 = arith.constant 0 : i32
    %dma_wait3A_1347 = tpu.memref_slice %arg2[%dma_wait3A_1346] : memref<3000000xf32, #tpu.memory_space<hbm>> -> memref<3000000xf32, #tpu.memory_space<hbm>>
    tpu.wait_indirect_dma semaphore(%arg7 : memref<!tpu.dma_semaphore, #tpu.memory_space<semaphore_mem>>) src(%dma_wait3A_1347 : memref<3000000xf32, #tpu.memory_space<hbm>>) dst(%dma_wait3A_1345 : memref<16xf32, #tpu.memory_space<vmem>>)
    %dma_wait3A_1348 = arith.constant 1 : i32
    %dma_wait3A_1349 = arith.constant 368 : i32
    %dma_wait3A_1350 = tpu.memref_slice %arg6[%dma_wait3A_1348, %dma_wait3A_1349] : memref<3x512xf32, #tpu.memory_space<vmem>> -> memref<1x16xf32, #tpu.memory_space<vmem>>
    %dma_wait3A_1351 = tpu.memref_squeeze %dma_wait3A_1350 : memref<1x16xf32, #tpu.memory_space<vmem>> -> memref<16xf32, #tpu.memory_space<vmem>>
    %dma_wait3A_1352 = arith.constant 0 : i32
    %dma_wait3A_1353 = tpu.memref_slice %arg2[%dma_wait3A_1352] : memref<3000000xf32, #tpu.memory_space<hbm>> -> memref<3000000xf32, #tpu.memory_space<hbm>>
    tpu.wait_indirect_dma semaphore(%arg7 : memref<!tpu.dma_semaphore, #tpu.memory_space<semaphore_mem>>) src(%dma_wait3A_1353 : memref<3000000xf32, #tpu.memory_space<hbm>>) dst(%dma_wait3A_1351 : memref<16xf32, #tpu.memory_space<vmem>>)
    %dma_wait3A_1354 = arith.constant 2 : i32
    %dma_wait3A_1355 = arith.constant 368 : i32
    %dma_wait3A_1356 = tpu.memref_slice %arg6[%dma_wait3A_1354, %dma_wait3A_1355] : memref<3x512xf32, #tpu.memory_space<vmem>> -> memref<1x16xf32, #tpu.memory_space<vmem>>
    %dma_wait3A_1357 = tpu.memref_squeeze %dma_wait3A_1356 : memref<1x16xf32, #tpu.memory_space<vmem>> -> memref<16xf32, #tpu.memory_space<vmem>>
    %dma_wait3A_1358 = arith.constant 0 : i32
    %dma_wait3A_1359 = tpu.memref_slice %arg2[%dma_wait3A_1358] : memref<3000000xf32, #tpu.memory_space<hbm>> -> memref<3000000xf32, #tpu.memory_space<hbm>>
    tpu.wait_indirect_dma semaphore(%arg7 : memref<!tpu.dma_semaphore, #tpu.memory_space<semaphore_mem>>) src(%dma_wait3A_1359 : memref<3000000xf32, #tpu.memory_space<hbm>>) dst(%dma_wait3A_1357 : memref<16xf32, #tpu.memory_space<vmem>>)
    %dma_wait3A_1360 = arith.constant 0 : i32
    %dma_wait3A_1361 = arith.constant 384 : i32
    %dma_wait3A_1362 = tpu.memref_slice %arg6[%dma_wait3A_1360, %dma_wait3A_1361] : memref<3x512xf32, #tpu.memory_space<vmem>> -> memref<1x16xf32, #tpu.memory_space<vmem>>
    %dma_wait3A_1363 = tpu.memref_squeeze %dma_wait3A_1362 : memref<1x16xf32, #tpu.memory_space<vmem>> -> memref<16xf32, #tpu.memory_space<vmem>>
    %dma_wait3A_1364 = arith.constant 0 : i32
    %dma_wait3A_1365 = tpu.memref_slice %arg2[%dma_wait3A_1364] : memref<3000000xf32, #tpu.memory_space<hbm>> -> memref<3000000xf32, #tpu.memory_space<hbm>>
    tpu.wait_indirect_dma semaphore(%arg7 : memref<!tpu.dma_semaphore, #tpu.memory_space<semaphore_mem>>) src(%dma_wait3A_1365 : memref<3000000xf32, #tpu.memory_space<hbm>>) dst(%dma_wait3A_1363 : memref<16xf32, #tpu.memory_space<vmem>>)
    %dma_wait3A_1366 = arith.constant 1 : i32
    %dma_wait3A_1367 = arith.constant 384 : i32
    %dma_wait3A_1368 = tpu.memref_slice %arg6[%dma_wait3A_1366, %dma_wait3A_1367] : memref<3x512xf32, #tpu.memory_space<vmem>> -> memref<1x16xf32, #tpu.memory_space<vmem>>
    %dma_wait3A_1369 = tpu.memref_squeeze %dma_wait3A_1368 : memref<1x16xf32, #tpu.memory_space<vmem>> -> memref<16xf32, #tpu.memory_space<vmem>>
    %dma_wait3A_1370 = arith.constant 0 : i32
    %dma_wait3A_1371 = tpu.memref_slice %arg2[%dma_wait3A_1370] : memref<3000000xf32, #tpu.memory_space<hbm>> -> memref<3000000xf32, #tpu.memory_space<hbm>>
    tpu.wait_indirect_dma semaphore(%arg7 : memref<!tpu.dma_semaphore, #tpu.memory_space<semaphore_mem>>) src(%dma_wait3A_1371 : memref<3000000xf32, #tpu.memory_space<hbm>>) dst(%dma_wait3A_1369 : memref<16xf32, #tpu.memory_space<vmem>>)
    %dma_wait3A_1372 = arith.constant 2 : i32
    %dma_wait3A_1373 = arith.constant 384 : i32
    %dma_wait3A_1374 = tpu.memref_slice %arg6[%dma_wait3A_1372, %dma_wait3A_1373] : memref<3x512xf32, #tpu.memory_space<vmem>> -> memref<1x16xf32, #tpu.memory_space<vmem>>
    %dma_wait3A_1375 = tpu.memref_squeeze %dma_wait3A_1374 : memref<1x16xf32, #tpu.memory_space<vmem>> -> memref<16xf32, #tpu.memory_space<vmem>>
    %dma_wait3A_1376 = arith.constant 0 : i32
    %dma_wait3A_1377 = tpu.memref_slice %arg2[%dma_wait3A_1376] : memref<3000000xf32, #tpu.memory_space<hbm>> -> memref<3000000xf32, #tpu.memory_space<hbm>>
    tpu.wait_indirect_dma semaphore(%arg7 : memref<!tpu.dma_semaphore, #tpu.memory_space<semaphore_mem>>) src(%dma_wait3A_1377 : memref<3000000xf32, #tpu.memory_space<hbm>>) dst(%dma_wait3A_1375 : memref<16xf32, #tpu.memory_space<vmem>>)
    %dma_wait3A_1378 = arith.constant 0 : i32
    %dma_wait3A_1379 = arith.constant 400 : i32
    %dma_wait3A_1380 = tpu.memref_slice %arg6[%dma_wait3A_1378, %dma_wait3A_1379] : memref<3x512xf32, #tpu.memory_space<vmem>> -> memref<1x16xf32, #tpu.memory_space<vmem>>
    %dma_wait3A_1381 = tpu.memref_squeeze %dma_wait3A_1380 : memref<1x16xf32, #tpu.memory_space<vmem>> -> memref<16xf32, #tpu.memory_space<vmem>>
    %dma_wait3A_1382 = arith.constant 0 : i32
    %dma_wait3A_1383 = tpu.memref_slice %arg2[%dma_wait3A_1382] : memref<3000000xf32, #tpu.memory_space<hbm>> -> memref<3000000xf32, #tpu.memory_space<hbm>>
    tpu.wait_indirect_dma semaphore(%arg7 : memref<!tpu.dma_semaphore, #tpu.memory_space<semaphore_mem>>) src(%dma_wait3A_1383 : memref<3000000xf32, #tpu.memory_space<hbm>>) dst(%dma_wait3A_1381 : memref<16xf32, #tpu.memory_space<vmem>>)
    %dma_wait3A_1384 = arith.constant 1 : i32
    %dma_wait3A_1385 = arith.constant 400 : i32
    %dma_wait3A_1386 = tpu.memref_slice %arg6[%dma_wait3A_1384, %dma_wait3A_1385] : memref<3x512xf32, #tpu.memory_space<vmem>> -> memref<1x16xf32, #tpu.memory_space<vmem>>
    %dma_wait3A_1387 = tpu.memref_squeeze %dma_wait3A_1386 : memref<1x16xf32, #tpu.memory_space<vmem>> -> memref<16xf32, #tpu.memory_space<vmem>>
    %dma_wait3A_1388 = arith.constant 0 : i32
    %dma_wait3A_1389 = tpu.memref_slice %arg2[%dma_wait3A_1388] : memref<3000000xf32, #tpu.memory_space<hbm>> -> memref<3000000xf32, #tpu.memory_space<hbm>>
    tpu.wait_indirect_dma semaphore(%arg7 : memref<!tpu.dma_semaphore, #tpu.memory_space<semaphore_mem>>) src(%dma_wait3A_1389 : memref<3000000xf32, #tpu.memory_space<hbm>>) dst(%dma_wait3A_1387 : memref<16xf32, #tpu.memory_space<vmem>>)
    %dma_wait3A_1390 = arith.constant 2 : i32
    %dma_wait3A_1391 = arith.constant 400 : i32
    %dma_wait3A_1392 = tpu.memref_slice %arg6[%dma_wait3A_1390, %dma_wait3A_1391] : memref<3x512xf32, #tpu.memory_space<vmem>> -> memref<1x16xf32, #tpu.memory_space<vmem>>
    %dma_wait3A_1393 = tpu.memref_squeeze %dma_wait3A_1392 : memref<1x16xf32, #tpu.memory_space<vmem>> -> memref<16xf32, #tpu.memory_space<vmem>>
    %dma_wait3A_1394 = arith.constant 0 : i32
    %dma_wait3A_1395 = tpu.memref_slice %arg2[%dma_wait3A_1394] : memref<3000000xf32, #tpu.memory_space<hbm>> -> memref<3000000xf32, #tpu.memory_space<hbm>>
    tpu.wait_indirect_dma semaphore(%arg7 : memref<!tpu.dma_semaphore, #tpu.memory_space<semaphore_mem>>) src(%dma_wait3A_1395 : memref<3000000xf32, #tpu.memory_space<hbm>>) dst(%dma_wait3A_1393 : memref<16xf32, #tpu.memory_space<vmem>>)
    %dma_wait3A_1396 = arith.constant 0 : i32
    %dma_wait3A_1397 = arith.constant 416 : i32
    %dma_wait3A_1398 = tpu.memref_slice %arg6[%dma_wait3A_1396, %dma_wait3A_1397] : memref<3x512xf32, #tpu.memory_space<vmem>> -> memref<1x16xf32, #tpu.memory_space<vmem>>
    %dma_wait3A_1399 = tpu.memref_squeeze %dma_wait3A_1398 : memref<1x16xf32, #tpu.memory_space<vmem>> -> memref<16xf32, #tpu.memory_space<vmem>>
    %dma_wait3A_1400 = arith.constant 0 : i32
    %dma_wait3A_1401 = tpu.memref_slice %arg2[%dma_wait3A_1400] : memref<3000000xf32, #tpu.memory_space<hbm>> -> memref<3000000xf32, #tpu.memory_space<hbm>>
    tpu.wait_indirect_dma semaphore(%arg7 : memref<!tpu.dma_semaphore, #tpu.memory_space<semaphore_mem>>) src(%dma_wait3A_1401 : memref<3000000xf32, #tpu.memory_space<hbm>>) dst(%dma_wait3A_1399 : memref<16xf32, #tpu.memory_space<vmem>>)
    %dma_wait3A_1402 = arith.constant 1 : i32
    %dma_wait3A_1403 = arith.constant 416 : i32
    %dma_wait3A_1404 = tpu.memref_slice %arg6[%dma_wait3A_1402, %dma_wait3A_1403] : memref<3x512xf32, #tpu.memory_space<vmem>> -> memref<1x16xf32, #tpu.memory_space<vmem>>
    %dma_wait3A_1405 = tpu.memref_squeeze %dma_wait3A_1404 : memref<1x16xf32, #tpu.memory_space<vmem>> -> memref<16xf32, #tpu.memory_space<vmem>>
    %dma_wait3A_1406 = arith.constant 0 : i32
    %dma_wait3A_1407 = tpu.memref_slice %arg2[%dma_wait3A_1406] : memref<3000000xf32, #tpu.memory_space<hbm>> -> memref<3000000xf32, #tpu.memory_space<hbm>>
    tpu.wait_indirect_dma semaphore(%arg7 : memref<!tpu.dma_semaphore, #tpu.memory_space<semaphore_mem>>) src(%dma_wait3A_1407 : memref<3000000xf32, #tpu.memory_space<hbm>>) dst(%dma_wait3A_1405 : memref<16xf32, #tpu.memory_space<vmem>>)
    %dma_wait3A_1408 = arith.constant 2 : i32
    %dma_wait3A_1409 = arith.constant 416 : i32
    %dma_wait3A_1410 = tpu.memref_slice %arg6[%dma_wait3A_1408, %dma_wait3A_1409] : memref<3x512xf32, #tpu.memory_space<vmem>> -> memref<1x16xf32, #tpu.memory_space<vmem>>
    %dma_wait3A_1411 = tpu.memref_squeeze %dma_wait3A_1410 : memref<1x16xf32, #tpu.memory_space<vmem>> -> memref<16xf32, #tpu.memory_space<vmem>>
    %dma_wait3A_1412 = arith.constant 0 : i32
    %dma_wait3A_1413 = tpu.memref_slice %arg2[%dma_wait3A_1412] : memref<3000000xf32, #tpu.memory_space<hbm>> -> memref<3000000xf32, #tpu.memory_space<hbm>>
    tpu.wait_indirect_dma semaphore(%arg7 : memref<!tpu.dma_semaphore, #tpu.memory_space<semaphore_mem>>) src(%dma_wait3A_1413 : memref<3000000xf32, #tpu.memory_space<hbm>>) dst(%dma_wait3A_1411 : memref<16xf32, #tpu.memory_space<vmem>>)
    %dma_wait3A_1414 = arith.constant 0 : i32
    %dma_wait3A_1415 = arith.constant 432 : i32
    %dma_wait3A_1416 = tpu.memref_slice %arg6[%dma_wait3A_1414, %dma_wait3A_1415] : memref<3x512xf32, #tpu.memory_space<vmem>> -> memref<1x16xf32, #tpu.memory_space<vmem>>
    %dma_wait3A_1417 = tpu.memref_squeeze %dma_wait3A_1416 : memref<1x16xf32, #tpu.memory_space<vmem>> -> memref<16xf32, #tpu.memory_space<vmem>>
    %dma_wait3A_1418 = arith.constant 0 : i32
    %dma_wait3A_1419 = tpu.memref_slice %arg2[%dma_wait3A_1418] : memref<3000000xf32, #tpu.memory_space<hbm>> -> memref<3000000xf32, #tpu.memory_space<hbm>>
    tpu.wait_indirect_dma semaphore(%arg7 : memref<!tpu.dma_semaphore, #tpu.memory_space<semaphore_mem>>) src(%dma_wait3A_1419 : memref<3000000xf32, #tpu.memory_space<hbm>>) dst(%dma_wait3A_1417 : memref<16xf32, #tpu.memory_space<vmem>>)
    %dma_wait3A_1420 = arith.constant 1 : i32
    %dma_wait3A_1421 = arith.constant 432 : i32
    %dma_wait3A_1422 = tpu.memref_slice %arg6[%dma_wait3A_1420, %dma_wait3A_1421] : memref<3x512xf32, #tpu.memory_space<vmem>> -> memref<1x16xf32, #tpu.memory_space<vmem>>
    %dma_wait3A_1423 = tpu.memref_squeeze %dma_wait3A_1422 : memref<1x16xf32, #tpu.memory_space<vmem>> -> memref<16xf32, #tpu.memory_space<vmem>>
    %dma_wait3A_1424 = arith.constant 0 : i32
    %dma_wait3A_1425 = tpu.memref_slice %arg2[%dma_wait3A_1424] : memref<3000000xf32, #tpu.memory_space<hbm>> -> memref<3000000xf32, #tpu.memory_space<hbm>>
    tpu.wait_indirect_dma semaphore(%arg7 : memref<!tpu.dma_semaphore, #tpu.memory_space<semaphore_mem>>) src(%dma_wait3A_1425 : memref<3000000xf32, #tpu.memory_space<hbm>>) dst(%dma_wait3A_1423 : memref<16xf32, #tpu.memory_space<vmem>>)
    %dma_wait3A_1426 = arith.constant 2 : i32
    %dma_wait3A_1427 = arith.constant 432 : i32
    %dma_wait3A_1428 = tpu.memref_slice %arg6[%dma_wait3A_1426, %dma_wait3A_1427] : memref<3x512xf32, #tpu.memory_space<vmem>> -> memref<1x16xf32, #tpu.memory_space<vmem>>
    %dma_wait3A_1429 = tpu.memref_squeeze %dma_wait3A_1428 : memref<1x16xf32, #tpu.memory_space<vmem>> -> memref<16xf32, #tpu.memory_space<vmem>>
    %dma_wait3A_1430 = arith.constant 0 : i32
    %dma_wait3A_1431 = tpu.memref_slice %arg2[%dma_wait3A_1430] : memref<3000000xf32, #tpu.memory_space<hbm>> -> memref<3000000xf32, #tpu.memory_space<hbm>>
    tpu.wait_indirect_dma semaphore(%arg7 : memref<!tpu.dma_semaphore, #tpu.memory_space<semaphore_mem>>) src(%dma_wait3A_1431 : memref<3000000xf32, #tpu.memory_space<hbm>>) dst(%dma_wait3A_1429 : memref<16xf32, #tpu.memory_space<vmem>>)
    %dma_wait3A_1432 = arith.constant 0 : i32
    %dma_wait3A_1433 = arith.constant 448 : i32
    %dma_wait3A_1434 = tpu.memref_slice %arg6[%dma_wait3A_1432, %dma_wait3A_1433] : memref<3x512xf32, #tpu.memory_space<vmem>> -> memref<1x16xf32, #tpu.memory_space<vmem>>
    %dma_wait3A_1435 = tpu.memref_squeeze %dma_wait3A_1434 : memref<1x16xf32, #tpu.memory_space<vmem>> -> memref<16xf32, #tpu.memory_space<vmem>>
    %dma_wait3A_1436 = arith.constant 0 : i32
    %dma_wait3A_1437 = tpu.memref_slice %arg2[%dma_wait3A_1436] : memref<3000000xf32, #tpu.memory_space<hbm>> -> memref<3000000xf32, #tpu.memory_space<hbm>>
    tpu.wait_indirect_dma semaphore(%arg7 : memref<!tpu.dma_semaphore, #tpu.memory_space<semaphore_mem>>) src(%dma_wait3A_1437 : memref<3000000xf32, #tpu.memory_space<hbm>>) dst(%dma_wait3A_1435 : memref<16xf32, #tpu.memory_space<vmem>>)
    %dma_wait3A_1438 = arith.constant 1 : i32
    %dma_wait3A_1439 = arith.constant 448 : i32
    %dma_wait3A_1440 = tpu.memref_slice %arg6[%dma_wait3A_1438, %dma_wait3A_1439] : memref<3x512xf32, #tpu.memory_space<vmem>> -> memref<1x16xf32, #tpu.memory_space<vmem>>
    %dma_wait3A_1441 = tpu.memref_squeeze %dma_wait3A_1440 : memref<1x16xf32, #tpu.memory_space<vmem>> -> memref<16xf32, #tpu.memory_space<vmem>>
    %dma_wait3A_1442 = arith.constant 0 : i32
    %dma_wait3A_1443 = tpu.memref_slice %arg2[%dma_wait3A_1442] : memref<3000000xf32, #tpu.memory_space<hbm>> -> memref<3000000xf32, #tpu.memory_space<hbm>>
    tpu.wait_indirect_dma semaphore(%arg7 : memref<!tpu.dma_semaphore, #tpu.memory_space<semaphore_mem>>) src(%dma_wait3A_1443 : memref<3000000xf32, #tpu.memory_space<hbm>>) dst(%dma_wait3A_1441 : memref<16xf32, #tpu.memory_space<vmem>>)
    %dma_wait3A_1444 = arith.constant 2 : i32
    %dma_wait3A_1445 = arith.constant 448 : i32
    %dma_wait3A_1446 = tpu.memref_slice %arg6[%dma_wait3A_1444, %dma_wait3A_1445] : memref<3x512xf32, #tpu.memory_space<vmem>> -> memref<1x16xf32, #tpu.memory_space<vmem>>
    %dma_wait3A_1447 = tpu.memref_squeeze %dma_wait3A_1446 : memref<1x16xf32, #tpu.memory_space<vmem>> -> memref<16xf32, #tpu.memory_space<vmem>>
    %dma_wait3A_1448 = arith.constant 0 : i32
    %dma_wait3A_1449 = tpu.memref_slice %arg2[%dma_wait3A_1448] : memref<3000000xf32, #tpu.memory_space<hbm>> -> memref<3000000xf32, #tpu.memory_space<hbm>>
    tpu.wait_indirect_dma semaphore(%arg7 : memref<!tpu.dma_semaphore, #tpu.memory_space<semaphore_mem>>) src(%dma_wait3A_1449 : memref<3000000xf32, #tpu.memory_space<hbm>>) dst(%dma_wait3A_1447 : memref<16xf32, #tpu.memory_space<vmem>>)
    %dma_wait3A_1450 = arith.constant 0 : i32
    %dma_wait3A_1451 = arith.constant 464 : i32
    %dma_wait3A_1452 = tpu.memref_slice %arg6[%dma_wait3A_1450, %dma_wait3A_1451] : memref<3x512xf32, #tpu.memory_space<vmem>> -> memref<1x16xf32, #tpu.memory_space<vmem>>
    %dma_wait3A_1453 = tpu.memref_squeeze %dma_wait3A_1452 : memref<1x16xf32, #tpu.memory_space<vmem>> -> memref<16xf32, #tpu.memory_space<vmem>>
    %dma_wait3A_1454 = arith.constant 0 : i32
    %dma_wait3A_1455 = tpu.memref_slice %arg2[%dma_wait3A_1454] : memref<3000000xf32, #tpu.memory_space<hbm>> -> memref<3000000xf32, #tpu.memory_space<hbm>>
    tpu.wait_indirect_dma semaphore(%arg7 : memref<!tpu.dma_semaphore, #tpu.memory_space<semaphore_mem>>) src(%dma_wait3A_1455 : memref<3000000xf32, #tpu.memory_space<hbm>>) dst(%dma_wait3A_1453 : memref<16xf32, #tpu.memory_space<vmem>>)
    %dma_wait3A_1456 = arith.constant 1 : i32
    %dma_wait3A_1457 = arith.constant 464 : i32
    %dma_wait3A_1458 = tpu.memref_slice %arg6[%dma_wait3A_1456, %dma_wait3A_1457] : memref<3x512xf32, #tpu.memory_space<vmem>> -> memref<1x16xf32, #tpu.memory_space<vmem>>
    %dma_wait3A_1459 = tpu.memref_squeeze %dma_wait3A_1458 : memref<1x16xf32, #tpu.memory_space<vmem>> -> memref<16xf32, #tpu.memory_space<vmem>>
    %dma_wait3A_1460 = arith.constant 0 : i32
    %dma_wait3A_1461 = tpu.memref_slice %arg2[%dma_wait3A_1460] : memref<3000000xf32, #tpu.memory_space<hbm>> -> memref<3000000xf32, #tpu.memory_space<hbm>>
    tpu.wait_indirect_dma semaphore(%arg7 : memref<!tpu.dma_semaphore, #tpu.memory_space<semaphore_mem>>) src(%dma_wait3A_1461 : memref<3000000xf32, #tpu.memory_space<hbm>>) dst(%dma_wait3A_1459 : memref<16xf32, #tpu.memory_space<vmem>>)
    %dma_wait3A_1462 = arith.constant 2 : i32
    %dma_wait3A_1463 = arith.constant 464 : i32
    %dma_wait3A_1464 = tpu.memref_slice %arg6[%dma_wait3A_1462, %dma_wait3A_1463] : memref<3x512xf32, #tpu.memory_space<vmem>> -> memref<1x16xf32, #tpu.memory_space<vmem>>
    %dma_wait3A_1465 = tpu.memref_squeeze %dma_wait3A_1464 : memref<1x16xf32, #tpu.memory_space<vmem>> -> memref<16xf32, #tpu.memory_space<vmem>>
    %dma_wait3A_1466 = arith.constant 0 : i32
    %dma_wait3A_1467 = tpu.memref_slice %arg2[%dma_wait3A_1466] : memref<3000000xf32, #tpu.memory_space<hbm>> -> memref<3000000xf32, #tpu.memory_space<hbm>>
    tpu.wait_indirect_dma semaphore(%arg7 : memref<!tpu.dma_semaphore, #tpu.memory_space<semaphore_mem>>) src(%dma_wait3A_1467 : memref<3000000xf32, #tpu.memory_space<hbm>>) dst(%dma_wait3A_1465 : memref<16xf32, #tpu.memory_space<vmem>>)
    %dma_wait3A_1468 = arith.constant 0 : i32
    %dma_wait3A_1469 = arith.constant 480 : i32
    %dma_wait3A_1470 = tpu.memref_slice %arg6[%dma_wait3A_1468, %dma_wait3A_1469] : memref<3x512xf32, #tpu.memory_space<vmem>> -> memref<1x16xf32, #tpu.memory_space<vmem>>
    %dma_wait3A_1471 = tpu.memref_squeeze %dma_wait3A_1470 : memref<1x16xf32, #tpu.memory_space<vmem>> -> memref<16xf32, #tpu.memory_space<vmem>>
    %dma_wait3A_1472 = arith.constant 0 : i32
    %dma_wait3A_1473 = tpu.memref_slice %arg2[%dma_wait3A_1472] : memref<3000000xf32, #tpu.memory_space<hbm>> -> memref<3000000xf32, #tpu.memory_space<hbm>>
    tpu.wait_indirect_dma semaphore(%arg7 : memref<!tpu.dma_semaphore, #tpu.memory_space<semaphore_mem>>) src(%dma_wait3A_1473 : memref<3000000xf32, #tpu.memory_space<hbm>>) dst(%dma_wait3A_1471 : memref<16xf32, #tpu.memory_space<vmem>>)
    %dma_wait3A_1474 = arith.constant 1 : i32
    %dma_wait3A_1475 = arith.constant 480 : i32
    %dma_wait3A_1476 = tpu.memref_slice %arg6[%dma_wait3A_1474, %dma_wait3A_1475] : memref<3x512xf32, #tpu.memory_space<vmem>> -> memref<1x16xf32, #tpu.memory_space<vmem>>
    %dma_wait3A_1477 = tpu.memref_squeeze %dma_wait3A_1476 : memref<1x16xf32, #tpu.memory_space<vmem>> -> memref<16xf32, #tpu.memory_space<vmem>>
    %dma_wait3A_1478 = arith.constant 0 : i32
    %dma_wait3A_1479 = tpu.memref_slice %arg2[%dma_wait3A_1478] : memref<3000000xf32, #tpu.memory_space<hbm>> -> memref<3000000xf32, #tpu.memory_space<hbm>>
    tpu.wait_indirect_dma semaphore(%arg7 : memref<!tpu.dma_semaphore, #tpu.memory_space<semaphore_mem>>) src(%dma_wait3A_1479 : memref<3000000xf32, #tpu.memory_space<hbm>>) dst(%dma_wait3A_1477 : memref<16xf32, #tpu.memory_space<vmem>>)
    %dma_wait3A_1480 = arith.constant 2 : i32
    %dma_wait3A_1481 = arith.constant 480 : i32
    %dma_wait3A_1482 = tpu.memref_slice %arg6[%dma_wait3A_1480, %dma_wait3A_1481] : memref<3x512xf32, #tpu.memory_space<vmem>> -> memref<1x16xf32, #tpu.memory_space<vmem>>
    %dma_wait3A_1483 = tpu.memref_squeeze %dma_wait3A_1482 : memref<1x16xf32, #tpu.memory_space<vmem>> -> memref<16xf32, #tpu.memory_space<vmem>>
    %dma_wait3A_1484 = arith.constant 0 : i32
    %dma_wait3A_1485 = tpu.memref_slice %arg2[%dma_wait3A_1484] : memref<3000000xf32, #tpu.memory_space<hbm>> -> memref<3000000xf32, #tpu.memory_space<hbm>>
    tpu.wait_indirect_dma semaphore(%arg7 : memref<!tpu.dma_semaphore, #tpu.memory_space<semaphore_mem>>) src(%dma_wait3A_1485 : memref<3000000xf32, #tpu.memory_space<hbm>>) dst(%dma_wait3A_1483 : memref<16xf32, #tpu.memory_space<vmem>>)
    %dma_wait3A_1486 = arith.constant 0 : i32
    %dma_wait3A_1487 = arith.constant 496 : i32
    %dma_wait3A_1488 = tpu.memref_slice %arg6[%dma_wait3A_1486, %dma_wait3A_1487] : memref<3x512xf32, #tpu.memory_space<vmem>> -> memref<1x16xf32, #tpu.memory_space<vmem>>
    %dma_wait3A_1489 = tpu.memref_squeeze %dma_wait3A_1488 : memref<1x16xf32, #tpu.memory_space<vmem>> -> memref<16xf32, #tpu.memory_space<vmem>>
    %dma_wait3A_1490 = arith.constant 0 : i32
    %dma_wait3A_1491 = tpu.memref_slice %arg2[%dma_wait3A_1490] : memref<3000000xf32, #tpu.memory_space<hbm>> -> memref<3000000xf32, #tpu.memory_space<hbm>>
    tpu.wait_indirect_dma semaphore(%arg7 : memref<!tpu.dma_semaphore, #tpu.memory_space<semaphore_mem>>) src(%dma_wait3A_1491 : memref<3000000xf32, #tpu.memory_space<hbm>>) dst(%dma_wait3A_1489 : memref<16xf32, #tpu.memory_space<vmem>>)
    %dma_wait3A_1492 = arith.constant 1 : i32
    %dma_wait3A_1493 = arith.constant 496 : i32
    %dma_wait3A_1494 = tpu.memref_slice %arg6[%dma_wait3A_1492, %dma_wait3A_1493] : memref<3x512xf32, #tpu.memory_space<vmem>> -> memref<1x16xf32, #tpu.memory_space<vmem>>
    %dma_wait3A_1495 = tpu.memref_squeeze %dma_wait3A_1494 : memref<1x16xf32, #tpu.memory_space<vmem>> -> memref<16xf32, #tpu.memory_space<vmem>>
    %dma_wait3A_1496 = arith.constant 0 : i32
    %dma_wait3A_1497 = tpu.memref_slice %arg2[%dma_wait3A_1496] : memref<3000000xf32, #tpu.memory_space<hbm>> -> memref<3000000xf32, #tpu.memory_space<hbm>>
    tpu.wait_indirect_dma semaphore(%arg7 : memref<!tpu.dma_semaphore, #tpu.memory_space<semaphore_mem>>) src(%dma_wait3A_1497 : memref<3000000xf32, #tpu.memory_space<hbm>>) dst(%dma_wait3A_1495 : memref<16xf32, #tpu.memory_space<vmem>>)
    %dma_wait3A_1498 = arith.constant 2 : i32
    %dma_wait3A_1499 = arith.constant 496 : i32
    %dma_wait3A_1500 = tpu.memref_slice %arg6[%dma_wait3A_1498, %dma_wait3A_1499] : memref<3x512xf32, #tpu.memory_space<vmem>> -> memref<1x16xf32, #tpu.memory_space<vmem>>
    %dma_wait3A_1501 = tpu.memref_squeeze %dma_wait3A_1500 : memref<1x16xf32, #tpu.memory_space<vmem>> -> memref<16xf32, #tpu.memory_space<vmem>>
    %dma_wait3A_1502 = arith.constant 0 : i32
    %dma_wait3A_1503 = tpu.memref_slice %arg2[%dma_wait3A_1502] : memref<3000000xf32, #tpu.memory_space<hbm>> -> memref<3000000xf32, #tpu.memory_space<hbm>>
    tpu.wait_indirect_dma semaphore(%arg7 : memref<!tpu.dma_semaphore, #tpu.memory_space<semaphore_mem>>) src(%dma_wait3A_1503 : memref<3000000xf32, #tpu.memory_space<hbm>>) dst(%dma_wait3A_1501 : memref<16xf32, #tpu.memory_space<vmem>>)
    %mul3A_1504 = arith.constant 512 : i32
    %mul3A_1505 = arith.muli %add3A, %mul3A_1504 : i32
    "tpu.region"() ({
      %run_scoped3A = tpu.sem_alloc : memref<!tpu.dma_semaphore, #tpu.memory_space<semaphore_mem>>
      %dma_start3A_1506 = arith.constant 0 : i32
      %dma_start3A_1507 = tpu.memref_slice %arg4[%dma_start3A_1506, %mul3A_1505] : memref<3x16384xf32, #tpu.memory_space<hbm>> -> memref<3x512xf32, #tpu.memory_space<hbm>>
      %dma_start3A_1508 = arith.constant 0 : i32
      %dma_start3A_1509 = tpu.memref_slice %arg4[%dma_start3A_1508, %mul3A_1505] : memref<3x16384xf32, #tpu.memory_space<hbm>> -> memref<3x512xf32, #tpu.memory_space<hbm>>
      tpu.enqueue_dma source(%arg6 : memref<3x512xf32, #tpu.memory_space<vmem>>) target(%dma_start3A_1509 : memref<3x512xf32, #tpu.memory_space<hbm>>) target_semaphore(%run_scoped3A : memref<!tpu.dma_semaphore, #tpu.memory_space<semaphore_mem>>)
      %dma_wait3A_1510 = arith.constant 0 : i32
      %dma_wait3A_1511 = tpu.memref_slice %arg4[%dma_wait3A_1510, %mul3A_1505] : memref<3x16384xf32, #tpu.memory_space<hbm>> -> memref<3x512xf32, #tpu.memory_space<hbm>>
      %dma_wait3A_1512 = arith.constant 0 : i32
      %dma_wait3A_1513 = tpu.memref_slice %arg4[%dma_wait3A_1512, %mul3A_1505] : memref<3x16384xf32, #tpu.memory_space<hbm>> -> memref<3x512xf32, #tpu.memory_space<hbm>>
      tpu.wait_dma2 semaphore(%run_scoped3A : memref<!tpu.dma_semaphore, #tpu.memory_space<semaphore_mem>>) src(%arg6 : memref<3x512xf32, #tpu.memory_space<vmem>>) dst(%dma_wait3A_1513 : memref<3x512xf32, #tpu.memory_space<hbm>>)
      tpu.yield
    }) : () -> ()
    return
  }
}

</mosaic_0001>

<sc_bundles>
// kernel: kernel.3.cloned.1.call-start
scs
__scs_entry_jumppad:
0x0: {  	(pc) =	sbr.rel $0x88, $3  }
0x1: {  	(tag) =	ssettag $0x0;
	lr =	simm.s32 $0x1  }
0x2: {  	[smem:$0x3F9F] =	sst lr;
	_ =	strace $0xD0000000  }
0x3: {  	_ = 	snop  }
0x4: {  	_ = 	snop  }
0x5: {  	_ = 	snop  }
0x6: {  	_ = 	snop  }
0x7: {  	_ = 	snop  }
__scs_overlays_trampoline_lowered:
0x8: {  	[smem:$0x3FAE] =	sst s0  }
0x9: {  	[smem:$0x3FAF] =	sst s1  }
0xa: {  	[smem:$0x3FB0] =	sst s2  }
0xb: {  	[smem:$0x3FB1] =	sst s3  }
0xc: {  	[smem:$0x3FB2] =	sst s4  }
0xd: {  	[smem:$0x3FB3] =	sst s5  }
0xe: {  	[smem:$0x3FB4] =	sst s6  }
0xf: {  	[smem:$0x3FB5] =	sst s7  }
0x10: {  	[smem:$0x3FB6] =	sst s8  }
0x11: {  	[smem:$0x3FB7] =	sst s9;
	s0 =	simm.s32 @!p0 $0x0  }
0x12: {  	s1 =	sld [smem:$0x3F9D];
	s0 =	simm.s32 @p0 $0x1  }
0x13: {  	[smem:$0x3FB8] =	sst s0;
	s0 =	simm.s32 @!p1 $0x0  }
0x14: {  	s2 =	sld [smem:$0x3F9C];
	s0 =	simm.s32 @p1 $0x1  }
0x15: {  	[smem:$0x3FB9] =	sst s0;
	s0 =	simm.s32 @!p2 $0x0  }
0x16: {  	s3 =	sld [smem:$0x3FDB];
	s0 =	simm.s32 @p2 $0x1  }
0x17: {  	s4 =	simm.s32 $0x1BF5;
	[smem:$0x3FBB] =	sst s0  }
0x18: {  	s0 =	sld [smem:$0x3F9E];
	_ =	swait.ge [sflag:s4], $0x0  }
0x19: {  	s7 =	sld [smem:$0x3F9F]  }
0x1a: {  	s8 =	sadd.s32 $0xFFFFE003, lr  }
0x1b: {  	s9 =	sadd.s32 $0xFFFFFEF7, lr;
	s5 =	simm.s32 $0xFFFFFFFF;
	p2 =	slt.u32 s8, $0xFFFFF086  }
0x1c: {  	p1 =	slt.u32 s9, $0xF7A;
	s5 =	simm.s32 @!p2 $0x0  }
0x1d: {  	s5 =	simm.s32 @p1 $0x1;
	p0 =	seq.s32 s7, s2  }
0x1e: {  	s7 =	smul.u32 @!p0 $0xF7A, s2;
	p2 =	seq.s32 @!p0 s5, $0x0  }
0x1f: {  	s9 =	smul.u32 $0xF7A, s1;
	s8 =	simm.s32 @!p0 $0x1BF5;
	p2 =	por !p2, p0  }
0x20: {  	[sflag:s8] =	ssyncset.s32 @!p0 $0xFFFFF086;
	s6 =	sadd.s32 @!p0 s3, s7;
	s7 =	simm.s32 @!p0 $0x108  }
0x21: {  	s3 =	sadd.s32 s3, s9;
	s6 =	sadd.s32 @!p0 $0x88, s6;
	s7 =	simm.s32 @p2 $0x1082  }
0x22: {  	[simem:s7], [sflag:s8] =	dma.local @!p0 [hbm:s6], $0xF7A  }
0x23: {  	s9 =	sor.u32 $0xD0000000, s2;
	s6 =	simm.s32 $0x108;
	_ =	swait.ge @!p0 [sflag:s8], $0x0  }
0x24: {  	s3 =	sadd.s32 $0x88, s3;
	s6 =	simm.s32 @!p1 $0x1082;
	[sflag:s4] =	ssyncset.s32 $0xFFFFF086  }
0x25: {  	[simem:s6], [sflag:s4] =	dma.local [hbm:s3], $0xF7A  }
0x26: {  	[smem:$0x3F9F] =	sst s1;
	(tag) =	ssettag s2;
	_ =	strace s9  }
0x27: {  	s1 =	sld [smem:$0x3FAF]  }
0x28: {  	s2 =	sld [smem:$0x3FB0]  }
0x29: {  	s4 =	sld [smem:$0x3FB2]  }
0x2a: {  	p0 =	seq.s32 s5, $0x0;
	s5 =	sld [smem:$0x3FB3]  }
0x2b: {  	s6 =	sld [smem:$0x3FB4]  }
0x2c: {  	s7 =	sld [smem:$0x3FB5]  }
0x2d: {  	s3 =	simm.s32 $0x108;
	s8 =	sld [smem:$0x3FB6]  }
0x2e: {  	s3 =	simm.s32 @!p0 $0x1082;
	s9 =	sld [smem:$0x3FB7]  }
0x2f: {  	lr =	sadd.s32 s0, s3;
	s0 =	sld [smem:$0x3FAE]  }
0x30: {  	s3 =	sld [smem:$0x3FB1]  }
0x31: {  	[smem:$0x3FBA] =	sst s10  }
0x32: {  	s10 =	sld [smem:$0x3FB8];
	_ =	sdelay $0x3  }
0x33: {  	p0 =	seq.s32 s10, $0x1;
	s10 =	sld [smem:$0x3FBA];
	_ =	sdelay $0x3  }
0x34: {  	[smem:$0x3FBA] =	sst s10  }
0x35: {  	s10 =	sld [smem:$0x3FB9];
	_ =	sdelay $0x3  }
0x36: {  	p1 =	seq.s32 s10, $0x1;
	s10 =	sld [smem:$0x3FBA];
	_ =	sdelay $0x3  }
0x37: {  	[smem:$0x3FBA] =	sst s10  }
0x38: {  	s10 =	sld [smem:$0x3FBB]  }
0x39: {  	_ = 	snop;
	(pc) =	sbr.ind lr, $3  }
0x3a: {  	_ = 	snop  }
0x3b: {  	_ = 	snop  }
0x3c: {  	p2 =	seq.s32 s10, $0x1;
	s10 =	sld [smem:$0x3FBA]  }
0x3d: {  	_ =	shalt  }
0x3e: {  	_ =	shalt  }
0x3f: {  	_ =	shalt  }
0x40: {  	_ =	shalt  }
0x41: {  	_ =	shalt  }
0x42: {  	_ =	shalt  }
0x43: {  	_ =	shalt  }
0x44: {  	_ =	shalt  }
0x45: {  	_ =	shalt  }
0x46: {  	_ =	shalt  }
0x47: {  	_ =	shalt  }
0x48: {  	_ =	shalt  }
0x49: {  	_ =	shalt  }
0x4a: {  	_ =	shalt  }
0x4b: {  	_ =	shalt  }
0x4c: {  	_ =	shalt  }
0x4d: {  	_ =	shalt  }
0x4e: {  	_ =	shalt  }
0x4f: {  	_ =	shalt  }
0x50: {  	_ =	shalt  }
0x51: {  	_ =	shalt  }
0x52: {  	_ =	shalt  }
0x53: {  	_ =	shalt  }
0x54: {  	_ =	shalt  }
0x55: {  	_ =	shalt  }
0x56: {  	_ =	shalt  }
0x57: {  	_ =	shalt  }
0x58: {  	_ =	shalt  }
0x59: {  	_ =	shalt  }
0x5a: {  	_ =	shalt  }
0x5b: {  	_ =	shalt  }
0x5c: {  	_ =	shalt  }
0x5d: {  	_ =	shalt  }
0x5e: {  	_ =	shalt  }
0x5f: {  	_ =	shalt  }
0x60: {  	_ =	shalt  }
0x61: {  	_ =	shalt  }
0x62: {  	_ =	shalt  }
0x63: {  	_ =	shalt  }
0x64: {  	_ =	shalt  }
0x65: {  	_ =	shalt  }
0x66: {  	_ =	shalt  }
0x67: {  	_ =	shalt  }
0x68: {  	_ =	shalt  }
0x69: {  	_ =	shalt  }
0x6a: {  	_ =	shalt  }
0x6b: {  	_ =	shalt  }
0x6c: {  	_ =	shalt  }
0x6d: {  	_ =	shalt  }
0x6e: {  	_ =	shalt  }
0x6f: {  	_ =	shalt  }
0x70: {  	_ =	shalt  }
0x71: {  	_ =	shalt  }
0x72: {  	_ =	shalt  }
0x73: {  	_ =	shalt  }
0x74: {  	_ =	shalt  }
0x75: {  	_ =	shalt  }
0x76: {  	_ =	shalt  }
0x77: {  	_ =	shalt  }
0x78: {  	_ =	shalt  }
0x79: {  	_ =	shalt  }
0x7a: {  	_ =	shalt  }
0x7b: {  	_ =	shalt  }
0x7c: {  	_ =	shalt  }
0x7d: {  	_ =	shalt  }
0x7e: {  	_ =	shalt  }
0x7f: {  	_ =	shalt  }
0x80: {  	_ =	shalt  }
0x81: {  	_ =	shalt  }
0x82: {  	_ =	shalt  }
0x83: {  	_ =	shalt  }
0x84: {  	_ =	shalt  }
0x85: {  	_ =	shalt  }
0x86: {  	_ =	shalt  }
0x87: {  	_ =	shalt  }
.Lfunc_end0:
.L_simem_size_0:
called_computation_lowered:
.L_overlay_start_0:
0x88: {  	s2 =	sld [smem:$0x3FD9]  }
0x89: {  	s3 =	sld [smem:$0x3FFE];
	_ =	sdelay $0x1  }
0x8a: {  	s1 =	srdreg.scid  }
0x8b: {  	s0 =	sand.u32 $0x1, s1  }
0x8c: {  	s17 =	sshll.u32 s0, $0xA;
	s2 =	sadd.s32 s3, s2  }
0x8d: {  	s2 =	sadd.s32 s2, s17  }
0x8e: {  	[smem:$0x3FC6] =	sst s2  }
0x8f: {  	_ = 	snop  }
0x90: {  	s2 =	sld [smem:$0x3FC8]  }
0x91: {  	s18 =	sld [smem:$0x3FD0];
	(tm) =	ssettm $0x1  }
0x92: {  	s4 =	sld [smem:$0x3FFB];
	_ =	sdelay $0x3  }
0x93: {  	_ =	strace s4  }
0x94: {  	s4 =	sld [smem:$0x3FFC];
	_ =	sdelay $0x3  }
0x95: {  	_ =	strace s4  }
0x96: {  	s4 =	sld [smem:$0x3FFD];
	_ =	sdelay $0x3  }
0x97: {  	_ =	strace s4  }
0x98: {  	_ =	strace $0x8FFFFFFF  }
0x99: {  	s19 =	sld [smem:$0x3FDB];
	_ =	sdelay $0x1  }
0x9a: {  	s5 =	simm.s32 $_scs_section_size  }
0x9b: {  	s6 =	simm.s32 $_size__tile_overlayer_lowered;
	s7 =	simm.s32 $_tile_overlayer_lowered  }
0x9c: {  	s22 =	simm.s32 $0x1BFF;
	s21 =	sshll.u32 s7, $0x1;
	s4 =	sadd.s32 s5, s19  }
0x9d: {  	s8 =	simm.s32 $0x0;
	s20 =	sshll.u32 s6, $0x1;
	s6 =	sadd.s32 s21, s4  }
0x9e: {  	[timem:s8], [sflag:s22] =	dma.local [hbm:s6], s20  }
0x9f: {  	_ =	swait.ge [sflag:s22], s20  }
0xa0: {  	s5 =	ssub.s32 $0x0, s20;
	[sflag:s22] =	ssyncset.done $0x0  }
0xa1: {  	[sflag:s22] =	ssyncadd.s32 s5;
	_ =	sdelay $0x1  }
0xa2: {  	s23 =	simm.s32 $0x1B8B  }
0xa3: {  	_ =	swait.ge [sflag:s23], $0x1  }
0xa4: {  	[sflag:s23] =	ssyncset.done $0x0  }
0xa5: {  	s25 =	simm.s32 $0x1B8E;
	s24 =	sld [smem:$0x3FFE];
	[sflag:s23] =	ssyncadd.s32 $0xFFFFFFFF  }
0xa6: {  	s26 =	simm.s32 $execute0_lowered;
	[smem:$0x3FD2] =	sst s25  }
0xa7: {  	s6 =	sshll.u32 s26, $0x1;
	_ =	strace $0x80000046;
	[dreg:$0x1] =	wrdreg $0xFFFFFFFF  }
0xa8: {  	s28 =	simm.s32 $_size_execute0_lowered;
	s4 =	sadd.s32 s4, s6;
	[dreg:$0x0] =	wrdreg $0x0  }
0xa9: {  	s6 =	sshll.u32 s28, $0x1;
	[dreg:$0x2] =	wrdreg s4  }
0xaa: {  	[dreg:$0x3] =	wrdreg s6  }
0xab: {  	[dreg:$0x4] =	wrdreg $0xC0  }
0xac: {  	_ =	task [dreg:s8], $0x5FFFF  }
0xad: {  	[dreg:$0x1] =	wrdreg $0xFFFFFFFF  }
0xae: {  	[dreg:$0x0] =	wrdreg $0x60  }
0xaf: {  	[dreg:$0x2] =	wrdreg s24  }
0xb0: {  	[dreg:$0x3] =	wrdreg s2  }
0xb1: {  	[dreg:$0x4] =	wrdreg s18  }
0xb2: {  	[dreg:$0x5] =	wrdreg $0x9  }
0xb3: {  	_ =	task.clear_ibuf [dreg:s8], $0x6FFFF;
	_ =	strace $0x90000046  }
0xb4: {  	s29 =	simm.s32 $0x9;
	_ =	strace $0x80000048  }
0xb5: {  	_ =	swait.ge [sflag:s29], $0x1  }
0xb6: {  	[sflag:s29] =	ssyncadd.s32 $0xFFFFFFFF  }
0xb7: {  	_ =	strace $0x90000048  }
0xb8: {  	_ =	sfence  }
0xb9: {  	s30 =	sld [smem:$0x0];
	_ =	sdelay $0x2  }
0xba: {  	s31 =	sshll.u32 s1, $0xD;
	s1 =	sshrl.u32 s1, $0x2  }
0xbb: {  	s3 =	sand.u32 $0x4000, s31;
	s1 =	sadd.s32 s1, s30  }
0xbc: {  	s0 =	sor.u32 s3, s0;
	s1 =	sshll.u32 s1, $0x11  }
0xbd: {  	s0 =	sor.u32 s1, s0  }
0xbe: {  	s0 =	sadd.s32 $0x8F2B, s0  }
0xbf: {  	[sflag:s0] =	ssyncadd.remote.s32 $0x1  }
0xc0: {  	_ =	sfence.sel $0xFFFF  }
0xc1: {  	[dreg:$0x0] =	wrdreg $0xFFFFFFFF;
	(pc) =	sbr.abs _section_cstart, $3  }
0xc2: {  	[dreg:$0x1] =	wrdreg $0xFFFFFFFF  }
0xc3: {  	_ =	task.clear_ibuf [dreg:s8], $0x2FFFF;
	_ =	strace $0x9FFFFFFF  }
0xc4: {  	(tm) =	ssettm $0x7FFFFFFF  }
0xc5: {  	_ =	shalt  }
tec
execute0_lowered:
.L_overlay_start_1:
0x0: {  	(tag) =	ssettag $0x1  }
0x1: {  	s1 =	rddreg [dreg:$0x0]  }
0x2: {  	s2 =	srdreg.scid;
	s3 =	rddreg [dreg:$0x1]  }
0x3: {  	s5 =	rddreg [dreg:$0x2];
	s4 =	sand.u32 $0x1, s2;
	s2 =	simm.s32 $0x0  }
0x4: {  	s24 =	simm.s32 $0x280;
	[smem:$0x7FF] =	sst s2  }
0x5: {  	s25 =	simm.s32 $0x300;
	_ =	strace $0x80000047;
	[dreg:$0x6] =	wrdreg s24  }
0x6: {  	s0 =	stileid.u32;
	s26 =	simm.s32 $0x210;
	[dreg:$0x7] =	wrdreg s25  }
0x7: {  	s6 =	sshll.u32 s0, $0xA;
	s0 =	simm.s32 $0x290;
	[dreg:$0x8] =	wrdreg s26  }
0x8: {  	s8 =	simm.s32 $0x320;
	[dreg:$0x9] =	wrdreg s0  }
0x9: {  	s9 =	simm.s32 $0x230;
	[dreg:$0xd] =	wrdreg s8  }
0xa: {  	s10 =	simm.s32 $0x2B0;
	[dreg:$0xe] =	wrdreg s9  }
0xb: {  	s11 =	simm.s32 $0x330;
	[dreg:$0xf] =	wrdreg s10  }
0xc: {  	s12 =	simm.s32 $0x240;
	[dreg:$0x10] =	wrdreg s11  }
0xd: {  	s13 =	simm.s32 $0x2C0;
	[dreg:$0x11] =	wrdreg s12  }
0xe: {  	s14 =	simm.s32 $0x340;
	[dreg:$0x12] =	wrdreg s13  }
0xf: {  	s15 =	simm.s32 $0x250;
	[dreg:$0x13] =	wrdreg s14  }
0x10: {  	s16 =	simm.s32 $0x2D0;
	[dreg:$0x14] =	wrdreg s15  }
0x11: {  	s17 =	simm.s32 $0x350;
	[dreg:$0x15] =	wrdreg s16  }
0x12: {  	s18 =	simm.s32 $0x260;
	[dreg:$0x16] =	wrdreg s17  }
0x13: {  	s19 =	simm.s32 $0x2E0;
	[dreg:$0x17] =	wrdreg s18  }
0x14: {  	s20 =	simm.s32 $0x360;
	[dreg:$0x18] =	wrdreg s19  }
0x15: {  	s21 =	simm.s32 $0x270;
	[dreg:$0x19] =	wrdreg s20  }
0x16: {  	s22 =	simm.s32 $0x2F0;
	[dreg:$0x1a] =	wrdreg s21  }
0x17: {  	[dreg:$0x1b] =	wrdreg s22;
	s24 =	simm.s32 $0x400  }
0x18: {  	s25 =	simm.s32 $0x480;
	[dreg:$0x1d] =	wrdreg s24  }
0x19: {  	s26 =	simm.s32 $0x500;
	[dreg:$0x1e] =	wrdreg s25  }
0x1a: {  	s0 =	simm.s32 $0x410;
	[dreg:$0x1f] =	wrdreg s26  }
0x1b: {  	s8 =	simm.s32 $0x4A0;
	[smem:$0x7D1] =	sst s0  }
0x1c: {  	s9 =	simm.s32 $0x520;
	[smem:$0x7D5] =	sst s8  }
0x1d: {  	s10 =	simm.s32 $0x430;
	[smem:$0x7D6] =	sst s9  }
0x1e: {  	s11 =	simm.s32 $0x4B0;
	[smem:$0x7D7] =	sst s10  }
0x1f: {  	s12 =	simm.s32 $0x530;
	[smem:$0x7D8] =	sst s11  }
0x20: {  	s13 =	simm.s32 $0x440;
	[smem:$0x7D9] =	sst s12  }
0x21: {  	s14 =	simm.s32 $0x4C0;
	[smem:$0x7DA] =	sst s13  }
0x22: {  	s15 =	simm.s32 $0x540;
	[smem:$0x7DB] =	sst s14  }
0x23: {  	s16 =	simm.s32 $0x450;
	[smem:$0x7DC] =	sst s15  }
0x24: {  	s17 =	simm.s32 $0x4D0;
	[smem:$0x7DD] =	sst s16  }
0x25: {  	s18 =	simm.s32 $0x550;
	[smem:$0x7DE] =	sst s17  }
0x26: {  	s19 =	simm.s32 $0x460;
	[smem:$0x7DF] =	sst s18  }
0x27: {  	s20 =	simm.s32 $0x4E0;
	[smem:$0x7E0] =	sst s19  }
0x28: {  	s21 =	simm.s32 $0x560;
	[smem:$0x7E1] =	sst s20  }
0x29: {  	s22 =	simm.s32 $0x470;
	[smem:$0x7E2] =	sst s21  }
0x2a: {  	[smem:$0x7E3] =	sst s22;
	s24 =	simm.s32 $0x570  }
0x2b: {  	s25 =	simm.s32 $0x600;
	[smem:$0x7E5] =	sst s24  }
0x2c: {  	s26 =	simm.s32 $0x680;
	[smem:$0x7E6] =	sst s25  }
0x2d: {  	s0 =	simm.s32 $0x700;
	[smem:$0x7E7] =	sst s26  }
0x2e: {  	s8 =	simm.s32 $0x620;
	[smem:$0x7E8] =	sst s0  }
0x2f: {  	s28 =	simm.s32 $0x960;
	s9 =	simm.s32 $0x6A0;
	[smem:$0x7EC] =	sst s8  }
0x30: {  	s29 =	simm.s32 $0x870;
	s10 =	simm.s32 $0x720;
	[smem:$0x7ED] =	sst s9  }
0x31: {  	s30 =	simm.s32 $0x8F0;
	s11 =	simm.s32 $0x630;
	[smem:$0x7EE] =	sst s10  }
0x32: {  	s31 =	simm.s32 $0x970;
	s12 =	simm.s32 $0x6B0;
	[smem:$0x7EF] =	sst s11  }
0x33: {  	s7 =	sshll.u32 s4, $0x9;
	s13 =	simm.s32 $0x730;
	[smem:$0x7F0] =	sst s12  }
0x34: {  	s4 =	ssub.s32 $0x2, s4;
	s14 =	simm.s32 $0x640;
	[smem:$0x7F1] =	sst s13  }
0x35: {  	s6 =	sor.u32 s7, s6;
	s15 =	simm.s32 $0x6C0;
	[smem:$0x7F2] =	sst s14  }
0x36: {  	s7 =	sshrl.u32 s6, $0x3;
	s16 =	simm.s32 $0x740;
	[smem:$0x7F3] =	sst s15  }
0x37: {  	s6 =	sshrl.u32 s6, $0x1;
	s17 =	simm.s32 $0x650;
	[smem:$0x7F4] =	sst s16  }
0x38: {  	s18 =	simm.s32 $0x6D0;
	s19 =	simm.s32 $0x750;
	[smem:$0x7F5] =	sst s17  }
0x39: {  	s20 =	simm.s32 $0x660;
	s21 =	simm.s32 $0x6E0;
	[smem:$0x7F6] =	sst s18  }
0x3a: {  	s22 =	sshrl.u32 s4, $0x1;
	s3 =	sadd.s32 s3, s7;
	[smem:$0x7F7] =	sst s19  }
0x3b: {  	s23 =	sadd.s32 s5, s6;
	s5 =	simm.s32 $0x310;
	[smem:$0x7F8] =	sst s20  }
0x3c: {  	s6 =	simm.s32 $0x220;
	s7 =	simm.s32 $0x2A0;
	[smem:$0x7F9] =	sst s21  }
0x3d: {  	s4 =	ssub.s32 s4, s22;
	s24 =	simm.s32 $0x670;
	s25 =	simm.s32 $0x6F0  }
0x3e: {  	s26 =	simm.s32 $0x770;
	s8 =	simm.s32 $0x880;
	[dreg:$0x4] =	wrdreg s3  }
0x3f: {  	s9 =	simm.s32 $0x900;
	s10 =	simm.s32 $0x810;
	[dreg:$0x5] =	wrdreg s23  }
0x40: {  	s11 =	simm.s32 $0x890;
	s12 =	simm.s32 $0x910;
	[dreg:$0xa] =	wrdreg s5  }
0x41: {  	s13 =	simm.s32 $0x820;
	s14 =	simm.s32 $0x8A0;
	[dreg:$0xb] =	wrdreg s6  }
0x42: {  	s15 =	simm.s32 $0x920;
	s16 =	simm.s32 $0x830;
	[dreg:$0xc] =	wrdreg s7  }
0x43: {  	s17 =	simm.s32 $0x8B0;
	s18 =	simm.s32 $0x930;
	[smem:$0x7FB] =	sst s24  }
0x44: {  	s19 =	simm.s32 $0x840;
	s20 =	simm.s32 $0x8C0;
	[smem:$0x7FC] =	sst s25  }
0x45: {  	s21 =	simm.s32 $0x940;
	s23 =	simm.s32 $0x370;
	[smem:$0x7FD] =	sst s26  }
0x46: {  	s22 =	simm.s32 $0x850;
	s5 =	simm.s32 $0x490;
	[dreg:$0x1c] =	wrdreg s23  }
0x47: {  	s6 =	simm.s32 $0x510;
	s7 =	simm.s32 $0x420;
	[smem:$0x7D2] =	sst s5  }
0x48: {  	s3 =	sadd.s32 $0x400, s1;
	s4 =	smax.u32 s4, $0x1;
	[smem:$0x7D3] =	sst s6  }
0x49: {  	s24 =	simm.s32 $0x950;
	[smem:$0x7D4] =	sst s7;
	s23 =	simm.s32 $0x4F0  }
0x4a: {  	s25 =	simm.s32 $0x860;
	s5 =	simm.s32 $0x610;
	[smem:$0x7E4] =	sst s23  }
0x4b: {  	s26 =	simm.s32 $0x8E0;
	s6 =	simm.s32 $0x690;
	[smem:$0x7E9] =	sst s5  }
0x4c: {  	s1 =	simm.s32 $0x1;
	s7 =	simm.s32 $0x710;
	[smem:$0x7EA] =	sst s6  }
0x4d: {  	[smem:$0x7EB] =	sst s7;
	s23 =	simm.s32 $0x760;
	s5 =	simm.s32 $0x2  }
0x4e: {  	vm0 =	vmmov $0xffff;
	s6 =	simm.s32 $0x200;
	[smem:$0x7FA] =	sst s23;
	s23 =	simm.s32 $0x8D0  }
.LBB2_1:
0x4f: {  	s0 =	rddreg [dreg:$0x4]  }
0x50: {  	[tilespmem:s2], [sflag:$0x2] =	stream.linear.gather [hbm4b:s0+s2], $0x200, $0x38;
	[tilespmem:$0xA00] =	vst v63  }
0x51: {  	_ =	swait.ge [sflag:s5], $0x200  }
0x52: {  	[sflag:s5] =	ssyncset.done $0x0  }
0x53: {  	[sflag:s5] =	ssyncadd.s32 $0xFFFFFE00  }
0x54: {  	v0 =	vld [tilespmem:$0x0];
	_ =	sdelay $0x4  }
0x55: {  	v1 =	vadd.s32 $0xF4240, v0;
	_ =	sdelay $0x1  }
0x56: {  	v2 =	vadd.s32 $0x1E8480, v0  }
0x57: {  	[tilespmem:s6], [sflag:$0x1] =	stream.indirect_vreg.gather [hbm4b:s3+s2], $0x1, v0, vm0, $0xb8;
	[tilespmem:$0xA00] =	vst v63  }
0x58: {  	s0 =	rddreg [dreg:$0x6]  }
0x59: {  	[tilespmem:s0], [sflag:$0x1] =	stream.indirect_vreg.gather [hbm4b:s3+s2], $0x1, v1, vm0, $0xb8;
	[tilespmem:$0xA00] =	vst v63  }
0x5a: {  	s7 =	rddreg [dreg:$0x7]  }
0x5b: {  	[tilespmem:s7], [sflag:$0x1] =	stream.indirect_vreg.gather [hbm4b:s3+s2], $0x1, v2, vm0, $0xb8;
	[tilespmem:$0xA00] =	vst v63  }
0x5c: {  	v0 =	vld [tilespmem:$0x10];
	_ =	sdelay $0x4  }
0x5d: {  	v62 =	vadd.s32 $0xF4240, v0;
	_ =	sdelay $0x1  }
0x5e: {  	s0 =	rddreg [dreg:$0x8];
	v63 =	vadd.s32 $0x1E8480, v0  }
0x5f: {  	[tilespmem:s0], [sflag:$0x1] =	stream.indirect_vreg.gather [hbm4b:s3+s2], $0x1, v0, vm0, $0xb8;
	[tilespmem:$0xA00] =	vst v63  }
0x60: {  	s7 =	rddreg [dreg:$0x9]  }
0x61: {  	[tilespmem:s7], [sflag:$0x1] =	stream.indirect_vreg.gather [hbm4b:s3+s2], $0x1, v62, vm0, $0xb8;
	[tilespmem:$0xA00] =	vst v63  }
0x62: {  	s0 =	rddreg [dreg:$0xa]  }
0x63: {  	[tilespmem:s0], [sflag:$0x1] =	stream.indirect_vreg.gather [hbm4b:s3+s2], $0x1, v63, vm0, $0xb8;
	[tilespmem:$0xA00] =	vst v63  }
0x64: {  	v0 =	vld [tilespmem:$0x20];
	_ =	sdelay $0x4  }
0x65: {  	v4 =	vadd.s32 $0xF4240, v0;
	_ =	sdelay $0x1  }
0x66: {  	s0 =	rddreg [dreg:$0xb];
	v5 =	vadd.s32 $0x1E8480, v0  }
0x67: {  	[tilespmem:s0], [sflag:$0x1] =	stream.indirect_vreg.gather [hbm4b:s3+s2], $0x1, v0, vm0, $0xb8;
	[tilespmem:$0xA00] =	vst v63  }
0x68: {  	s7 =	rddreg [dreg:$0xc]  }
0x69: {  	[tilespmem:s7], [sflag:$0x1] =	stream.indirect_vreg.gather [hbm4b:s3+s2], $0x1, v4, vm0, $0xb8;
	[tilespmem:$0xA00] =	vst v63  }
0x6a: {  	s0 =	rddreg [dreg:$0xd]  }
0x6b: {  	[tilespmem:s0], [sflag:$0x1] =	stream.indirect_vreg.gather [hbm4b:s3+s2], $0x1, v5, vm0, $0xb8;
	[tilespmem:$0xA00] =	vst v63  }
0x6c: {  	v0 =	vld [tilespmem:$0x30];
	_ =	sdelay $0x4  }
0x6d: {  	v6 =	vadd.s32 $0xF4240, v0;
	_ =	sdelay $0x1  }
0x6e: {  	s0 =	rddreg [dreg:$0xe];
	v7 =	vadd.s32 $0x1E8480, v0  }
0x6f: {  	[tilespmem:s0], [sflag:$0x1] =	stream.indirect_vreg.gather [hbm4b:s3+s2], $0x1, v0, vm0, $0xb8;
	[tilespmem:$0xA00] =	vst v63  }
0x70: {  	s7 =	rddreg [dreg:$0xf]  }
0x71: {  	[tilespmem:s7], [sflag:$0x1] =	stream.indirect_vreg.gather [hbm4b:s3+s2], $0x1, v6, vm0, $0xb8;
	[tilespmem:$0xA00] =	vst v63  }
0x72: {  	s0 =	rddreg [dreg:$0x10]  }
0x73: {  	[tilespmem:s0], [sflag:$0x1] =	stream.indirect_vreg.gather [hbm4b:s3+s2], $0x1, v7, vm0, $0xb8;
	[tilespmem:$0xA00] =	vst v63  }
0x74: {  	v0 =	vld [tilespmem:$0x40];
	_ =	sdelay $0x4  }
0x75: {  	v8 =	vadd.s32 $0xF4240, v0;
	_ =	sdelay $0x1  }
0x76: {  	s0 =	rddreg [dreg:$0x11];
	v9 =	vadd.s32 $0x1E8480, v0  }
0x77: {  	[tilespmem:s0], [sflag:$0x1] =	stream.indirect_vreg.gather [hbm4b:s3+s2], $0x1, v0, vm0, $0xb8;
	[tilespmem:$0xA00] =	vst v63  }
0x78: {  	s7 =	rddreg [dreg:$0x12]  }
0x79: {  	[tilespmem:s7], [sflag:$0x1] =	stream.indirect_vreg.gather [hbm4b:s3+s2], $0x1, v8, vm0, $0xb8;
	[tilespmem:$0xA00] =	vst v63  }
0x7a: {  	s0 =	rddreg [dreg:$0x13]  }
0x7b: {  	[tilespmem:s0], [sflag:$0x1] =	stream.indirect_vreg.gather [hbm4b:s3+s2], $0x1, v9, vm0, $0xb8;
	[tilespmem:$0xA00] =	vst v63  }
0x7c: {  	v0 =	vld [tilespmem:$0x50];
	_ =	sdelay $0x4  }
0x7d: {  	v10 =	vadd.s32 $0xF4240, v0;
	_ =	sdelay $0x1  }
0x7e: {  	s0 =	rddreg [dreg:$0x14];
	v11 =	vadd.s32 $0x1E8480, v0  }
0x7f: {  	[tilespmem:s0], [sflag:$0x1] =	stream.indirect_vreg.gather [hbm4b:s3+s2], $0x1, v0, vm0, $0xb8;
	[tilespmem:$0xA00] =	vst v63  }
0x80: {  	s7 =	rddreg [dreg:$0x15]  }
0x81: {  	[tilespmem:s7], [sflag:$0x1] =	stream.indirect_vreg.gather [hbm4b:s3+s2], $0x1, v10, vm0, $0xb8;
	[tilespmem:$0xA00] =	vst v63  }
0x82: {  	s0 =	rddreg [dreg:$0x16]  }
0x83: {  	[tilespmem:s0], [sflag:$0x1] =	stream.indirect_vreg.gather [hbm4b:s3+s2], $0x1, v11, vm0, $0xb8;
	[tilespmem:$0xA00] =	vst v63  }
0x84: {  	v0 =	vld [tilespmem:$0x60];
	_ =	sdelay $0x4  }
0x85: {  	v12 =	vadd.s32 $0xF4240, v0;
	_ =	sdelay $0x1  }
0x86: {  	s0 =	rddreg [dreg:$0x17];
	v13 =	vadd.s32 $0x1E8480, v0  }
0x87: {  	[tilespmem:s0], [sflag:$0x1] =	stream.indirect_vreg.gather [hbm4b:s3+s2], $0x1, v0, vm0, $0xb8;
	[tilespmem:$0xA00] =	vst v63  }
0x88: {  	s7 =	rddreg [dreg:$0x18]  }
0x89: {  	[tilespmem:s7], [sflag:$0x1] =	stream.indirect_vreg.gather [hbm4b:s3+s2], $0x1, v12, vm0, $0xb8;
	[tilespmem:$0xA00] =	vst v63  }
0x8a: {  	s0 =	rddreg [dreg:$0x19]  }
0x8b: {  	[tilespmem:s0], [sflag:$0x1] =	stream.indirect_vreg.gather [hbm4b:s3+s2], $0x1, v13, vm0, $0xb8;
	[tilespmem:$0xA00] =	vst v63  }
0x8c: {  	v0 =	vld [tilespmem:$0x70];
	_ =	sdelay $0x4  }
0x8d: {  	v14 =	vadd.s32 $0xF4240, v0;
	_ =	sdelay $0x1  }
0x8e: {  	s0 =	rddreg [dreg:$0x1a];
	v15 =	vadd.s32 $0x1E8480, v0  }
0x8f: {  	[tilespmem:s0], [sflag:$0x1] =	stream.indirect_vreg.gather [hbm4b:s3+s2], $0x1, v0, vm0, $0xb8;
	[tilespmem:$0xA00] =	vst v63  }
0x90: {  	s7 =	rddreg [dreg:$0x1b]  }
0x91: {  	[tilespmem:s7], [sflag:$0x1] =	stream.indirect_vreg.gather [hbm4b:s3+s2], $0x1, v14, vm0, $0xb8;
	[tilespmem:$0xA00] =	vst v63  }
0x92: {  	s0 =	rddreg [dreg:$0x1c]  }
0x93: {  	[tilespmem:s0], [sflag:$0x1] =	stream.indirect_vreg.gather [hbm4b:s3+s2], $0x1, v15, vm0, $0xb8;
	[tilespmem:$0xA00] =	vst v63  }
0x94: {  	v0 =	vld [tilespmem:$0x80];
	_ =	sdelay $0x4  }
0x95: {  	v16 =	vadd.s32 $0xF4240, v0;
	_ =	sdelay $0x1  }
0x96: {  	s0 =	rddreg [dreg:$0x1d];
	v17 =	vadd.s32 $0x1E8480, v0  }
0x97: {  	[tilespmem:s0], [sflag:$0x1] =	stream.indirect_vreg.gather [hbm4b:s3+s2], $0x1, v0, vm0, $0xb8;
	[tilespmem:$0xA00] =	vst v63  }
0x98: {  	s7 =	rddreg [dreg:$0x1e]  }
0x99: {  	[tilespmem:s7], [sflag:$0x1] =	stream.indirect_vreg.gather [hbm4b:s3+s2], $0x1, v16, vm0, $0xb8;
	[tilespmem:$0xA00] =	vst v63  }
0x9a: {  	s0 =	rddreg [dreg:$0x1f]  }
0x9b: {  	[tilespmem:s0], [sflag:$0x1] =	stream.indirect_vreg.gather [hbm4b:s3+s2], $0x1, v17, vm0, $0xb8;
	[tilespmem:$0xA00] =	vst v63  }
0x9c: {  	v0 =	vld [tilespmem:$0x90];
	_ =	sdelay $0x4  }
0x9d: {  	s0 =	sld [smem:$0x7D1];
	v18 =	vadd.s32 $0xF4240, v0;
	_ =	sdelay $0x1  }
0x9e: {  	s7 =	sld [smem:$0x7D2];
	v19 =	vadd.s32 $0x1E8480, v0  }
0x9f: {  	[tilespmem:s0], [sflag:$0x1] =	stream.indirect_vreg.gather [hbm4b:s3+s2], $0x1, v0, vm0, $0xb8;
	[tilespmem:$0xA00] =	vst v63  }
0xa0: {  	s0 =	sld [smem:$0x7D3]  }
0xa1: {  	[tilespmem:s7], [sflag:$0x1] =	stream.indirect_vreg.gather [hbm4b:s3+s2], $0x1, v18, vm0, $0xb8;
	[tilespmem:$0xA00] =	vst v63  }
0xa2: {  	_ = 	snop  }
0xa3: {  	[tilespmem:s0], [sflag:$0x1] =	stream.indirect_vreg.gather [hbm4b:s3+s2], $0x1, v19, vm0, $0xb8;
	[tilespmem:$0xA00] =	vst v63  }
0xa4: {  	v0 =	vld [tilespmem:$0xA0];
	_ =	sdelay $0x4  }
0xa5: {  	s0 =	sld [smem:$0x7D4];
	v20 =	vadd.s32 $0xF4240, v0;
	_ =	sdelay $0x1  }
0xa6: {  	s7 =	sld [smem:$0x7D5];
	v21 =	vadd.s32 $0x1E8480, v0  }
0xa7: {  	[tilespmem:s0], [sflag:$0x1] =	stream.indirect_vreg.gather [hbm4b:s3+s2], $0x1, v0, vm0, $0xb8;
	[tilespmem:$0xA00] =	vst v63  }
0xa8: {  	s0 =	sld [smem:$0x7D6]  }
0xa9: {  	[tilespmem:s7], [sflag:$0x1] =	stream.indirect_vreg.gather [hbm4b:s3+s2], $0x1, v20, vm0, $0xb8;
	[tilespmem:$0xA00] =	vst v63  }
0xaa: {  	_ = 	snop  }
0xab: {  	[tilespmem:s0], [sflag:$0x1] =	stream.indirect_vreg.gather [hbm4b:s3+s2], $0x1, v21, vm0, $0xb8;
	[tilespmem:$0xA00] =	vst v63  }
0xac: {  	v0 =	vld [tilespmem:$0xB0];
	_ =	sdelay $0x4  }
0xad: {  	s0 =	sld [smem:$0x7D7];
	v22 =	vadd.s32 $0xF4240, v0;
	_ =	sdelay $0x1  }
0xae: {  	s7 =	sld [smem:$0x7D8];
	v23 =	vadd.s32 $0x1E8480, v0  }
0xaf: {  	[tilespmem:s0], [sflag:$0x1] =	stream.indirect_vreg.gather [hbm4b:s3+s2], $0x1, v0, vm0, $0xb8;
	[tilespmem:$0xA00] =	vst v63  }
0xb0: {  	s0 =	sld [smem:$0x7D9]  }
0xb1: {  	[tilespmem:s7], [sflag:$0x1] =	stream.indirect_vreg.gather [hbm4b:s3+s2], $0x1, v22, vm0, $0xb8;
	[tilespmem:$0xA00] =	vst v63  }
0xb2: {  	_ = 	snop  }
0xb3: {  	[tilespmem:s0], [sflag:$0x1] =	stream.indirect_vreg.gather [hbm4b:s3+s2], $0x1, v23, vm0, $0xb8;
	[tilespmem:$0xA00] =	vst v63  }
0xb4: {  	v0 =	vld [tilespmem:$0xC0];
	_ =	sdelay $0x4  }
0xb5: {  	s0 =	sld [smem:$0x7DA];
	v24 =	vadd.s32 $0xF4240, v0;
	_ =	sdelay $0x1  }
0xb6: {  	s7 =	sld [smem:$0x7DB];
	v25 =	vadd.s32 $0x1E8480, v0  }
0xb7: {  	[tilespmem:s0], [sflag:$0x1] =	stream.indirect_vreg.gather [hbm4b:s3+s2], $0x1, v0, vm0, $0xb8;
	[tilespmem:$0xA00] =	vst v63  }
0xb8: {  	s0 =	sld [smem:$0x7DC]  }
0xb9: {  	[tilespmem:s7], [sflag:$0x1] =	stream.indirect_vreg.gather [hbm4b:s3+s2], $0x1, v24, vm0, $0xb8;
	[tilespmem:$0xA00] =	vst v63  }
0xba: {  	_ = 	snop  }
0xbb: {  	[tilespmem:s0], [sflag:$0x1] =	stream.indirect_vreg.gather [hbm4b:s3+s2], $0x1, v25, vm0, $0xb8;
	[tilespmem:$0xA00] =	vst v63  }
0xbc: {  	v0 =	vld [tilespmem:$0xD0];
	_ =	sdelay $0x4  }
0xbd: {  	s0 =	sld [smem:$0x7DD];
	v26 =	vadd.s32 $0xF4240, v0;
	_ =	sdelay $0x1  }
0xbe: {  	s7 =	sld [smem:$0x7DE];
	v27 =	vadd.s32 $0x1E8480, v0  }
0xbf: {  	[tilespmem:s0], [sflag:$0x1] =	stream.indirect_vreg.gather [hbm4b:s3+s2], $0x1, v0, vm0, $0xb8;
	[tilespmem:$0xA00] =	vst v63  }
0xc0: {  	s0 =	sld [smem:$0x7DF]  }
0xc1: {  	[tilespmem:s7], [sflag:$0x1] =	stream.indirect_vreg.gather [hbm4b:s3+s2], $0x1, v26, vm0, $0xb8;
	[tilespmem:$0xA00] =	vst v63  }
0xc2: {  	_ = 	snop  }
0xc3: {  	[tilespmem:s0], [sflag:$0x1] =	stream.indirect_vreg.gather [hbm4b:s3+s2], $0x1, v27, vm0, $0xb8;
	[tilespmem:$0xA00] =	vst v63  }
0xc4: {  	v0 =	vld [tilespmem:$0xE0];
	_ =	sdelay $0x4  }
0xc5: {  	s0 =	sld [smem:$0x7E0];
	v28 =	vadd.s32 $0xF4240, v0;
	_ =	sdelay $0x1  }
0xc6: {  	s7 =	sld [smem:$0x7E1];
	v29 =	vadd.s32 $0x1E8480, v0  }
0xc7: {  	[tilespmem:s0], [sflag:$0x1] =	stream.indirect_vreg.gather [hbm4b:s3+s2], $0x1, v0, vm0, $0xb8;
	[tilespmem:$0xA00] =	vst v63  }
0xc8: {  	s0 =	sld [smem:$0x7E2]  }
0xc9: {  	[tilespmem:s7], [sflag:$0x1] =	stream.indirect_vreg.gather [hbm4b:s3+s2], $0x1, v28, vm0, $0xb8;
	[tilespmem:$0xA00] =	vst v63  }
0xca: {  	_ = 	snop  }
0xcb: {  	[tilespmem:s0], [sflag:$0x1] =	stream.indirect_vreg.gather [hbm4b:s3+s2], $0x1, v29, vm0, $0xb8;
	[tilespmem:$0xA00] =	vst v63  }
0xcc: {  	v0 =	vld [tilespmem:$0xF0];
	_ =	sdelay $0x4  }
0xcd: {  	s0 =	sld [smem:$0x7E3];
	v30 =	vadd.s32 $0xF4240, v0;
	_ =	sdelay $0x1  }
0xce: {  	s7 =	sld [smem:$0x7E4];
	v31 =	vadd.s32 $0x1E8480, v0  }
0xcf: {  	[tilespmem:s0], [sflag:$0x1] =	stream.indirect_vreg.gather [hbm4b:s3+s2], $0x1, v0, vm0, $0xb8;
	[tilespmem:$0xA00] =	vst v63  }
0xd0: {  	s0 =	sld [smem:$0x7E5]  }
0xd1: {  	[tilespmem:s7], [sflag:$0x1] =	stream.indirect_vreg.gather [hbm4b:s3+s2], $0x1, v30, vm0, $0xb8;
	[tilespmem:$0xA00] =	vst v63  }
0xd2: {  	_ = 	snop  }
0xd3: {  	[tilespmem:s0], [sflag:$0x1] =	stream.indirect_vreg.gather [hbm4b:s3+s2], $0x1, v31, vm0, $0xb8;
	[tilespmem:$0xA00] =	vst v63  }
0xd4: {  	v0 =	vld [tilespmem:$0x100];
	_ =	sdelay $0x4  }
0xd5: {  	s0 =	sld [smem:$0x7E6];
	v32 =	vadd.s32 $0xF4240, v0;
	_ =	sdelay $0x1  }
0xd6: {  	s7 =	sld [smem:$0x7E7];
	v33 =	vadd.s32 $0x1E8480, v0  }
0xd7: {  	[tilespmem:s0], [sflag:$0x1] =	stream.indirect_vreg.gather [hbm4b:s3+s2], $0x1, v0, vm0, $0xb8;
	[tilespmem:$0xA00] =	vst v63  }
0xd8: {  	s0 =	sld [smem:$0x7E8]  }
0xd9: {  	[tilespmem:s7], [sflag:$0x1] =	stream.indirect_vreg.gather [hbm4b:s3+s2], $0x1, v32, vm0, $0xb8;
	[tilespmem:$0xA00] =	vst v63  }
0xda: {  	_ = 	snop  }
0xdb: {  	[tilespmem:s0], [sflag:$0x1] =	stream.indirect_vreg.gather [hbm4b:s3+s2], $0x1, v33, vm0, $0xb8;
	[tilespmem:$0xA00] =	vst v63  }
0xdc: {  	v0 =	vld [tilespmem:$0x110];
	_ =	sdelay $0x4  }
0xdd: {  	s0 =	sld [smem:$0x7E9];
	v34 =	vadd.s32 $0xF4240, v0;
	_ =	sdelay $0x1  }
0xde: {  	s7 =	sld [smem:$0x7EA];
	v35 =	vadd.s32 $0x1E8480, v0  }
0xdf: {  	[tilespmem:s0], [sflag:$0x1] =	stream.indirect_vreg.gather [hbm4b:s3+s2], $0x1, v0, vm0, $0xb8;
	[tilespmem:$0xA00] =	vst v63  }
0xe0: {  	s0 =	sld [smem:$0x7EB]  }
0xe1: {  	[tilespmem:s7], [sflag:$0x1] =	stream.indirect_vreg.gather [hbm4b:s3+s2], $0x1, v34, vm0, $0xb8;
	[tilespmem:$0xA00] =	vst v63  }
0xe2: {  	_ = 	snop  }
0xe3: {  	[tilespmem:s0], [sflag:$0x1] =	stream.indirect_vreg.gather [hbm4b:s3+s2], $0x1, v35, vm0, $0xb8;
	[tilespmem:$0xA00] =	vst v63  }
0xe4: {  	v0 =	vld [tilespmem:$0x120];
	_ =	sdelay $0x4  }
0xe5: {  	s0 =	sld [smem:$0x7EC];
	v36 =	vadd.s32 $0xF4240, v0;
	_ =	sdelay $0x1  }
0xe6: {  	s7 =	sld [smem:$0x7ED];
	v37 =	vadd.s32 $0x1E8480, v0  }
0xe7: {  	[tilespmem:s0], [sflag:$0x1] =	stream.indirect_vreg.gather [hbm4b:s3+s2], $0x1, v0, vm0, $0xb8;
	[tilespmem:$0xA00] =	vst v63  }
0xe8: {  	s0 =	sld [smem:$0x7EE]  }
0xe9: {  	[tilespmem:s7], [sflag:$0x1] =	stream.indirect_vreg.gather [hbm4b:s3+s2], $0x1, v36, vm0, $0xb8;
	[tilespmem:$0xA00] =	vst v63  }
0xea: {  	_ = 	snop  }
0xeb: {  	[tilespmem:s0], [sflag:$0x1] =	stream.indirect_vreg.gather [hbm4b:s3+s2], $0x1, v37, vm0, $0xb8;
	[tilespmem:$0xA00] =	vst v63  }
0xec: {  	v0 =	vld [tilespmem:$0x130];
	_ =	sdelay $0x4  }
0xed: {  	s0 =	sld [smem:$0x7EF];
	v38 =	vadd.s32 $0xF4240, v0;
	_ =	sdelay $0x1  }
0xee: {  	s7 =	sld [smem:$0x7F0];
	v39 =	vadd.s32 $0x1E8480, v0  }
0xef: {  	[tilespmem:s0], [sflag:$0x1] =	stream.indirect_vreg.gather [hbm4b:s3+s2], $0x1, v0, vm0, $0xb8;
	[tilespmem:$0xA00] =	vst v63  }
0xf0: {  	s0 =	sld [smem:$0x7F1]  }
0xf1: {  	[tilespmem:s7], [sflag:$0x1] =	stream.indirect_vreg.gather [hbm4b:s3+s2], $0x1, v38, vm0, $0xb8;
	[tilespmem:$0xA00] =	vst v63  }
0xf2: {  	_ = 	snop  }
0xf3: {  	[tilespmem:s0], [sflag:$0x1] =	stream.indirect_vreg.gather [hbm4b:s3+s2], $0x1, v39, vm0, $0xb8;
	[tilespmem:$0xA00] =	vst v63  }
0xf4: {  	v0 =	vld [tilespmem:$0x140];
	_ =	sdelay $0x4  }
0xf5: {  	s0 =	sld [smem:$0x7F2];
	v40 =	vadd.s32 $0xF4240, v0;
	_ =	sdelay $0x1  }
0xf6: {  	s7 =	sld [smem:$0x7F3];
	v41 =	vadd.s32 $0x1E8480, v0  }
0xf7: {  	[tilespmem:s0], [sflag:$0x1] =	stream.indirect_vreg.gather [hbm4b:s3+s2], $0x1, v0, vm0, $0xb8;
	[tilespmem:$0xA00] =	vst v63  }
0xf8: {  	s0 =	sld [smem:$0x7F4]  }
0xf9: {  	[tilespmem:s7], [sflag:$0x1] =	stream.indirect_vreg.gather [hbm4b:s3+s2], $0x1, v40, vm0, $0xb8;
	[tilespmem:$0xA00] =	vst v63  }
0xfa: {  	_ = 	snop  }
0xfb: {  	[tilespmem:s0], [sflag:$0x1] =	stream.indirect_vreg.gather [hbm4b:s3+s2], $0x1, v41, vm0, $0xb8;
	[tilespmem:$0xA00] =	vst v63  }
0xfc: {  	v0 =	vld [tilespmem:$0x150];
	_ =	sdelay $0x4  }
0xfd: {  	s0 =	sld [smem:$0x7F5];
	v42 =	vadd.s32 $0xF4240, v0;
	_ =	sdelay $0x1  }
0xfe: {  	s7 =	sld [smem:$0x7F6];
	v43 =	vadd.s32 $0x1E8480, v0  }
0xff: {  	[tilespmem:s0], [sflag:$0x1] =	stream.indirect_vreg.gather [hbm4b:s3+s2], $0x1, v0, vm0, $0xb8;
	[tilespmem:$0xA00] =	vst v63  }
0x100: {  	s0 =	sld [smem:$0x7F7]  }
0x101: {  	[tilespmem:s7], [sflag:$0x1] =	stream.indirect_vreg.gather [hbm4b:s3+s2], $0x1, v42, vm0, $0xb8;
	[tilespmem:$0xA00] =	vst v63  }
0x102: {  	_ = 	snop  }
0x103: {  	[tilespmem:s0], [sflag:$0x1] =	stream.indirect_vreg.gather [hbm4b:s3+s2], $0x1, v43, vm0, $0xb8;
	[tilespmem:$0xA00] =	vst v63  }
0x104: {  	v0 =	vld [tilespmem:$0x160];
	_ =	sdelay $0x4  }
0x105: {  	s0 =	sld [smem:$0x7F8];
	v44 =	vadd.s32 $0xF4240, v0;
	_ =	sdelay $0x1  }
0x106: {  	s7 =	sld [smem:$0x7F9];
	v45 =	vadd.s32 $0x1E8480, v0  }
0x107: {  	[tilespmem:s0], [sflag:$0x1] =	stream.indirect_vreg.gather [hbm4b:s3+s2], $0x1, v0, vm0, $0xb8;
	[tilespmem:$0xA00] =	vst v63  }
0x108: {  	s0 =	sld [smem:$0x7FA]  }
0x109: {  	[tilespmem:s7], [sflag:$0x1] =	stream.indirect_vreg.gather [hbm4b:s3+s2], $0x1, v44, vm0, $0xb8;
	[tilespmem:$0xA00] =	vst v63  }
0x10a: {  	_ = 	snop  }
0x10b: {  	[tilespmem:s0], [sflag:$0x1] =	stream.indirect_vreg.gather [hbm4b:s3+s2], $0x1, v45, vm0, $0xb8;
	[tilespmem:$0xA00] =	vst v63  }
0x10c: {  	v0 =	vld [tilespmem:$0x170];
	_ =	sdelay $0x4  }
0x10d: {  	s0 =	sld [smem:$0x7FB];
	v46 =	vadd.s32 $0xF4240, v0;
	_ =	sdelay $0x1  }
0x10e: {  	s7 =	sld [smem:$0x7FC];
	v47 =	vadd.s32 $0x1E8480, v0  }
0x10f: {  	[tilespmem:s0], [sflag:$0x1] =	stream.indirect_vreg.gather [hbm4b:s3+s2], $0x1, v0, vm0, $0xb8;
	[tilespmem:$0xA00] =	vst v63  }
0x110: {  	s0 =	sld [smem:$0x7FD]  }
0x111: {  	[tilespmem:s7], [sflag:$0x1] =	stream.indirect_vreg.gather [hbm4b:s3+s2], $0x1, v46, vm0, $0xb8;
	[tilespmem:$0xA00] =	vst v63  }
0x112: {  	_ = 	snop  }
0x113: {  	[tilespmem:s0], [sflag:$0x1] =	stream.indirect_vreg.gather [hbm4b:s3+s2], $0x1, v47, vm0, $0xb8;
	[tilespmem:$0xA00] =	vst v63  }
0x114: {  	v0 =	vld [tilespmem:$0x180];
	_ =	sdelay $0x4  }
0x115: {  	v48 =	vadd.s32 $0xF4240, v0;
	_ =	sdelay $0x1  }
0x116: {  	s7 =	simm.s32 $0x800;
	v49 =	vadd.s32 $0x1E8480, v0  }
0x117: {  	[tilespmem:s7], [sflag:$0x1] =	stream.indirect_vreg.gather [hbm4b:s3+s2], $0x1, v0, vm0, $0xb8;
	[tilespmem:$0xA00] =	vst v63  }
0x118: {  	_ = 	snop  }
0x119: {  	[tilespmem:s8], [sflag:$0x1] =	stream.indirect_vreg.gather [hbm4b:s3+s2], $0x1, v48, vm0, $0xb8;
	[tilespmem:$0xA00] =	vst v63  }
0x11a: {  	_ = 	snop  }
0x11b: {  	[tilespmem:s9], [sflag:$0x1] =	stream.indirect_vreg.gather [hbm4b:s3+s2], $0x1, v49, vm0, $0xb8;
	[tilespmem:$0xA00] =	vst v63  }
0x11c: {  	v0 =	vld [tilespmem:$0x190];
	_ =	sdelay $0x4  }
0x11d: {  	v50 =	vadd.s32 $0xF4240, v0;
	_ =	sdelay $0x1  }
0x11e: {  	v51 =	vadd.s32 $0x1E8480, v0  }
0x11f: {  	[tilespmem:s10], [sflag:$0x1] =	stream.indirect_vreg.gather [hbm4b:s3+s2], $0x1, v0, vm0, $0xb8;
	[tilespmem:$0xA00] =	vst v63  }
0x120: {  	_ = 	snop  }
0x121: {  	[tilespmem:s11], [sflag:$0x1] =	stream.indirect_vreg.gather [hbm4b:s3+s2], $0x1, v50, vm0, $0xb8;
	[tilespmem:$0xA00] =	vst v63  }
0x122: {  	_ = 	snop  }
0x123: {  	[tilespmem:s12], [sflag:$0x1] =	stream.indirect_vreg.gather [hbm4b:s3+s2], $0x1, v51, vm0, $0xb8;
	[tilespmem:$0xA00] =	vst v63  }
0x124: {  	v0 =	vld [tilespmem:$0x1A0];
	_ =	sdelay $0x4  }
0x125: {  	v52 =	vadd.s32 $0xF4240, v0;
	_ =	sdelay $0x1  }
0x126: {  	v53 =	vadd.s32 $0x1E8480, v0  }
0x127: {  	[tilespmem:s13], [sflag:$0x1] =	stream.indirect_vreg.gather [hbm4b:s3+s2], $0x1, v0, vm0, $0xb8;
	[tilespmem:$0xA00] =	vst v63  }
0x128: {  	_ = 	snop  }
0x129: {  	[tilespmem:s14], [sflag:$0x1] =	stream.indirect_vreg.gather [hbm4b:s3+s2], $0x1, v52, vm0, $0xb8;
	[tilespmem:$0xA00] =	vst v63  }
0x12a: {  	_ = 	snop  }
0x12b: {  	[tilespmem:s15], [sflag:$0x1] =	stream.indirect_vreg.gather [hbm4b:s3+s2], $0x1, v53, vm0, $0xb8;
	[tilespmem:$0xA00] =	vst v63  }
0x12c: {  	v0 =	vld [tilespmem:$0x1B0];
	_ =	sdelay $0x4  }
0x12d: {  	v54 =	vadd.s32 $0xF4240, v0;
	_ =	sdelay $0x1  }
0x12e: {  	v55 =	vadd.s32 $0x1E8480, v0  }
0x12f: {  	[tilespmem:s16], [sflag:$0x1] =	stream.indirect_vreg.gather [hbm4b:s3+s2], $0x1, v0, vm0, $0xb8;
	[tilespmem:$0xA00] =	vst v63  }
0x130: {  	_ = 	snop  }
0x131: {  	[tilespmem:s17], [sflag:$0x1] =	stream.indirect_vreg.gather [hbm4b:s3+s2], $0x1, v54, vm0, $0xb8;
	[tilespmem:$0xA00] =	vst v63  }
0x132: {  	_ = 	snop  }
0x133: {  	[tilespmem:s18], [sflag:$0x1] =	stream.indirect_vreg.gather [hbm4b:s3+s2], $0x1, v55, vm0, $0xb8;
	[tilespmem:$0xA00] =	vst v63  }
0x134: {  	v0 =	vld [tilespmem:$0x1C0];
	_ =	sdelay $0x4  }
0x135: {  	v56 =	vadd.s32 $0xF4240, v0;
	_ =	sdelay $0x1  }
0x136: {  	v57 =	vadd.s32 $0x1E8480, v0  }
0x137: {  	[tilespmem:s19], [sflag:$0x1] =	stream.indirect_vreg.gather [hbm4b:s3+s2], $0x1, v0, vm0, $0xb8;
	[tilespmem:$0xA00] =	vst v63  }
0x138: {  	_ = 	snop  }
0x139: {  	[tilespmem:s20], [sflag:$0x1] =	stream.indirect_vreg.gather [hbm4b:s3+s2], $0x1, v56, vm0, $0xb8;
	[tilespmem:$0xA00] =	vst v63  }
0x13a: {  	_ = 	snop  }
0x13b: {  	[tilespmem:s21], [sflag:$0x1] =	stream.indirect_vreg.gather [hbm4b:s3+s2], $0x1, v57, vm0, $0xb8;
	[tilespmem:$0xA00] =	vst v63  }
0x13c: {  	v0 =	vld [tilespmem:$0x1D0];
	_ =	sdelay $0x4  }
0x13d: {  	v58 =	vadd.s32 $0xF4240, v0;
	_ =	sdelay $0x1  }
0x13e: {  	v59 =	vadd.s32 $0x1E8480, v0  }
0x13f: {  	[tilespmem:s22], [sflag:$0x1] =	stream.indirect_vreg.gather [hbm4b:s3+s2], $0x1, v0, vm0, $0xb8;
	[tilespmem:$0xA00] =	vst v63  }
0x140: {  	_ = 	snop  }
0x141: {  	[tilespmem:s23], [sflag:$0x1] =	stream.indirect_vreg.gather [hbm4b:s3+s2], $0x1, v58, vm0, $0xb8;
	[tilespmem:$0xA00] =	vst v63  }
0x142: {  	_ = 	snop  }
0x143: {  	[tilespmem:s24], [sflag:$0x1] =	stream.indirect_vreg.gather [hbm4b:s3+s2], $0x1, v59, vm0, $0xb8;
	[tilespmem:$0xA00] =	vst v63  }
0x144: {  	v0 =	vld [tilespmem:$0x1E0];
	_ =	sdelay $0x4  }
0x145: {  	v60 =	vadd.s32 $0xF4240, v0;
	_ =	sdelay $0x1  }
0x146: {  	v61 =	vadd.s32 $0x1E8480, v0  }
0x147: {  	[tilespmem:s25], [sflag:$0x1] =	stream.indirect_vreg.gather [hbm4b:s3+s2], $0x1, v0, vm0, $0xb8;
	[tilespmem:$0xA00] =	vst v63  }
0x148: {  	_ = 	snop  }
0x149: {  	[tilespmem:s26], [sflag:$0x1] =	stream.indirect_vreg.gather [hbm4b:s3+s2], $0x1, v60, vm0, $0xb8;
	[tilespmem:$0xA00] =	vst v63  }
0x14a: {  	_ = 	snop  }
0x14b: {  	[tilespmem:s28], [sflag:$0x1] =	stream.indirect_vreg.gather [hbm4b:s3+s2], $0x1, v61, vm0, $0xb8;
	[tilespmem:$0xA00] =	vst v63  }
0x14c: {  	v0 =	vld [tilespmem:$0x1F0];
	_ =	sdelay $0x4  }
0x14d: {  	v62 =	vadd.s32 $0xF4240, v0;
	_ =	sdelay $0x1  }
0x14e: {  	v63 =	vadd.s32 $0x1E8480, v0  }
0x14f: {  	[tilespmem:s29], [sflag:$0x1] =	stream.indirect_vreg.gather [hbm4b:s3+s2], $0x1, v0, vm0, $0xb8;
	[tilespmem:$0xA00] =	vst v63  }
0x150: {  	_ = 	snop  }
0x151: {  	[tilespmem:s30], [sflag:$0x1] =	stream.indirect_vreg.gather [hbm4b:s3+s2], $0x1, v62, vm0, $0xb8;
	[tilespmem:$0xA00] =	vst v63  }
0x152: {  	_ = 	snop  }
0x153: {  	[tilespmem:s31], [sflag:$0x1] =	stream.indirect_vreg.gather [hbm4b:s3+s2], $0x1, v63, vm0, $0xb8;
	[tilespmem:$0xA00] =	vst v63  }
0x154: {  	_ =	swait.ge [sflag:s1], $0x10  }
0x155: {  	[sflag:s1] =	ssyncset.done $0x0  }
0x156: {  	[sflag:s1] =	ssyncadd.s32 $0xFFFFFFF0  }
0x157: {  	_ =	swait.ge [sflag:s1], $0x10  }
0x158: {  	[sflag:s1] =	ssyncset.done $0x0  }
0x159: {  	[sflag:s1] =	ssyncadd.s32 $0xFFFFFFF0  }
0x15a: {  	_ =	swait.ge [sflag:s1], $0x10  }
0x15b: {  	[sflag:s1] =	ssyncset.done $0x0  }
0x15c: {  	[sflag:s1] =	ssyncadd.s32 $0xFFFFFFF0  }
0x15d: {  	_ =	swait.ge [sflag:s1], $0x10  }
0x15e: {  	[sflag:s1] =	ssyncset.done $0x0  }
0x15f: {  	[sflag:s1] =	ssyncadd.s32 $0xFFFFFFF0  }
0x160: {  	_ =	swait.ge [sflag:s1], $0x10  }
0x161: {  	[sflag:s1] =	ssyncset.done $0x0  }
0x162: {  	[sflag:s1] =	ssyncadd.s32 $0xFFFFFFF0  }
0x163: {  	_ =	swait.ge [sflag:s1], $0x10  }
0x164: {  	[sflag:s1] =	ssyncset.done $0x0  }
0x165: {  	[sflag:s1] =	ssyncadd.s32 $0xFFFFFFF0  }
0x166: {  	_ =	swait.ge [sflag:s1], $0x10  }
0x167: {  	[sflag:s1] =	ssyncset.done $0x0  }
0x168: {  	[sflag:s1] =	ssyncadd.s32 $0xFFFFFFF0  }
0x169: {  	_ =	swait.ge [sflag:s1], $0x10  }
0x16a: {  	[sflag:s1] =	ssyncset.done $0x0  }
0x16b: {  	[sflag:s1] =	ssyncadd.s32 $0xFFFFFFF0  }
0x16c: {  	_ =	swait.ge [sflag:s1], $0x10  }
0x16d: {  	[sflag:s1] =	ssyncset.done $0x0  }
0x16e: {  	[sflag:s1] =	ssyncadd.s32 $0xFFFFFFF0  }
0x16f: {  	_ =	swait.ge [sflag:s1], $0x10  }
0x170: {  	[sflag:s1] =	ssyncset.done $0x0  }
0x171: {  	[sflag:s1] =	ssyncadd.s32 $0xFFFFFFF0  }
0x172: {  	_ =	swait.ge [sflag:s1], $0x10  }
0x173: {  	[sflag:s1] =	ssyncset.done $0x0  }
0x174: {  	[sflag:s1] =	ssyncadd.s32 $0xFFFFFFF0  }
0x175: {  	_ =	swait.ge [sflag:s1], $0x10  }
0x176: {  	[sflag:s1] =	ssyncset.done $0x0  }
0x177: {  	[sflag:s1] =	ssyncadd.s32 $0xFFFFFFF0  }
0x178: {  	_ =	swait.ge [sflag:s1], $0x10  }
0x179: {  	[sflag:s1] =	ssyncset.done $0x0  }
0x17a: {  	[sflag:s1] =	ssyncadd.s32 $0xFFFFFFF0  }
0x17b: {  	_ =	swait.ge [sflag:s1], $0x10  }
0x17c: {  	[sflag:s1] =	ssyncset.done $0x0  }
0x17d: {  	[sflag:s1] =	ssyncadd.s32 $0xFFFFFFF0  }
0x17e: {  	_ =	swait.ge [sflag:s1], $0x10  }
0x17f: {  	[sflag:s1] =	ssyncset.done $0x0  }
0x180: {  	[sflag:s1] =	ssyncadd.s32 $0xFFFFFFF0  }
0x181: {  	_ =	swait.ge [sflag:s1], $0x10  }
0x182: {  	[sflag:s1] =	ssyncset.done $0x0  }
0x183: {  	[sflag:s1] =	ssyncadd.s32 $0xFFFFFFF0  }
0x184: {  	_ =	swait.ge [sflag:s1], $0x10  }
0x185: {  	[sflag:s1] =	ssyncset.done $0x0  }
0x186: {  	[sflag:s1] =	ssyncadd.s32 $0xFFFFFFF0  }
0x187: {  	_ =	swait.ge [sflag:s1], $0x10  }
0x188: {  	[sflag:s1] =	ssyncset.done $0x0  }
0x189: {  	[sflag:s1] =	ssyncadd.s32 $0xFFFFFFF0  }
0x18a: {  	_ =	swait.ge [sflag:s1], $0x10  }
0x18b: {  	[sflag:s1] =	ssyncset.done $0x0  }
0x18c: {  	[sflag:s1] =	ssyncadd.s32 $0xFFFFFFF0  }
0x18d: {  	_ =	swait.ge [sflag:s1], $0x10  }
0x18e: {  	[sflag:s1] =	ssyncset.done $0x0  }
0x18f: {  	[sflag:s1] =	ssyncadd.s32 $0xFFFFFFF0  }
0x190: {  	_ =	swait.ge [sflag:s1], $0x10  }
0x191: {  	[sflag:s1] =	ssyncset.done $0x0  }
0x192: {  	[sflag:s1] =	ssyncadd.s32 $0xFFFFFFF0  }
0x193: {  	_ =	swait.ge [sflag:s1], $0x10  }
0x194: {  	[sflag:s1] =	ssyncset.done $0x0  }
0x195: {  	[sflag:s1] =	ssyncadd.s32 $0xFFFFFFF0  }
0x196: {  	_ =	swait.ge [sflag:s1], $0x10  }
0x197: {  	[sflag:s1] =	ssyncset.done $0x0  }
0x198: {  	[sflag:s1] =	ssyncadd.s32 $0xFFFFFFF0  }
0x199: {  	_ =	swait.ge [sflag:s1], $0x10  }
0x19a: {  	[sflag:s1] =	ssyncset.done $0x0  }
0x19b: {  	[sflag:s1] =	ssyncadd.s32 $0xFFFFFFF0  }
0x19c: {  	_ =	swait.ge [sflag:s1], $0x10  }
0x19d: {  	[sflag:s1] =	ssyncset.done $0x0  }
0x19e: {  	[sflag:s1] =	ssyncadd.s32 $0xFFFFFFF0  }
0x19f: {  	_ =	swait.ge [sflag:s1], $0x10  }
0x1a0: {  	[sflag:s1] =	ssyncset.done $0x0  }
0x1a1: {  	[sflag:s1] =	ssyncadd.s32 $0xFFFFFFF0  }
0x1a2: {  	_ =	swait.ge [sflag:s1], $0x10  }
0x1a3: {  	[sflag:s1] =	ssyncset.done $0x0  }
0x1a4: {  	[sflag:s1] =	ssyncadd.s32 $0xFFFFFFF0  }
0x1a5: {  	_ =	swait.ge [sflag:s1], $0x10  }
0x1a6: {  	[sflag:s1] =	ssyncset.done $0x0  }
0x1a7: {  	[sflag:s1] =	ssyncadd.s32 $0xFFFFFFF0  }
0x1a8: {  	_ =	swait.ge [sflag:s1], $0x10  }
0x1a9: {  	[sflag:s1] =	ssyncset.done $0x0  }
0x1aa: {  	[sflag:s1] =	ssyncadd.s32 $0xFFFFFFF0  }
0x1ab: {  	_ =	swait.ge [sflag:s1], $0x10  }
0x1ac: {  	[sflag:s1] =	ssyncset.done $0x0  }
0x1ad: {  	[sflag:s1] =	ssyncadd.s32 $0xFFFFFFF0  }
0x1ae: {  	_ =	swait.ge [sflag:s1], $0x10  }
0x1af: {  	[sflag:s1] =	ssyncset.done $0x0  }
0x1b0: {  	[sflag:s1] =	ssyncadd.s32 $0xFFFFFFF0  }
0x1b1: {  	_ =	swait.ge [sflag:s1], $0x10  }
0x1b2: {  	[sflag:s1] =	ssyncset.done $0x0  }
0x1b3: {  	[sflag:s1] =	ssyncadd.s32 $0xFFFFFFF0  }
0x1b4: {  	_ =	swait.ge [sflag:s1], $0x10  }
0x1b5: {  	[sflag:s1] =	ssyncset.done $0x0  }
0x1b6: {  	[sflag:s1] =	ssyncadd.s32 $0xFFFFFFF0  }
0x1b7: {  	_ =	swait.ge [sflag:s1], $0x10  }
0x1b8: {  	[sflag:s1] =	ssyncset.done $0x0  }
0x1b9: {  	[sflag:s1] =	ssyncadd.s32 $0xFFFFFFF0  }
0x1ba: {  	_ =	swait.ge [sflag:s1], $0x10  }
0x1bb: {  	[sflag:s1] =	ssyncset.done $0x0  }
0x1bc: {  	[sflag:s1] =	ssyncadd.s32 $0xFFFFFFF0  }
0x1bd: {  	_ =	swait.ge [sflag:s1], $0x10  }
0x1be: {  	[sflag:s1] =	ssyncset.done $0x0  }
0x1bf: {  	[sflag:s1] =	ssyncadd.s32 $0xFFFFFFF0  }
0x1c0: {  	_ =	swait.ge [sflag:s1], $0x10  }
0x1c1: {  	[sflag:s1] =	ssyncset.done $0x0  }
0x1c2: {  	[sflag:s1] =	ssyncadd.s32 $0xFFFFFFF0  }
0x1c3: {  	_ =	swait.ge [sflag:s1], $0x10  }
0x1c4: {  	[sflag:s1] =	ssyncset.done $0x0  }
0x1c5: {  	[sflag:s1] =	ssyncadd.s32 $0xFFFFFFF0  }
0x1c6: {  	_ =	swait.ge [sflag:s1], $0x10  }
0x1c7: {  	[sflag:s1] =	ssyncset.done $0x0  }
0x1c8: {  	[sflag:s1] =	ssyncadd.s32 $0xFFFFFFF0  }
0x1c9: {  	_ =	swait.ge [sflag:s1], $0x10  }
0x1ca: {  	[sflag:s1] =	ssyncset.done $0x0  }
0x1cb: {  	[sflag:s1] =	ssyncadd.s32 $0xFFFFFFF0  }
0x1cc: {  	_ =	swait.ge [sflag:s1], $0x10  }
0x1cd: {  	[sflag:s1] =	ssyncset.done $0x0  }
0x1ce: {  	[sflag:s1] =	ssyncadd.s32 $0xFFFFFFF0  }
0x1cf: {  	_ =	swait.ge [sflag:s1], $0x10  }
0x1d0: {  	[sflag:s1] =	ssyncset.done $0x0  }
0x1d1: {  	[sflag:s1] =	ssyncadd.s32 $0xFFFFFFF0  }
0x1d2: {  	_ =	swait.ge [sflag:s1], $0x10  }
0x1d3: {  	[sflag:s1] =	ssyncset.done $0x0  }
0x1d4: {  	[sflag:s1] =	ssyncadd.s32 $0xFFFFFFF0  }
0x1d5: {  	_ =	swait.ge [sflag:s1], $0x10  }
0x1d6: {  	[sflag:s1] =	ssyncset.done $0x0  }
0x1d7: {  	[sflag:s1] =	ssyncadd.s32 $0xFFFFFFF0  }
0x1d8: {  	_ =	swait.ge [sflag:s1], $0x10  }
0x1d9: {  	[sflag:s1] =	ssyncset.done $0x0  }
0x1da: {  	[sflag:s1] =	ssyncadd.s32 $0xFFFFFFF0  }
0x1db: {  	_ =	swait.ge [sflag:s1], $0x10  }
0x1dc: {  	[sflag:s1] =	ssyncset.done $0x0  }
0x1dd: {  	[sflag:s1] =	ssyncadd.s32 $0xFFFFFFF0  }
0x1de: {  	_ =	swait.ge [sflag:s1], $0x10  }
0x1df: {  	[sflag:s1] =	ssyncset.done $0x0  }
0x1e0: {  	[sflag:s1] =	ssyncadd.s32 $0xFFFFFFF0  }
0x1e1: {  	_ =	swait.ge [sflag:s1], $0x10  }
0x1e2: {  	[sflag:s1] =	ssyncset.done $0x0  }
0x1e3: {  	[sflag:s1] =	ssyncadd.s32 $0xFFFFFFF0  }
0x1e4: {  	_ =	swait.ge [sflag:s1], $0x10  }
0x1e5: {  	[sflag:s1] =	ssyncset.done $0x0  }
0x1e6: {  	[sflag:s1] =	ssyncadd.s32 $0xFFFFFFF0  }
0x1e7: {  	_ =	swait.ge [sflag:s1], $0x10  }
0x1e8: {  	[sflag:s1] =	ssyncset.done $0x0  }
0x1e9: {  	[sflag:s1] =	ssyncadd.s32 $0xFFFFFFF0  }
0x1ea: {  	_ =	swait.ge [sflag:s1], $0x10  }
0x1eb: {  	[sflag:s1] =	ssyncset.done $0x0  }
0x1ec: {  	[sflag:s1] =	ssyncadd.s32 $0xFFFFFFF0  }
0x1ed: {  	_ =	swait.ge [sflag:s1], $0x10  }
0x1ee: {  	[sflag:s1] =	ssyncset.done $0x0  }
0x1ef: {  	[sflag:s1] =	ssyncadd.s32 $0xFFFFFFF0  }
0x1f0: {  	_ =	swait.ge [sflag:s1], $0x10  }
0x1f1: {  	[sflag:s1] =	ssyncset.done $0x0  }
0x1f2: {  	[sflag:s1] =	ssyncadd.s32 $0xFFFFFFF0  }
0x1f3: {  	_ =	swait.ge [sflag:s1], $0x10  }
0x1f4: {  	[sflag:s1] =	ssyncset.done $0x0  }
0x1f5: {  	[sflag:s1] =	ssyncadd.s32 $0xFFFFFFF0  }
0x1f6: {  	_ =	swait.ge [sflag:s1], $0x10  }
0x1f7: {  	[sflag:s1] =	ssyncset.done $0x0  }
0x1f8: {  	[sflag:s1] =	ssyncadd.s32 $0xFFFFFFF0  }
0x1f9: {  	_ =	swait.ge [sflag:s1], $0x10  }
0x1fa: {  	[sflag:s1] =	ssyncset.done $0x0  }
0x1fb: {  	[sflag:s1] =	ssyncadd.s32 $0xFFFFFFF0  }
0x1fc: {  	_ =	swait.ge [sflag:s1], $0x10  }
0x1fd: {  	[sflag:s1] =	ssyncset.done $0x0  }
0x1fe: {  	[sflag:s1] =	ssyncadd.s32 $0xFFFFFFF0  }
0x1ff: {  	_ =	swait.ge [sflag:s1], $0x10  }
0x200: {  	[sflag:s1] =	ssyncset.done $0x0  }
0x201: {  	[sflag:s1] =	ssyncadd.s32 $0xFFFFFFF0  }
0x202: {  	_ =	swait.ge [sflag:s1], $0x10  }
0x203: {  	[sflag:s1] =	ssyncset.done $0x0  }
0x204: {  	[sflag:s1] =	ssyncadd.s32 $0xFFFFFFF0  }
0x205: {  	_ =	swait.ge [sflag:s1], $0x10  }
0x206: {  	[sflag:s1] =	ssyncset.done $0x0  }
0x207: {  	[sflag:s1] =	ssyncadd.s32 $0xFFFFFFF0  }
0x208: {  	_ =	swait.ge [sflag:s1], $0x10  }
0x209: {  	[sflag:s1] =	ssyncset.done $0x0  }
0x20a: {  	[sflag:s1] =	ssyncadd.s32 $0xFFFFFFF0  }
0x20b: {  	_ =	swait.ge [sflag:s1], $0x10  }
0x20c: {  	[sflag:s1] =	ssyncset.done $0x0  }
0x20d: {  	[sflag:s1] =	ssyncadd.s32 $0xFFFFFFF0  }
0x20e: {  	_ =	swait.ge [sflag:s1], $0x10  }
0x20f: {  	[sflag:s1] =	ssyncset.done $0x0  }
0x210: {  	[sflag:s1] =	ssyncadd.s32 $0xFFFFFFF0  }
0x211: {  	_ =	swait.ge [sflag:s1], $0x10  }
0x212: {  	[sflag:s1] =	ssyncset.done $0x0  }
0x213: {  	[sflag:s1] =	ssyncadd.s32 $0xFFFFFFF0  }
0x214: {  	_ =	swait.ge [sflag:s1], $0x10  }
0x215: {  	[sflag:s1] =	ssyncset.done $0x0  }
0x216: {  	[sflag:s1] =	ssyncadd.s32 $0xFFFFFFF0  }
0x217: {  	_ =	swait.ge [sflag:s1], $0x10  }
0x218: {  	[sflag:s1] =	ssyncset.done $0x0  }
0x219: {  	[sflag:s1] =	ssyncadd.s32 $0xFFFFFFF0  }
0x21a: {  	_ =	swait.ge [sflag:s1], $0x10  }
0x21b: {  	[sflag:s1] =	ssyncset.done $0x0  }
0x21c: {  	[sflag:s1] =	ssyncadd.s32 $0xFFFFFFF0  }
0x21d: {  	_ =	swait.ge [sflag:s1], $0x10  }
0x21e: {  	[sflag:s1] =	ssyncset.done $0x0  }
0x21f: {  	[sflag:s1] =	ssyncadd.s32 $0xFFFFFFF0  }
0x220: {  	_ =	swait.ge [sflag:s1], $0x10  }
0x221: {  	[sflag:s1] =	ssyncset.done $0x0  }
0x222: {  	[sflag:s1] =	ssyncadd.s32 $0xFFFFFFF0  }
0x223: {  	_ =	swait.ge [sflag:s1], $0x10  }
0x224: {  	[sflag:s1] =	ssyncset.done $0x0  }
0x225: {  	[sflag:s1] =	ssyncadd.s32 $0xFFFFFFF0  }
0x226: {  	_ =	swait.ge [sflag:s1], $0x10  }
0x227: {  	[sflag:s1] =	ssyncset.done $0x0  }
0x228: {  	[sflag:s1] =	ssyncadd.s32 $0xFFFFFFF0  }
0x229: {  	_ =	swait.ge [sflag:s1], $0x10  }
0x22a: {  	[sflag:s1] =	ssyncset.done $0x0  }
0x22b: {  	[sflag:s1] =	ssyncadd.s32 $0xFFFFFFF0  }
0x22c: {  	_ =	swait.ge [sflag:s1], $0x10  }
0x22d: {  	[sflag:s1] =	ssyncset.done $0x0  }
0x22e: {  	[sflag:s1] =	ssyncadd.s32 $0xFFFFFFF0  }
0x22f: {  	_ =	swait.ge [sflag:s1], $0x10  }
0x230: {  	[sflag:s1] =	ssyncset.done $0x0  }
0x231: {  	[sflag:s1] =	ssyncadd.s32 $0xFFFFFFF0  }
0x232: {  	_ =	swait.ge [sflag:s1], $0x10  }
0x233: {  	[sflag:s1] =	ssyncset.done $0x0  }
0x234: {  	[sflag:s1] =	ssyncadd.s32 $0xFFFFFFF0  }
0x235: {  	_ =	swait.ge [sflag:s1], $0x10  }
0x236: {  	[sflag:s1] =	ssyncset.done $0x0  }
0x237: {  	[sflag:s1] =	ssyncadd.s32 $0xFFFFFFF0  }
0x238: {  	_ =	swait.ge [sflag:s1], $0x10  }
0x239: {  	[sflag:s1] =	ssyncset.done $0x0  }
0x23a: {  	[sflag:s1] =	ssyncadd.s32 $0xFFFFFFF0  }
0x23b: {  	_ =	swait.ge [sflag:s1], $0x10  }
0x23c: {  	[sflag:s1] =	ssyncset.done $0x0  }
0x23d: {  	[sflag:s1] =	ssyncadd.s32 $0xFFFFFFF0  }
0x23e: {  	_ =	swait.ge [sflag:s1], $0x10  }
0x23f: {  	[sflag:s1] =	ssyncset.done $0x0  }
0x240: {  	[sflag:s1] =	ssyncadd.s32 $0xFFFFFFF0  }
0x241: {  	_ =	swait.ge [sflag:s1], $0x10  }
0x242: {  	[sflag:s1] =	ssyncset.done $0x0  }
0x243: {  	[sflag:s1] =	ssyncadd.s32 $0xFFFFFFF0  }
0x244: {  	_ =	swait.ge [sflag:s1], $0x10  }
0x245: {  	[sflag:s1] =	ssyncset.done $0x0  }
0x246: {  	[sflag:s1] =	ssyncadd.s32 $0xFFFFFFF0  }
0x247: {  	_ =	swait.ge [sflag:s1], $0x10  }
0x248: {  	[sflag:s1] =	ssyncset.done $0x0  }
0x249: {  	[sflag:s1] =	ssyncadd.s32 $0xFFFFFFF0  }
0x24a: {  	_ =	swait.ge [sflag:s1], $0x10  }
0x24b: {  	[sflag:s1] =	ssyncset.done $0x0  }
0x24c: {  	[sflag:s1] =	ssyncadd.s32 $0xFFFFFFF0  }
0x24d: {  	_ =	swait.ge [sflag:s1], $0x10  }
0x24e: {  	[sflag:s1] =	ssyncset.done $0x0  }
0x24f: {  	[sflag:s1] =	ssyncadd.s32 $0xFFFFFFF0  }
0x250: {  	_ =	swait.ge [sflag:s1], $0x10  }
0x251: {  	[sflag:s1] =	ssyncset.done $0x0  }
0x252: {  	[sflag:s1] =	ssyncadd.s32 $0xFFFFFFF0  }
0x253: {  	_ =	swait.ge [sflag:s1], $0x10  }
0x254: {  	[sflag:s1] =	ssyncset.done $0x0  }
0x255: {  	[sflag:s1] =	ssyncadd.s32 $0xFFFFFFF0  }
0x256: {  	_ =	swait.ge [sflag:s1], $0x10  }
0x257: {  	[sflag:s1] =	ssyncset.done $0x0  }
0x258: {  	[sflag:s1] =	ssyncadd.s32 $0xFFFFFFF0  }
0x259: {  	_ =	swait.ge [sflag:s1], $0x10  }
0x25a: {  	[sflag:s1] =	ssyncset.done $0x0  }
0x25b: {  	[sflag:s1] =	ssyncadd.s32 $0xFFFFFFF0  }
0x25c: {  	_ =	swait.ge [sflag:s1], $0x10  }
0x25d: {  	[sflag:s1] =	ssyncset.done $0x0  }
0x25e: {  	[sflag:s1] =	ssyncadd.s32 $0xFFFFFFF0  }
0x25f: {  	_ =	swait.ge [sflag:s1], $0x10  }
0x260: {  	[sflag:s1] =	ssyncset.done $0x0  }
0x261: {  	[sflag:s1] =	ssyncadd.s32 $0xFFFFFFF0  }
0x262: {  	_ =	swait.ge [sflag:s1], $0x10  }
0x263: {  	[sflag:s1] =	ssyncset.done $0x0  }
0x264: {  	[sflag:s1] =	ssyncadd.s32 $0xFFFFFFF0  }
0x265: {  	_ =	swait.ge [sflag:s1], $0x10  }
0x266: {  	[sflag:s1] =	ssyncset.done $0x0  }
0x267: {  	[sflag:s1] =	ssyncadd.s32 $0xFFFFFFF0  }
0x268: {  	_ =	swait.ge [sflag:s1], $0x10  }
0x269: {  	[sflag:s1] =	ssyncset.done $0x0  }
0x26a: {  	[sflag:s1] =	ssyncadd.s32 $0xFFFFFFF0  }
0x26b: {  	_ =	swait.ge [sflag:s1], $0x10  }
0x26c: {  	[sflag:s1] =	ssyncset.done $0x0  }
0x26d: {  	[sflag:s1] =	ssyncadd.s32 $0xFFFFFFF0  }
0x26e: {  	_ =	swait.ge [sflag:s1], $0x10  }
0x26f: {  	[sflag:s1] =	ssyncset.done $0x0  }
0x270: {  	[sflag:s1] =	ssyncadd.s32 $0xFFFFFFF0  }
0x271: {  	_ =	swait.ge [sflag:s1], $0x10  }
0x272: {  	p0 =	sne.s32 s4, $0x1;
	[sflag:s1] =	ssyncset.done $0x0  }
.Ltmp0:
0x273: {  	s7 =	rddreg [dreg:$0x5];
	[sflag:s1] =	ssyncadd.s32 $0xFFFFFFF0;
	(pc) =	sbr.rel @p0 .LBB2_1-.Ltmp0, $4  }
0x274: {  	[hbm4b:s7+s2] =	stream.linear.scatter [tilespmem:s6], [sflag:$0x2], $0x800, $0x38;
	[tilespmem:$0xA00] =	vst v63  }
0x275: {  	_ =	swait.ge [sflag:s5], $0x800  }
0x276: {  	[sflag:s5] =	ssyncset.done $0x0  }
0x277: {  	s4 =	sadd.s32 $0xFFFFFFFF, s4;
	[sflag:s5] =	ssyncadd.s32 $0xFFFFF800  }
0x278: {  	_ =	sfence.sel $0x180000  }
0x279: {  	[bflag:$0x0] =	sbarrier.arrive $0xFFFF  }
0x27a: {  	_ =	strace $0x90000047  }
0x27b: {  	s0 =	stileid.u32;
	[bflag:$0x2] =	sbarrier.arrive $0xFFFF  }
0x27c: {  	p0 =	sne.s32 s0, $0x0;
	s0 =	rddreg [dreg:$0x3]  }
0x27d: {  	s0 =	sadd.s32 @!p0 $0x100000, s0  }
0x27e: {  	[sflag:s0] =	ssyncadd.tile.s32 @!p0 $0x1;
	_ =	shalt  }
.Lfunc_end2:
_tile_overlayer_lowered:
.L_overlay_start_2:
0x27f: {  	(tag) =	ssettag $0x2  }
0x280: {  	s0 =	rddreg [dreg:$0x0];
	s2 =	stileid.u32  }
0x281: {  	s1 =	rddreg [dreg:$0x1];
	p0 =	sne.s32 s2, $0x0  }
0x282: {  	s3 =	rddreg [dreg:$0x2];
	[bflag:$0x3] =	sbarrier.arrive $0xFFFF;
	s2 =	simm.s32 @!p0 $0x1C02  }
0x283: {  	[timem:s3], [sflag:s2] =	dma.local @!p0 [hbm:s0], s1  }
0x284: {  	s0 =	simm.s32 @!p0 $0x2  }
0x285: {  	_ =	swait.ge @!p0 [sflag:s0], s1  }
0x286: {  	s1 =	ssub.s32 @!p0 $0x0, s1;
	[sflag:s0] =	ssyncset.done @!p0 $0x0  }
0x287: {  	[sflag:s0] =	ssyncadd.s32 @!p0 s1  }
0x288: {  	[bflag:$0x3] =	sbarrier.arrive $0xFFFF  }
0x289: {  	_ =	shalt  }

</sc_bundles>
